<compile_context>
chip_gen: v7x
topology: tpu7x:2x2x1
jax: 0.10.2.dev20260603
libtpu: 0.0.44.dev20260713+nightly
codegen_flags: <defaults>
</compile_context>

<pallas_src>
import functools

import jax
import jax.numpy as jnp
from jax import lax
from jax.experimental import pallas as pl
from jax.experimental.pallas import tpu as pltpu
from jax.experimental.pallas import tpu_sc as plsc

N_VERT = 6890
N_PAD = 6912
Q = 16384
B = 512
K = 4
LAT = 64
HID = 128
TW = 128
BIG = 3.0e38



BQ = 512
NCH = N_PAD // 128
_IBIG = 0x7F000000


def _topk_body(qb_ref, vt_ref, idx_ref):
    qb = qb_ref[...]
    v = vt_ref[...]
    qsq = (qb[:, 0:1] * qb[:, 0:1] + qb[:, 1:2] * qb[:, 1:2]
           + qb[:, 2:3] * qb[:, 2:3])
    qbn = -2.0 * qb
    q0 = qbn[:, 0:1]
    q1 = qbn[:, 1:2]
    q2 = qbn[:, 2:3]
    vsq = (v[0:1, :] * v[0:1, :] + v[1:2, :] * v[1:2, :]
           + v[2:3, :] * v[2:3, :])
    big = jnp.full((BQ, 128), BIG, jnp.float32)
    y1 = big
    y2 = big
    y3 = big
    y4 = big
    for c in range(NCH):
        sl = slice(c * 128, (c + 1) * 128)
        x = (vsq[:, sl] + qsq) + q0 * v[0:1, sl]
        x = x + q1 * v[1:2, sl]
        x = x + q2 * v[2:3, sl]
        y = lax.bitcast_convert_type(
            (lax.bitcast_convert_type(x, jnp.int32) & jnp.int32(0x7FFFFFC0))
            | jnp.int32(c), jnp.float32)
        y1n = jnp.minimum(y1, y)
        r = jnp.maximum(y1, y)
        y2n = jnp.minimum(y2, r)
        r2 = jnp.maximum(y2, r)
        y3n = jnp.minimum(y3, r2)
        r3 = jnp.maximum(y3, r2)
        y4 = jnp.minimum(y4, r3)
        y1, y2, y3 = y1n, y2n, y3n
    tw = jnp.concatenate([y1, y2, y3, y4], axis=1)
    lane = lax.broadcasted_iota(jnp.int32, (BQ, 512), 1) & 127
    gidx = (lax.bitcast_convert_type(tw, jnp.int32) & 63) * 128 + lane
    idxs = []
    for _ in range(K):
        m = jnp.min(tw, axis=1, keepdims=True)
        sel = tw == m
        ik = jnp.min(jnp.where(sel, gidx, N_PAD), axis=1, keepdims=True)
        idxs.append(ik)
        chosen = sel & (gidx == ik)
        tw = jnp.where(chosen, BIG, tw)
    idx_ref[...] = jnp.concatenate(
        [jnp.reshape(ik, (1, BQ)) for ik in idxs], axis=0)


def _topk(query_pts, vt, nq):
    grid = nq // BQ
    return pl.pallas_call(
        _topk_body,
        grid=(grid,),
        in_specs=[
            pl.BlockSpec((BQ, 3), lambda i: (i, 0)),
            pl.BlockSpec((3, N_PAD), lambda i: (0, 0)),
        ],
        out_specs=pl.BlockSpec((K, BQ), lambda i: (0, i)),
        out_shape=jax.ShapeDtypeStruct((K, nq), jnp.int32),
    )(query_pts, vt)



_NW = 32
_CHUNK = 512


def _sc_gather(idx_flat, tab, nrows):
    rows_per_w = nrows // _NW
    mesh = plsc.VectorSubcoreMesh(core_axis_name="c", subcore_axis_name="s")

    @functools.partial(
        pl.kernel, mesh=mesh,
        out_type=jax.ShapeDtypeStruct((nrows, TW), jnp.float32),
        scratch_types=[
            pltpu.VMEM((_CHUNK,), jnp.int32),
            pltpu.VMEM((_CHUNK, TW), jnp.float32),
            pltpu.SemaphoreType.DMA,
        ],
    )
    def gather_kernel(idx_hbm, tab_hbm, out_hbm, idx_v, rows_v, sem):
        wid = lax.axis_index("s") * 2 + lax.axis_index("c")
        for c in range(rows_per_w // _CHUNK):
            base = wid * rows_per_w + c * _CHUNK
            pltpu.sync_copy(idx_hbm.at[pl.ds(base, _CHUNK)], idx_v)
            pltpu.async_copy(tab_hbm.at[idx_v], rows_v, sem).wait()
            pltpu.sync_copy(rows_v, out_hbm.at[pl.ds(base, _CHUNK)])

    return gather_kernel(idx_flat, tab)



def _mlp_body(qb_ref, g0_ref, g1_ref, g2_ref, g3_ref, w1f_ref, w1v_ref,
              b1_ref, w2_ref, b2_ref, w3_ref, b3_ref, w4_ref, b4_ref, out_ref):
    qb = qb_ref[...]
    acc = jnp.zeros((B, LAT), jnp.float32)
    invsum = jnp.zeros((B, 1), jnp.float32)
    for g_ref in (g0_ref, g1_ref, g2_ref, g3_ref):
        g = g_ref[...]
        fk = g[:, 0:LAT]
        vk = g[:, LAT:LAT + 3]
        xv = qb - vk
        d2 = (xv[:, 0:1] * xv[:, 0:1] + xv[:, 1:2] * xv[:, 1:2]
              + xv[:, 2:3] * xv[:, 2:3])
        dist = jnp.sqrt(jnp.maximum(d2, 1e-12))
        inv = 1.0 / (dist + 1e-9)
        pre = jnp.dot(fk, w1f_ref[...], preferred_element_type=jnp.float32)
        pre = (pre
               + xv[:, 0:1] * w1v_ref[0:1, :]
               + xv[:, 1:2] * w1v_ref[1:2, :]
               + xv[:, 2:3] * w1v_ref[2:3, :]
               + b1_ref[...])
        h = jnp.maximum(pre, 0.0)
        h = jnp.maximum(jnp.dot(h, w2_ref[...], preferred_element_type=jnp.float32)
                        + b2_ref[...], 0.0)
        h = jnp.maximum(jnp.dot(h, w3_ref[...], preferred_element_type=jnp.float32)
                        + b3_ref[...], 0.0)
        f = jnp.dot(h, w4_ref[...], preferred_element_type=jnp.float32) + b4_ref[...]
        invsum = invsum + inv
        acc = acc + inv * f
    out_ref[...] = acc / invsum


def _mlp(query_pts, gathered, w1f, w1v, b1, W2, b2, W3, b3, W4, b4, nq):
    grid = nq // B
    full = lambda shape: pl.BlockSpec(shape, lambda i: (0,) * len(shape))

    def gspec(k):
        return pl.BlockSpec((B, TW), lambda i, k=k: (k * grid + i, 0))

    return pl.pallas_call(
        _mlp_body,
        grid=(grid,),
        in_specs=[
            pl.BlockSpec((B, 3), lambda i: (i, 0)),
            gspec(0), gspec(1), gspec(2), gspec(3),
            full((LAT, HID)), full((3, HID)), full((1, HID)),
            full((HID, HID)), full((1, HID)),
            full((HID, HID)), full((1, HID)),
            full((HID, LAT)), full((1, LAT)),
        ],
        out_specs=pl.BlockSpec((B, LAT), lambda i: (i, 0)),
        out_shape=jax.ShapeDtypeStruct((nq, LAT), jnp.float32),
    )(query_pts, gathered, gathered, gathered, gathered,
      w1f, w1v, b1.reshape(1, HID), W2, b2.reshape(1, HID),
      W3, b3.reshape(1, HID), W4, b4.reshape(1, LAT))


def kernel(vertex, vertex_features, query_pts, W1, b1, W2, b2, W3, b3, W4, b4):
    pad = N_PAD - N_VERT
    vert_far = jnp.pad(vertex, ((0, pad), (0, 0)), constant_values=1.0e18)
    vt = vert_far.T
    tab = jnp.concatenate(
        [jnp.pad(vertex_features, ((0, pad), (0, 0))),
         jnp.pad(vertex, ((0, pad), (0, 0))),
         jnp.zeros((N_PAD, TW - LAT - 3), jnp.float32)], axis=1)

    nh = Q // 2
    outs = []
    for h in range(2):
        qh = lax.slice_in_dim(query_pts, h * nh, (h + 1) * nh, axis=0)
        idx = _topk(qh, vt, nh)
        gathered = _sc_gather(idx.reshape(nh * K), tab, nh * K)
        outs.append(_mlp(qh, gathered, W1[:LAT, :], W1[LAT:, :],
                         b1, W2, b2, W3, b3, W4, b4, nh))
    return jnp.concatenate(outs, axis=0)

# --- scband reference (transcript-rebuilt; emitter-appended) ---
"""Pipeline reference for scband-feature-net-89386859365071 (READ-ONLY COPY).

The authoritative reference and input builder live on the scoring server;
editing this copy changes nothing except your own understanding.
"""

import jax, jax.numpy as jnp
import numpy as np

K = 4  # knn_num
LAT = 64  # latent_codes_dim
HID = 2 * LAT  # vector_fuse hidden width (latentCode_size * 2)
DIN = LAT + 3  # features + offset vector


def _lin_init(key, fan_in, fan_out):
    s = 1.0 / np.sqrt(fan_in)
    kw, kb = jax.random.split(key)
    W = jax.random.uniform(kw, (fan_in, fan_out), jnp.float32, -s, s)
    b = jax.random.uniform(kb, (fan_out,), jnp.float32, -s, s)
    return W, b


def setup_inputs(seed: int = 0) -> dict:
    key = jax.random.key(seed)
    ks = jax.random.split(key, 8)
    vertex = jax.random.normal(ks[0], (6890, 3), jnp.float32)
    vertex_features = jax.random.normal(ks[1], (6890, LAT), jnp.float32)
    query_pts = jax.random.normal(ks[2], (16384, 3), jnp.float32)
    # vector_fuse = FCBlock(hidden=128, num_hidden_layers=2, in=LAT+3, out=LAT, outermost_linear=True)
    W1, b1 = _lin_init(ks[3], DIN, HID)
    W2, b2 = _lin_init(ks[4], HID, HID)
    W3, b3 = _lin_init(ks[5], HID, HID)
    W4, b4 = _lin_init(ks[6], HID, LAT)
    return {"vertex": vertex, "vertex_features": vertex_features, "query_pts": query_pts,
            "W1": W1, "b1": b1, "W2": W2, "b2": b2, "W3": W3, "b3": b3, "W4": W4, "b4": b4}


def reference(vertex, vertex_features, query_pts, W1, b1, W2, b2, W3, b3, W4, b4):
    # fuse_feature_with_distance: brute-force kNN of query_pts against SMPL vertices
    d2 = jnp.sum((query_pts[:, None, :] - vertex[None, :, :]) ** 2, axis=-1)  # [Q, N]
    dist = jnp.sqrt(jnp.maximum(d2, 1e-12))
    neg_top, k_index = jax.lax.top_k(-dist, K)  # nearest K
    k_dist = -neg_top + 1e-9  # [Q, K]
    inv = 1.0 / k_dist
    k_weight = inv / jnp.sum(jnp.abs(inv), axis=1, keepdims=True)  # F.normalize(p=1, dim=1)
    k_vertices = jnp.take(vertex, k_index, axis=0)  # [Q, K, 3]
    k_nearest_vector = query_pts[:, None, :] - k_vertices  # [Q, K, 3]
    k_nearest_features = jnp.take(vertex_features, k_index, axis=0)  # [Q, K, LAT]
    vector_input = jnp.concatenate([k_nearest_features, k_nearest_vector], axis=-1)  # [Q, K, LAT+3]
    h = jax.nn.relu(vector_input @ W1 + b1)
    h = jax.nn.relu(h @ W2 + b2)
    h = jax.nn.relu(h @ W3 + b3)
    features = h @ W4 + b4  # [Q, K, LAT]
    out = jnp.sum(features * k_weight[:, :, None], axis=1)  # [Q, LAT]
    return out

if __name__ == "__main__":
    import jax
    _d = setup_inputs()
    print(jax.jit(kernel)(*tuple(_d.values())))

</pallas_src>

<mosaic_0001>
#map = affine_map<(d0, d1) -> (0)>
#map1 = affine_map<(d0, d1) -> (0, 0)>
module attributes {stable_mosaic.version = 14 : i64} {
  func.func @gather_kernel(%arg0: i32, %arg1: i32, %arg2: memref<32768xi32, #tpu.memory_space<hbm>>, %arg3: memref<6912x128xf32, #tpu.memory_space<hbm>>, %arg4: memref<32768x128xf32, #tpu.memory_space<hbm>>, %arg5: memref<512xi32, #tpu.memory_space<vmem>>, %arg6: memref<512x128xf32, #tpu.memory_space<vmem>>, %arg7: memref<!tpu.dma_semaphore, #tpu.memory_space<semaphore_mem>>) attributes {dimension_semantics = [#tpu.dimension_semantics<core_parallel>, #tpu.dimension_semantics<subcore_parallel>], iteration_bounds = array<i64: 2, 16>, scalar_prefetch = 0 : i64, scratch_operands = 3 : i64, tpu.core_type = #tpu.core_type<sc_vector_subcore>, window_params = [{transform_indices = #map}, {transform_indices = #map1}, {transform_indices = #map1}]} {
    %mul3A = arith.constant 2 : i32
    %mul3A_0 = arith.muli %arg1, %mul3A : i32
    %add3A = arith.addi %mul3A_0, %arg0 : i32
    %mul3A_1 = arith.constant 1024 : i32
    %mul3A_2 = arith.muli %add3A, %mul3A_1 : i32
    %add3A_3 = arith.constant 0 : i32
    %add3A_4 = arith.addi %mul3A_2, %add3A_3 : i32
    "tpu.region"() ({
      %run_scoped3A = tpu.sem_alloc : memref<!tpu.dma_semaphore, #tpu.memory_space<semaphore_mem>>
      %dma_start3A_19 = tpu.memref_slice %arg2[%add3A_4] : memref<32768xi32, #tpu.memory_space<hbm>> -> memref<512xi32, #tpu.memory_space<hbm>>
      %dma_start3A_20 = tpu.memref_slice %arg2[%add3A_4] : memref<32768xi32, #tpu.memory_space<hbm>> -> memref<512xi32, #tpu.memory_space<hbm>>
      tpu.enqueue_dma source(%dma_start3A_20 : memref<512xi32, #tpu.memory_space<hbm>>) target(%arg5 : memref<512xi32, #tpu.memory_space<vmem>>) target_semaphore(%run_scoped3A : memref<!tpu.dma_semaphore, #tpu.memory_space<semaphore_mem>>)
      %dma_wait3A_21 = tpu.memref_slice %arg2[%add3A_4] : memref<32768xi32, #tpu.memory_space<hbm>> -> memref<512xi32, #tpu.memory_space<hbm>>
      %dma_wait3A_22 = tpu.memref_slice %arg2[%add3A_4] : memref<32768xi32, #tpu.memory_space<hbm>> -> memref<512xi32, #tpu.memory_space<hbm>>
      tpu.wait_dma2 semaphore(%run_scoped3A : memref<!tpu.dma_semaphore, #tpu.memory_space<semaphore_mem>>) src(%dma_wait3A_22 : memref<512xi32, #tpu.memory_space<hbm>>) dst(%arg5 : memref<512xi32, #tpu.memory_space<vmem>>)
      tpu.yield
    }) : () -> ()
    %dma_start3A = arith.constant 0 : i32
    %dma_start3A_5 = arith.constant 0 : i32
    %dma_start3A_6 = tpu.memref_slice %arg3[%dma_start3A, %dma_start3A_5] : memref<6912x128xf32, #tpu.memory_space<hbm>> -> memref<6912x128xf32, #tpu.memory_space<hbm>>
    tpu.enqueue_indirect_dma source(%dma_start3A_6 : memref<6912x128xf32, #tpu.memory_space<hbm>>) target(%arg6 : memref<512x128xf32, #tpu.memory_space<vmem>>) offsets(%arg5 : memref<512xi32, #tpu.memory_space<vmem>>) semaphore(%arg7 : memref<!tpu.dma_semaphore, #tpu.memory_space<semaphore_mem>>)
    %dma_wait3A = arith.constant 0 : i32
    %dma_wait3A_7 = arith.constant 0 : i32
    %dma_wait3A_8 = tpu.memref_slice %arg3[%dma_wait3A, %dma_wait3A_7] : memref<6912x128xf32, #tpu.memory_space<hbm>> -> memref<6912x128xf32, #tpu.memory_space<hbm>>
    tpu.wait_indirect_dma semaphore(%arg7 : memref<!tpu.dma_semaphore, #tpu.memory_space<semaphore_mem>>) src(%dma_wait3A_8 : memref<6912x128xf32, #tpu.memory_space<hbm>>) dst(%arg6 : memref<512x128xf32, #tpu.memory_space<vmem>>)
    "tpu.region"() ({
      %run_scoped3A = tpu.sem_alloc : memref<!tpu.dma_semaphore, #tpu.memory_space<semaphore_mem>>
      %dma_start3A_19 = arith.constant 0 : i32
      %dma_start3A_20 = tpu.memref_slice %arg4[%add3A_4, %dma_start3A_19] : memref<32768x128xf32, #tpu.memory_space<hbm>> -> memref<512x128xf32, #tpu.memory_space<hbm>>
      %dma_start3A_21 = arith.constant 0 : i32
      %dma_start3A_22 = tpu.memref_slice %arg4[%add3A_4, %dma_start3A_21] : memref<32768x128xf32, #tpu.memory_space<hbm>> -> memref<512x128xf32, #tpu.memory_space<hbm>>
      tpu.enqueue_dma source(%arg6 : memref<512x128xf32, #tpu.memory_space<vmem>>) target(%dma_start3A_22 : memref<512x128xf32, #tpu.memory_space<hbm>>) target_semaphore(%run_scoped3A : memref<!tpu.dma_semaphore, #tpu.memory_space<semaphore_mem>>)
      %dma_wait3A_23 = arith.constant 0 : i32
      %dma_wait3A_24 = tpu.memref_slice %arg4[%add3A_4, %dma_wait3A_23] : memref<32768x128xf32, #tpu.memory_space<hbm>> -> memref<512x128xf32, #tpu.memory_space<hbm>>
      %dma_wait3A_25 = arith.constant 0 : i32
      %dma_wait3A_26 = tpu.memref_slice %arg4[%add3A_4, %dma_wait3A_25] : memref<32768x128xf32, #tpu.memory_space<hbm>> -> memref<512x128xf32, #tpu.memory_space<hbm>>
      tpu.wait_dma2 semaphore(%run_scoped3A : memref<!tpu.dma_semaphore, #tpu.memory_space<semaphore_mem>>) src(%arg6 : memref<512x128xf32, #tpu.memory_space<vmem>>) dst(%dma_wait3A_26 : memref<512x128xf32, #tpu.memory_space<hbm>>)
      tpu.yield
    }) : () -> ()
    %mul3A_9 = arith.constant 1024 : i32
    %mul3A_10 = arith.muli %add3A, %mul3A_9 : i32
    %add3A_11 = arith.constant 512 : i32
    %add3A_12 = arith.addi %mul3A_10, %add3A_11 : i32
    "tpu.region"() ({
      %run_scoped3A = tpu.sem_alloc : memref<!tpu.dma_semaphore, #tpu.memory_space<semaphore_mem>>
      %dma_start3A_19 = tpu.memref_slice %arg2[%add3A_12] : memref<32768xi32, #tpu.memory_space<hbm>> -> memref<512xi32, #tpu.memory_space<hbm>>
      %dma_start3A_20 = tpu.memref_slice %arg2[%add3A_12] : memref<32768xi32, #tpu.memory_space<hbm>> -> memref<512xi32, #tpu.memory_space<hbm>>
      tpu.enqueue_dma source(%dma_start3A_20 : memref<512xi32, #tpu.memory_space<hbm>>) target(%arg5 : memref<512xi32, #tpu.memory_space<vmem>>) target_semaphore(%run_scoped3A : memref<!tpu.dma_semaphore, #tpu.memory_space<semaphore_mem>>)
      %dma_wait3A_21 = tpu.memref_slice %arg2[%add3A_12] : memref<32768xi32, #tpu.memory_space<hbm>> -> memref<512xi32, #tpu.memory_space<hbm>>
      %dma_wait3A_22 = tpu.memref_slice %arg2[%add3A_12] : memref<32768xi32, #tpu.memory_space<hbm>> -> memref<512xi32, #tpu.memory_space<hbm>>
      tpu.wait_dma2 semaphore(%run_scoped3A : memref<!tpu.dma_semaphore, #tpu.memory_space<semaphore_mem>>) src(%dma_wait3A_22 : memref<512xi32, #tpu.memory_space<hbm>>) dst(%arg5 : memref<512xi32, #tpu.memory_space<vmem>>)
      tpu.yield
    }) : () -> ()
    %dma_start3A_13 = arith.constant 0 : i32
    %dma_start3A_14 = arith.constant 0 : i32
    %dma_start3A_15 = tpu.memref_slice %arg3[%dma_start3A_13, %dma_start3A_14] : memref<6912x128xf32, #tpu.memory_space<hbm>> -> memref<6912x128xf32, #tpu.memory_space<hbm>>
    tpu.enqueue_indirect_dma source(%dma_start3A_15 : memref<6912x128xf32, #tpu.memory_space<hbm>>) target(%arg6 : memref<512x128xf32, #tpu.memory_space<vmem>>) offsets(%arg5 : memref<512xi32, #tpu.memory_space<vmem>>) semaphore(%arg7 : memref<!tpu.dma_semaphore, #tpu.memory_space<semaphore_mem>>)
    %dma_wait3A_16 = arith.constant 0 : i32
    %dma_wait3A_17 = arith.constant 0 : i32
    %dma_wait3A_18 = tpu.memref_slice %arg3[%dma_wait3A_16, %dma_wait3A_17] : memref<6912x128xf32, #tpu.memory_space<hbm>> -> memref<6912x128xf32, #tpu.memory_space<hbm>>
    tpu.wait_indirect_dma semaphore(%arg7 : memref<!tpu.dma_semaphore, #tpu.memory_space<semaphore_mem>>) src(%dma_wait3A_18 : memref<6912x128xf32, #tpu.memory_space<hbm>>) dst(%arg6 : memref<512x128xf32, #tpu.memory_space<vmem>>)
    "tpu.region"() ({
      %run_scoped3A = tpu.sem_alloc : memref<!tpu.dma_semaphore, #tpu.memory_space<semaphore_mem>>
      %dma_start3A_19 = arith.constant 0 : i32
      %dma_start3A_20 = tpu.memref_slice %arg4[%add3A_12, %dma_start3A_19] : memref<32768x128xf32, #tpu.memory_space<hbm>> -> memref<512x128xf32, #tpu.memory_space<hbm>>
      %dma_start3A_21 = arith.constant 0 : i32
      %dma_start3A_22 = tpu.memref_slice %arg4[%add3A_12, %dma_start3A_21] : memref<32768x128xf32, #tpu.memory_space<hbm>> -> memref<512x128xf32, #tpu.memory_space<hbm>>
      tpu.enqueue_dma source(%arg6 : memref<512x128xf32, #tpu.memory_space<vmem>>) target(%dma_start3A_22 : memref<512x128xf32, #tpu.memory_space<hbm>>) target_semaphore(%run_scoped3A : memref<!tpu.dma_semaphore, #tpu.memory_space<semaphore_mem>>)
      %dma_wait3A_23 = arith.constant 0 : i32
      %dma_wait3A_24 = tpu.memref_slice %arg4[%add3A_12, %dma_wait3A_23] : memref<32768x128xf32, #tpu.memory_space<hbm>> -> memref<512x128xf32, #tpu.memory_space<hbm>>
      %dma_wait3A_25 = arith.constant 0 : i32
      %dma_wait3A_26 = tpu.memref_slice %arg4[%add3A_12, %dma_wait3A_25] : memref<32768x128xf32, #tpu.memory_space<hbm>> -> memref<512x128xf32, #tpu.memory_space<hbm>>
      tpu.wait_dma2 semaphore(%run_scoped3A : memref<!tpu.dma_semaphore, #tpu.memory_space<semaphore_mem>>) src(%arg6 : memref<512x128xf32, #tpu.memory_space<vmem>>) dst(%dma_wait3A_26 : memref<512x128xf32, #tpu.memory_space<hbm>>)
      tpu.yield
    }) : () -> ()
    return
  }
}

#map = affine_map<(d0, d1) -> (0)>
#map1 = affine_map<(d0, d1) -> (0, 0)>
module attributes {stable_mosaic.version = 14 : i64} {
  func.func @gather_kernel(%arg0: i32, %arg1: i32, %arg2: memref<32768xi32, #tpu.memory_space<hbm>>, %arg3: memref<6912x128xf32, #tpu.memory_space<hbm>>, %arg4: memref<32768x128xf32, #tpu.memory_space<hbm>>, %arg5: memref<512xi32, #tpu.memory_space<vmem>>, %arg6: memref<512x128xf32, #tpu.memory_space<vmem>>, %arg7: memref<!tpu.dma_semaphore, #tpu.memory_space<semaphore_mem>>) attributes {dimension_semantics = [#tpu.dimension_semantics<core_parallel>, #tpu.dimension_semantics<subcore_parallel>], iteration_bounds = array<i64: 2, 16>, scalar_prefetch = 0 : i64, scratch_operands = 3 : i64, tpu.core_type = #tpu.core_type<sc_vector_subcore>, window_params = [{transform_indices = #map}, {transform_indices = #map1}, {transform_indices = #map1}]} {
    %mul3A = arith.constant 2 : i32
    %mul3A_0 = arith.muli %arg1, %mul3A : i32
    %add3A = arith.addi %mul3A_0, %arg0 : i32
    %mul3A_1 = arith.constant 1024 : i32
    %mul3A_2 = arith.muli %add3A, %mul3A_1 : i32
    %add3A_3 = arith.constant 0 : i32
    %add3A_4 = arith.addi %mul3A_2, %add3A_3 : i32
    "tpu.region"() ({
      %run_scoped3A = tpu.sem_alloc : memref<!tpu.dma_semaphore, #tpu.memory_space<semaphore_mem>>
      %dma_start3A_19 = tpu.memref_slice %arg2[%add3A_4] : memref<32768xi32, #tpu.memory_space<hbm>> -> memref<512xi32, #tpu.memory_space<hbm>>
      %dma_start3A_20 = tpu.memref_slice %arg2[%add3A_4] : memref<32768xi32, #tpu.memory_space<hbm>> -> memref<512xi32, #tpu.memory_space<hbm>>
      tpu.enqueue_dma source(%dma_start3A_20 : memref<512xi32, #tpu.memory_space<hbm>>) target(%arg5 : memref<512xi32, #tpu.memory_space<vmem>>) target_semaphore(%run_scoped3A : memref<!tpu.dma_semaphore, #tpu.memory_space<semaphore_mem>>)
      %dma_wait3A_21 = tpu.memref_slice %arg2[%add3A_4] : memref<32768xi32, #tpu.memory_space<hbm>> -> memref<512xi32, #tpu.memory_space<hbm>>
      %dma_wait3A_22 = tpu.memref_slice %arg2[%add3A_4] : memref<32768xi32, #tpu.memory_space<hbm>> -> memref<512xi32, #tpu.memory_space<hbm>>
      tpu.wait_dma2 semaphore(%run_scoped3A : memref<!tpu.dma_semaphore, #tpu.memory_space<semaphore_mem>>) src(%dma_wait3A_22 : memref<512xi32, #tpu.memory_space<hbm>>) dst(%arg5 : memref<512xi32, #tpu.memory_space<vmem>>)
      tpu.yield
    }) : () -> ()
    %dma_start3A = arith.constant 0 : i32
    %dma_start3A_5 = arith.constant 0 : i32
    %dma_start3A_6 = tpu.memref_slice %arg3[%dma_start3A, %dma_start3A_5] : memref<6912x128xf32, #tpu.memory_space<hbm>> -> memref<6912x128xf32, #tpu.memory_space<hbm>>
    tpu.enqueue_indirect_dma source(%dma_start3A_6 : memref<6912x128xf32, #tpu.memory_space<hbm>>) target(%arg6 : memref<512x128xf32, #tpu.memory_space<vmem>>) offsets(%arg5 : memref<512xi32, #tpu.memory_space<vmem>>) semaphore(%arg7 : memref<!tpu.dma_semaphore, #tpu.memory_space<semaphore_mem>>)
    %dma_wait3A = arith.constant 0 : i32
    %dma_wait3A_7 = arith.constant 0 : i32
    %dma_wait3A_8 = tpu.memref_slice %arg3[%dma_wait3A, %dma_wait3A_7] : memref<6912x128xf32, #tpu.memory_space<hbm>> -> memref<6912x128xf32, #tpu.memory_space<hbm>>
    tpu.wait_indirect_dma semaphore(%arg7 : memref<!tpu.dma_semaphore, #tpu.memory_space<semaphore_mem>>) src(%dma_wait3A_8 : memref<6912x128xf32, #tpu.memory_space<hbm>>) dst(%arg6 : memref<512x128xf32, #tpu.memory_space<vmem>>)
    "tpu.region"() ({
      %run_scoped3A = tpu.sem_alloc : memref<!tpu.dma_semaphore, #tpu.memory_space<semaphore_mem>>
      %dma_start3A_19 = arith.constant 0 : i32
      %dma_start3A_20 = tpu.memref_slice %arg4[%add3A_4, %dma_start3A_19] : memref<32768x128xf32, #tpu.memory_space<hbm>> -> memref<512x128xf32, #tpu.memory_space<hbm>>
      %dma_start3A_21 = arith.constant 0 : i32
      %dma_start3A_22 = tpu.memref_slice %arg4[%add3A_4, %dma_start3A_21] : memref<32768x128xf32, #tpu.memory_space<hbm>> -> memref<512x128xf32, #tpu.memory_space<hbm>>
      tpu.enqueue_dma source(%arg6 : memref<512x128xf32, #tpu.memory_space<vmem>>) target(%dma_start3A_22 : memref<512x128xf32, #tpu.memory_space<hbm>>) target_semaphore(%run_scoped3A : memref<!tpu.dma_semaphore, #tpu.memory_space<semaphore_mem>>)
      %dma_wait3A_23 = arith.constant 0 : i32
      %dma_wait3A_24 = tpu.memref_slice %arg4[%add3A_4, %dma_wait3A_23] : memref<32768x128xf32, #tpu.memory_space<hbm>> -> memref<512x128xf32, #tpu.memory_space<hbm>>
      %dma_wait3A_25 = arith.constant 0 : i32
      %dma_wait3A_26 = tpu.memref_slice %arg4[%add3A_4, %dma_wait3A_25] : memref<32768x128xf32, #tpu.memory_space<hbm>> -> memref<512x128xf32, #tpu.memory_space<hbm>>
      tpu.wait_dma2 semaphore(%run_scoped3A : memref<!tpu.dma_semaphore, #tpu.memory_space<semaphore_mem>>) src(%arg6 : memref<512x128xf32, #tpu.memory_space<vmem>>) dst(%dma_wait3A_26 : memref<512x128xf32, #tpu.memory_space<hbm>>)
      tpu.yield
    }) : () -> ()
    %mul3A_9 = arith.constant 1024 : i32
    %mul3A_10 = arith.muli %add3A, %mul3A_9 : i32
    %add3A_11 = arith.constant 512 : i32
    %add3A_12 = arith.addi %mul3A_10, %add3A_11 : i32
    "tpu.region"() ({
      %run_scoped3A = tpu.sem_alloc : memref<!tpu.dma_semaphore, #tpu.memory_space<semaphore_mem>>
      %dma_start3A_19 = tpu.memref_slice %arg2[%add3A_12] : memref<32768xi32, #tpu.memory_space<hbm>> -> memref<512xi32, #tpu.memory_space<hbm>>
      %dma_start3A_20 = tpu.memref_slice %arg2[%add3A_12] : memref<32768xi32, #tpu.memory_space<hbm>> -> memref<512xi32, #tpu.memory_space<hbm>>
      tpu.enqueue_dma source(%dma_start3A_20 : memref<512xi32, #tpu.memory_space<hbm>>) target(%arg5 : memref<512xi32, #tpu.memory_space<vmem>>) target_semaphore(%run_scoped3A : memref<!tpu.dma_semaphore, #tpu.memory_space<semaphore_mem>>)
      %dma_wait3A_21 = tpu.memref_slice %arg2[%add3A_12] : memref<32768xi32, #tpu.memory_space<hbm>> -> memref<512xi32, #tpu.memory_space<hbm>>
      %dma_wait3A_22 = tpu.memref_slice %arg2[%add3A_12] : memref<32768xi32, #tpu.memory_space<hbm>> -> memref<512xi32, #tpu.memory_space<hbm>>
      tpu.wait_dma2 semaphore(%run_scoped3A : memref<!tpu.dma_semaphore, #tpu.memory_space<semaphore_mem>>) src(%dma_wait3A_22 : memref<512xi32, #tpu.memory_space<hbm>>) dst(%arg5 : memref<512xi32, #tpu.memory_space<vmem>>)
      tpu.yield
    }) : () -> ()
    %dma_start3A_13 = arith.constant 0 : i32
    %dma_start3A_14 = arith.constant 0 : i32
    %dma_start3A_15 = tpu.memref_slice %arg3[%dma_start3A_13, %dma_start3A_14] : memref<6912x128xf32, #tpu.memory_space<hbm>> -> memref<6912x128xf32, #tpu.memory_space<hbm>>
    tpu.enqueue_indirect_dma source(%dma_start3A_15 : memref<6912x128xf32, #tpu.memory_space<hbm>>) target(%arg6 : memref<512x128xf32, #tpu.memory_space<vmem>>) offsets(%arg5 : memref<512xi32, #tpu.memory_space<vmem>>) semaphore(%arg7 : memref<!tpu.dma_semaphore, #tpu.memory_space<semaphore_mem>>)
    %dma_wait3A_16 = arith.constant 0 : i32
    %dma_wait3A_17 = arith.constant 0 : i32
    %dma_wait3A_18 = tpu.memref_slice %arg3[%dma_wait3A_16, %dma_wait3A_17] : memref<6912x128xf32, #tpu.memory_space<hbm>> -> memref<6912x128xf32, #tpu.memory_space<hbm>>
    tpu.wait_indirect_dma semaphore(%arg7 : memref<!tpu.dma_semaphore, #tpu.memory_space<semaphore_mem>>) src(%dma_wait3A_18 : memref<6912x128xf32, #tpu.memory_space<hbm>>) dst(%arg6 : memref<512x128xf32, #tpu.memory_space<vmem>>)
    "tpu.region"() ({
      %run_scoped3A = tpu.sem_alloc : memref<!tpu.dma_semaphore, #tpu.memory_space<semaphore_mem>>
      %dma_start3A_19 = arith.constant 0 : i32
      %dma_start3A_20 = tpu.memref_slice %arg4[%add3A_12, %dma_start3A_19] : memref<32768x128xf32, #tpu.memory_space<hbm>> -> memref<512x128xf32, #tpu.memory_space<hbm>>
      %dma_start3A_21 = arith.constant 0 : i32
      %dma_start3A_22 = tpu.memref_slice %arg4[%add3A_12, %dma_start3A_21] : memref<32768x128xf32, #tpu.memory_space<hbm>> -> memref<512x128xf32, #tpu.memory_space<hbm>>
      tpu.enqueue_dma source(%arg6 : memref<512x128xf32, #tpu.memory_space<vmem>>) target(%dma_start3A_22 : memref<512x128xf32, #tpu.memory_space<hbm>>) target_semaphore(%run_scoped3A : memref<!tpu.dma_semaphore, #tpu.memory_space<semaphore_mem>>)
      %dma_wait3A_23 = arith.constant 0 : i32
      %dma_wait3A_24 = tpu.memref_slice %arg4[%add3A_12, %dma_wait3A_23] : memref<32768x128xf32, #tpu.memory_space<hbm>> -> memref<512x128xf32, #tpu.memory_space<hbm>>
      %dma_wait3A_25 = arith.constant 0 : i32
      %dma_wait3A_26 = tpu.memref_slice %arg4[%add3A_12, %dma_wait3A_25] : memref<32768x128xf32, #tpu.memory_space<hbm>> -> memref<512x128xf32, #tpu.memory_space<hbm>>
      tpu.wait_dma2 semaphore(%run_scoped3A : memref<!tpu.dma_semaphore, #tpu.memory_space<semaphore_mem>>) src(%arg6 : memref<512x128xf32, #tpu.memory_space<vmem>>) dst(%dma_wait3A_26 : memref<512x128xf32, #tpu.memory_space<hbm>>)
      tpu.yield
    }) : () -> ()
    return
  }
}

module attributes {stable_mosaic.version = 14 : i64} {
  func.func @_topk_body(%arg0: i32, %arg1: memref<512x3xf32, #tpu.memory_space<vmem>>, %arg2: memref<3x6912xf32, #tpu.memory_space<vmem>>, %arg3: memref<4x512xi32, #tpu.memory_space<vmem>>) attributes {dimension_semantics = [#tpu.dimension_semantics<arbitrary>], iteration_bounds = array<i64: 16>, scalar_prefetch = 0 : i64, scratch_operands = 0 : i64, tpu.core_type = #tpu.core_type<tc>, window_params = [{transform_indices = @transform_0, window_bounds = array<i64: 512, 3>}, {pipeline_mode = #tpu.pipeline_mode<synchronous>, transform_indices = @transform_1, window_bounds = array<i64: 3, 6912>}, {transform_indices = @transform_2, window_bounds = array<i64: 4, 512>}]} {
    %get3A = arith.constant 0 : index
    %get3A_0 = arith.constant 0 : index
    %get3A_1 = vector.load %arg1[%get3A, %get3A_0] : memref<512x3xf32, #tpu.memory_space<vmem>>, vector<512x3xf32>
    %get3A_2 = arith.constant 0 : index
    %get3A_3 = arith.constant 0 : index
    %get3A_4 = vector.load %arg2[%get3A_2, %get3A_3] : memref<3x6912xf32, #tpu.memory_space<vmem>>, vector<3x6912xf32>
    %slice3A = vector.extract_strided_slice %get3A_1 {offsets = [0, 0], sizes = [512, 1], strides = [1, 1]} : vector<512x3xf32> to vector<512x1xf32>
    %slice3A_5 = vector.extract_strided_slice %get3A_1 {offsets = [0, 0], sizes = [512, 1], strides = [1, 1]} : vector<512x3xf32> to vector<512x1xf32>
    %mul3A = arith.mulf %slice3A, %slice3A_5 : vector<512x1xf32>
    %slice3A_6 = vector.extract_strided_slice %get3A_1 {offsets = [0, 1], sizes = [512, 1], strides = [1, 1]} : vector<512x3xf32> to vector<512x1xf32>
    %slice3A_7 = vector.extract_strided_slice %get3A_1 {offsets = [0, 1], sizes = [512, 1], strides = [1, 1]} : vector<512x3xf32> to vector<512x1xf32>
    %mul3A_8 = arith.mulf %slice3A_6, %slice3A_7 : vector<512x1xf32>
    %add3A = arith.addf %mul3A, %mul3A_8 : vector<512x1xf32>
    %slice3A_9 = vector.extract_strided_slice %get3A_1 {offsets = [0, 2], sizes = [512, 1], strides = [1, 1]} : vector<512x3xf32> to vector<512x1xf32>
    %slice3A_10 = vector.extract_strided_slice %get3A_1 {offsets = [0, 2], sizes = [512, 1], strides = [1, 1]} : vector<512x3xf32> to vector<512x1xf32>
    %mul3A_11 = arith.mulf %slice3A_9, %slice3A_10 : vector<512x1xf32>
    %add3A_12 = arith.addf %add3A, %mul3A_11 : vector<512x1xf32>
    %mul3A_13 = arith.constant -2.000000e+00 : f32
    %mul3A_14 = vector.broadcast %mul3A_13 : f32 to vector<512x3xf32>
    %mul3A_15 = arith.mulf %mul3A_14, %get3A_1 : vector<512x3xf32>
    %slice3A_16 = vector.extract_strided_slice %mul3A_15 {offsets = [0, 0], sizes = [512, 1], strides = [1, 1]} : vector<512x3xf32> to vector<512x1xf32>
    %slice3A_17 = vector.extract_strided_slice %mul3A_15 {offsets = [0, 1], sizes = [512, 1], strides = [1, 1]} : vector<512x3xf32> to vector<512x1xf32>
    %slice3A_18 = vector.extract_strided_slice %mul3A_15 {offsets = [0, 2], sizes = [512, 1], strides = [1, 1]} : vector<512x3xf32> to vector<512x1xf32>
    %slice3A_19 = vector.extract_strided_slice %get3A_4 {offsets = [0, 0], sizes = [1, 6912], strides = [1, 1]} : vector<3x6912xf32> to vector<1x6912xf32>
    %slice3A_20 = vector.extract_strided_slice %get3A_4 {offsets = [0, 0], sizes = [1, 6912], strides = [1, 1]} : vector<3x6912xf32> to vector<1x6912xf32>
    %mul3A_21 = arith.mulf %slice3A_19, %slice3A_20 : vector<1x6912xf32>
    %slice3A_22 = vector.extract_strided_slice %get3A_4 {offsets = [1, 0], sizes = [1, 6912], strides = [1, 1]} : vector<3x6912xf32> to vector<1x6912xf32>
    %slice3A_23 = vector.extract_strided_slice %get3A_4 {offsets = [1, 0], sizes = [1, 6912], strides = [1, 1]} : vector<3x6912xf32> to vector<1x6912xf32>
    %mul3A_24 = arith.mulf %slice3A_22, %slice3A_23 : vector<1x6912xf32>
    %add3A_25 = arith.addf %mul3A_21, %mul3A_24 : vector<1x6912xf32>
    %slice3A_26 = vector.extract_strided_slice %get3A_4 {offsets = [2, 0], sizes = [1, 6912], strides = [1, 1]} : vector<3x6912xf32> to vector<1x6912xf32>
    %slice3A_27 = vector.extract_strided_slice %get3A_4 {offsets = [2, 0], sizes = [1, 6912], strides = [1, 1]} : vector<3x6912xf32> to vector<1x6912xf32>
    %mul3A_28 = arith.mulf %slice3A_26, %slice3A_27 : vector<1x6912xf32>
    %add3A_29 = arith.addf %add3A_25, %mul3A_28 : vector<1x6912xf32>
    %broadcast_in_dim3A = arith.constant 3.000000e+38 : f32
    %broadcast_in_dim3A_30 = vector.broadcast %broadcast_in_dim3A : f32 to vector<512x128xf32>
    %slice3A_31 = vector.extract_strided_slice %add3A_29 {offsets = [0, 0], sizes = [1, 128], strides = [1, 1]} : vector<1x6912xf32> to vector<1x128xf32>
    %add3A_32 = vector.broadcast %slice3A_31 : vector<1x128xf32> to vector<512x128xf32>
    %add3A_33 = vector.broadcast %add3A_12 : vector<512x1xf32> to vector<512x128xf32>
    %add3A_34 = arith.addf %add3A_32, %add3A_33 : vector<512x128xf32>
    %slice3A_35 = vector.extract_strided_slice %get3A_4 {offsets = [0, 0], sizes = [1, 128], strides = [1, 1]} : vector<3x6912xf32> to vector<1x128xf32>
    %mul3A_36 = vector.broadcast %slice3A_16 : vector<512x1xf32> to vector<512x128xf32>
    %mul3A_37 = vector.broadcast %slice3A_35 : vector<1x128xf32> to vector<512x128xf32>
    %mul3A_38 = arith.mulf %mul3A_36, %mul3A_37 : vector<512x128xf32>
    %add3A_39 = arith.addf %add3A_34, %mul3A_38 : vector<512x128xf32>
    %slice3A_40 = vector.extract_strided_slice %get3A_4 {offsets = [1, 0], sizes = [1, 128], strides = [1, 1]} : vector<3x6912xf32> to vector<1x128xf32>
    %mul3A_41 = vector.broadcast %slice3A_17 : vector<512x1xf32> to vector<512x128xf32>
    %mul3A_42 = vector.broadcast %slice3A_40 : vector<1x128xf32> to vector<512x128xf32>
    %mul3A_43 = arith.mulf %mul3A_41, %mul3A_42 : vector<512x128xf32>
    %add3A_44 = arith.addf %add3A_39, %mul3A_43 : vector<512x128xf32>
    %slice3A_45 = vector.extract_strided_slice %get3A_4 {offsets = [2, 0], sizes = [1, 128], strides = [1, 1]} : vector<3x6912xf32> to vector<1x128xf32>
    %mul3A_46 = vector.broadcast %slice3A_18 : vector<512x1xf32> to vector<512x128xf32>
    %mul3A_47 = vector.broadcast %slice3A_45 : vector<1x128xf32> to vector<512x128xf32>
    %mul3A_48 = arith.mulf %mul3A_46, %mul3A_47 : vector<512x128xf32>
    %add3A_49 = arith.addf %add3A_44, %mul3A_48 : vector<512x128xf32>
    %bitcast_convert_type3A = tpu.bitcast %add3A_49 : vector<512x128xf32> -> vector<512x128xi32>
    %and3A = arith.constant 2147483584 : i32
    %and3A_50 = vector.broadcast %and3A : i32 to vector<512x128xi32>
    %and3A_51 = arith.andi %bitcast_convert_type3A, %and3A_50 : vector<512x128xi32>
    %or3A = arith.constant 0 : i32
    %or3A_52 = vector.broadcast %or3A : i32 to vector<512x128xi32>
    %or3A_53 = arith.ori %and3A_51, %or3A_52 : vector<512x128xi32>
    %bitcast_convert_type3A_54 = tpu.bitcast %or3A_53 : vector<512x128xi32> -> vector<512x128xf32>
    %min3A = arith.minimumf %broadcast_in_dim3A_30, %bitcast_convert_type3A_54 : vector<512x128xf32>
    %max3A = arith.maximumf %broadcast_in_dim3A_30, %bitcast_convert_type3A_54 : vector<512x128xf32>
    %min3A_55 = arith.minimumf %broadcast_in_dim3A_30, %max3A : vector<512x128xf32>
    %max3A_56 = arith.maximumf %broadcast_in_dim3A_30, %max3A : vector<512x128xf32>
    %min3A_57 = arith.minimumf %broadcast_in_dim3A_30, %max3A_56 : vector<512x128xf32>
    %max3A_58 = arith.maximumf %broadcast_in_dim3A_30, %max3A_56 : vector<512x128xf32>
    %min3A_59 = arith.minimumf %broadcast_in_dim3A_30, %max3A_58 : vector<512x128xf32>
    %slice3A_60 = vector.extract_strided_slice %add3A_29 {offsets = [0, 128], sizes = [1, 128], strides = [1, 1]} : vector<1x6912xf32> to vector<1x128xf32>
    %add3A_61 = vector.broadcast %slice3A_60 : vector<1x128xf32> to vector<512x128xf32>
    %add3A_62 = vector.broadcast %add3A_12 : vector<512x1xf32> to vector<512x128xf32>
    %add3A_63 = arith.addf %add3A_61, %add3A_62 : vector<512x128xf32>
    %slice3A_64 = vector.extract_strided_slice %get3A_4 {offsets = [0, 128], sizes = [1, 128], strides = [1, 1]} : vector<3x6912xf32> to vector<1x128xf32>
    %mul3A_65 = vector.broadcast %slice3A_16 : vector<512x1xf32> to vector<512x128xf32>
    %mul3A_66 = vector.broadcast %slice3A_64 : vector<1x128xf32> to vector<512x128xf32>
    %mul3A_67 = arith.mulf %mul3A_65, %mul3A_66 : vector<512x128xf32>
    %add3A_68 = arith.addf %add3A_63, %mul3A_67 : vector<512x128xf32>
    %slice3A_69 = vector.extract_strided_slice %get3A_4 {offsets = [1, 128], sizes = [1, 128], strides = [1, 1]} : vector<3x6912xf32> to vector<1x128xf32>
    %mul3A_70 = vector.broadcast %slice3A_17 : vector<512x1xf32> to vector<512x128xf32>
    %mul3A_71 = vector.broadcast %slice3A_69 : vector<1x128xf32> to vector<512x128xf32>
    %mul3A_72 = arith.mulf %mul3A_70, %mul3A_71 : vector<512x128xf32>
    %add3A_73 = arith.addf %add3A_68, %mul3A_72 : vector<512x128xf32>
    %slice3A_74 = vector.extract_strided_slice %get3A_4 {offsets = [2, 128], sizes = [1, 128], strides = [1, 1]} : vector<3x6912xf32> to vector<1x128xf32>
    %mul3A_75 = vector.broadcast %slice3A_18 : vector<512x1xf32> to vector<512x128xf32>
    %mul3A_76 = vector.broadcast %slice3A_74 : vector<1x128xf32> to vector<512x128xf32>
    %mul3A_77 = arith.mulf %mul3A_75, %mul3A_76 : vector<512x128xf32>
    %add3A_78 = arith.addf %add3A_73, %mul3A_77 : vector<512x128xf32>
    %bitcast_convert_type3A_79 = tpu.bitcast %add3A_78 : vector<512x128xf32> -> vector<512x128xi32>
    %and3A_80 = arith.constant 2147483584 : i32
    %and3A_81 = vector.broadcast %and3A_80 : i32 to vector<512x128xi32>
    %and3A_82 = arith.andi %bitcast_convert_type3A_79, %and3A_81 : vector<512x128xi32>
    %or3A_83 = arith.constant 1 : i32
    %or3A_84 = vector.broadcast %or3A_83 : i32 to vector<512x128xi32>
    %or3A_85 = arith.ori %and3A_82, %or3A_84 : vector<512x128xi32>
    %bitcast_convert_type3A_86 = tpu.bitcast %or3A_85 : vector<512x128xi32> -> vector<512x128xf32>
    %min3A_87 = arith.minimumf %min3A, %bitcast_convert_type3A_86 : vector<512x128xf32>
    %max3A_88 = arith.maximumf %min3A, %bitcast_convert_type3A_86 : vector<512x128xf32>
    %min3A_89 = arith.minimumf %min3A_55, %max3A_88 : vector<512x128xf32>
    %max3A_90 = arith.maximumf %min3A_55, %max3A_88 : vector<512x128xf32>
    %min3A_91 = arith.minimumf %min3A_57, %max3A_90 : vector<512x128xf32>
    %max3A_92 = arith.maximumf %min3A_57, %max3A_90 : vector<512x128xf32>
    %min3A_93 = arith.minimumf %min3A_59, %max3A_92 : vector<512x128xf32>
    %slice3A_94 = vector.extract_strided_slice %add3A_29 {offsets = [0, 256], sizes = [1, 128], strides = [1, 1]} : vector<1x6912xf32> to vector<1x128xf32>
    %add3A_95 = vector.broadcast %slice3A_94 : vector<1x128xf32> to vector<512x128xf32>
    %add3A_96 = vector.broadcast %add3A_12 : vector<512x1xf32> to vector<512x128xf32>
    %add3A_97 = arith.addf %add3A_95, %add3A_96 : vector<512x128xf32>
    %slice3A_98 = vector.extract_strided_slice %get3A_4 {offsets = [0, 256], sizes = [1, 128], strides = [1, 1]} : vector<3x6912xf32> to vector<1x128xf32>
    %mul3A_99 = vector.broadcast %slice3A_16 : vector<512x1xf32> to vector<512x128xf32>
    %mul3A_100 = vector.broadcast %slice3A_98 : vector<1x128xf32> to vector<512x128xf32>
    %mul3A_101 = arith.mulf %mul3A_99, %mul3A_100 : vector<512x128xf32>
    %add3A_102 = arith.addf %add3A_97, %mul3A_101 : vector<512x128xf32>
    %slice3A_103 = vector.extract_strided_slice %get3A_4 {offsets = [1, 256], sizes = [1, 128], strides = [1, 1]} : vector<3x6912xf32> to vector<1x128xf32>
    %mul3A_104 = vector.broadcast %slice3A_17 : vector<512x1xf32> to vector<512x128xf32>
    %mul3A_105 = vector.broadcast %slice3A_103 : vector<1x128xf32> to vector<512x128xf32>
    %mul3A_106 = arith.mulf %mul3A_104, %mul3A_105 : vector<512x128xf32>
    %add3A_107 = arith.addf %add3A_102, %mul3A_106 : vector<512x128xf32>
    %slice3A_108 = vector.extract_strided_slice %get3A_4 {offsets = [2, 256], sizes = [1, 128], strides = [1, 1]} : vector<3x6912xf32> to vector<1x128xf32>
    %mul3A_109 = vector.broadcast %slice3A_18 : vector<512x1xf32> to vector<512x128xf32>
    %mul3A_110 = vector.broadcast %slice3A_108 : vector<1x128xf32> to vector<512x128xf32>
    %mul3A_111 = arith.mulf %mul3A_109, %mul3A_110 : vector<512x128xf32>
    %add3A_112 = arith.addf %add3A_107, %mul3A_111 : vector<512x128xf32>
    %bitcast_convert_type3A_113 = tpu.bitcast %add3A_112 : vector<512x128xf32> -> vector<512x128xi32>
    %and3A_114 = arith.constant 2147483584 : i32
    %and3A_115 = vector.broadcast %and3A_114 : i32 to vector<512x128xi32>
    %and3A_116 = arith.andi %bitcast_convert_type3A_113, %and3A_115 : vector<512x128xi32>
    %or3A_117 = arith.constant 2 : i32
    %or3A_118 = vector.broadcast %or3A_117 : i32 to vector<512x128xi32>
    %or3A_119 = arith.ori %and3A_116, %or3A_118 : vector<512x128xi32>
    %bitcast_convert_type3A_120 = tpu.bitcast %or3A_119 : vector<512x128xi32> -> vector<512x128xf32>
    %min3A_121 = arith.minimumf %min3A_87, %bitcast_convert_type3A_120 : vector<512x128xf32>
    %max3A_122 = arith.maximumf %min3A_87, %bitcast_convert_type3A_120 : vector<512x128xf32>
    %min3A_123 = arith.minimumf %min3A_89, %max3A_122 : vector<512x128xf32>
    %max3A_124 = arith.maximumf %min3A_89, %max3A_122 : vector<512x128xf32>
    %min3A_125 = arith.minimumf %min3A_91, %max3A_124 : vector<512x128xf32>
    %max3A_126 = arith.maximumf %min3A_91, %max3A_124 : vector<512x128xf32>
    %min3A_127 = arith.minimumf %min3A_93, %max3A_126 : vector<512x128xf32>
    %slice3A_128 = vector.extract_strided_slice %add3A_29 {offsets = [0, 384], sizes = [1, 128], strides = [1, 1]} : vector<1x6912xf32> to vector<1x128xf32>
    %add3A_129 = vector.broadcast %slice3A_128 : vector<1x128xf32> to vector<512x128xf32>
    %add3A_130 = vector.broadcast %add3A_12 : vector<512x1xf32> to vector<512x128xf32>
    %add3A_131 = arith.addf %add3A_129, %add3A_130 : vector<512x128xf32>
    %slice3A_132 = vector.extract_strided_slice %get3A_4 {offsets = [0, 384], sizes = [1, 128], strides = [1, 1]} : vector<3x6912xf32> to vector<1x128xf32>
    %mul3A_133 = vector.broadcast %slice3A_16 : vector<512x1xf32> to vector<512x128xf32>
    %mul3A_134 = vector.broadcast %slice3A_132 : vector<1x128xf32> to vector<512x128xf32>
    %mul3A_135 = arith.mulf %mul3A_133, %mul3A_134 : vector<512x128xf32>
    %add3A_136 = arith.addf %add3A_131, %mul3A_135 : vector<512x128xf32>
    %slice3A_137 = vector.extract_strided_slice %get3A_4 {offsets = [1, 384], sizes = [1, 128], strides = [1, 1]} : vector<3x6912xf32> to vector<1x128xf32>
    %mul3A_138 = vector.broadcast %slice3A_17 : vector<512x1xf32> to vector<512x128xf32>
    %mul3A_139 = vector.broadcast %slice3A_137 : vector<1x128xf32> to vector<512x128xf32>
    %mul3A_140 = arith.mulf %mul3A_138, %mul3A_139 : vector<512x128xf32>
    %add3A_141 = arith.addf %add3A_136, %mul3A_140 : vector<512x128xf32>
    %slice3A_142 = vector.extract_strided_slice %get3A_4 {offsets = [2, 384], sizes = [1, 128], strides = [1, 1]} : vector<3x6912xf32> to vector<1x128xf32>
    %mul3A_143 = vector.broadcast %slice3A_18 : vector<512x1xf32> to vector<512x128xf32>
    %mul3A_144 = vector.broadcast %slice3A_142 : vector<1x128xf32> to vector<512x128xf32>
    %mul3A_145 = arith.mulf %mul3A_143, %mul3A_144 : vector<512x128xf32>
    %add3A_146 = arith.addf %add3A_141, %mul3A_145 : vector<512x128xf32>
    %bitcast_convert_type3A_147 = tpu.bitcast %add3A_146 : vector<512x128xf32> -> vector<512x128xi32>
    %and3A_148 = arith.constant 2147483584 : i32
    %and3A_149 = vector.broadcast %and3A_148 : i32 to vector<512x128xi32>
    %and3A_150 = arith.andi %bitcast_convert_type3A_147, %and3A_149 : vector<512x128xi32>
    %or3A_151 = arith.constant 3 : i32
    %or3A_152 = vector.broadcast %or3A_151 : i32 to vector<512x128xi32>
    %or3A_153 = arith.ori %and3A_150, %or3A_152 : vector<512x128xi32>
    %bitcast_convert_type3A_154 = tpu.bitcast %or3A_153 : vector<512x128xi32> -> vector<512x128xf32>
    %min3A_155 = arith.minimumf %min3A_121, %bitcast_convert_type3A_154 : vector<512x128xf32>
    %max3A_156 = arith.maximumf %min3A_121, %bitcast_convert_type3A_154 : vector<512x128xf32>
    %min3A_157 = arith.minimumf %min3A_123, %max3A_156 : vector<512x128xf32>
    %max3A_158 = arith.maximumf %min3A_123, %max3A_156 : vector<512x128xf32>
    %min3A_159 = arith.minimumf %min3A_125, %max3A_158 : vector<512x128xf32>
    %max3A_160 = arith.maximumf %min3A_125, %max3A_158 : vector<512x128xf32>
    %min3A_161 = arith.minimumf %min3A_127, %max3A_160 : vector<512x128xf32>
    %slice3A_162 = vector.extract_strided_slice %add3A_29 {offsets = [0, 512], sizes = [1, 128], strides = [1, 1]} : vector<1x6912xf32> to vector<1x128xf32>
    %add3A_163 = vector.broadcast %slice3A_162 : vector<1x128xf32> to vector<512x128xf32>
    %add3A_164 = vector.broadcast %add3A_12 : vector<512x1xf32> to vector<512x128xf32>
    %add3A_165 = arith.addf %add3A_163, %add3A_164 : vector<512x128xf32>
    %slice3A_166 = vector.extract_strided_slice %get3A_4 {offsets = [0, 512], sizes = [1, 128], strides = [1, 1]} : vector<3x6912xf32> to vector<1x128xf32>
    %mul3A_167 = vector.broadcast %slice3A_16 : vector<512x1xf32> to vector<512x128xf32>
    %mul3A_168 = vector.broadcast %slice3A_166 : vector<1x128xf32> to vector<512x128xf32>
    %mul3A_169 = arith.mulf %mul3A_167, %mul3A_168 : vector<512x128xf32>
    %add3A_170 = arith.addf %add3A_165, %mul3A_169 : vector<512x128xf32>
    %slice3A_171 = vector.extract_strided_slice %get3A_4 {offsets = [1, 512], sizes = [1, 128], strides = [1, 1]} : vector<3x6912xf32> to vector<1x128xf32>
    %mul3A_172 = vector.broadcast %slice3A_17 : vector<512x1xf32> to vector<512x128xf32>
    %mul3A_173 = vector.broadcast %slice3A_171 : vector<1x128xf32> to vector<512x128xf32>
    %mul3A_174 = arith.mulf %mul3A_172, %mul3A_173 : vector<512x128xf32>
    %add3A_175 = arith.addf %add3A_170, %mul3A_174 : vector<512x128xf32>
    %slice3A_176 = vector.extract_strided_slice %get3A_4 {offsets = [2, 512], sizes = [1, 128], strides = [1, 1]} : vector<3x6912xf32> to vector<1x128xf32>
    %mul3A_177 = vector.broadcast %slice3A_18 : vector<512x1xf32> to vector<512x128xf32>
    %mul3A_178 = vector.broadcast %slice3A_176 : vector<1x128xf32> to vector<512x128xf32>
    %mul3A_179 = arith.mulf %mul3A_177, %mul3A_178 : vector<512x128xf32>
    %add3A_180 = arith.addf %add3A_175, %mul3A_179 : vector<512x128xf32>
    %bitcast_convert_type3A_181 = tpu.bitcast %add3A_180 : vector<512x128xf32> -> vector<512x128xi32>
    %and3A_182 = arith.constant 2147483584 : i32
    %and3A_183 = vector.broadcast %and3A_182 : i32 to vector<512x128xi32>
    %and3A_184 = arith.andi %bitcast_convert_type3A_181, %and3A_183 : vector<512x128xi32>
    %or3A_185 = arith.constant 4 : i32
    %or3A_186 = vector.broadcast %or3A_185 : i32 to vector<512x128xi32>
    %or3A_187 = arith.ori %and3A_184, %or3A_186 : vector<512x128xi32>
    %bitcast_convert_type3A_188 = tpu.bitcast %or3A_187 : vector<512x128xi32> -> vector<512x128xf32>
    %min3A_189 = arith.minimumf %min3A_155, %bitcast_convert_type3A_188 : vector<512x128xf32>
    %max3A_190 = arith.maximumf %min3A_155, %bitcast_convert_type3A_188 : vector<512x128xf32>
    %min3A_191 = arith.minimumf %min3A_157, %max3A_190 : vector<512x128xf32>
    %max3A_192 = arith.maximumf %min3A_157, %max3A_190 : vector<512x128xf32>
    %min3A_193 = arith.minimumf %min3A_159, %max3A_192 : vector<512x128xf32>
    %max3A_194 = arith.maximumf %min3A_159, %max3A_192 : vector<512x128xf32>
    %min3A_195 = arith.minimumf %min3A_161, %max3A_194 : vector<512x128xf32>
    %slice3A_196 = vector.extract_strided_slice %add3A_29 {offsets = [0, 640], sizes = [1, 128], strides = [1, 1]} : vector<1x6912xf32> to vector<1x128xf32>
    %add3A_197 = vector.broadcast %slice3A_196 : vector<1x128xf32> to vector<512x128xf32>
    %add3A_198 = vector.broadcast %add3A_12 : vector<512x1xf32> to vector<512x128xf32>
    %add3A_199 = arith.addf %add3A_197, %add3A_198 : vector<512x128xf32>
    %slice3A_200 = vector.extract_strided_slice %get3A_4 {offsets = [0, 640], sizes = [1, 128], strides = [1, 1]} : vector<3x6912xf32> to vector<1x128xf32>
    %mul3A_201 = vector.broadcast %slice3A_16 : vector<512x1xf32> to vector<512x128xf32>
    %mul3A_202 = vector.broadcast %slice3A_200 : vector<1x128xf32> to vector<512x128xf32>
    %mul3A_203 = arith.mulf %mul3A_201, %mul3A_202 : vector<512x128xf32>
    %add3A_204 = arith.addf %add3A_199, %mul3A_203 : vector<512x128xf32>
    %slice3A_205 = vector.extract_strided_slice %get3A_4 {offsets = [1, 640], sizes = [1, 128], strides = [1, 1]} : vector<3x6912xf32> to vector<1x128xf32>
    %mul3A_206 = vector.broadcast %slice3A_17 : vector<512x1xf32> to vector<512x128xf32>
    %mul3A_207 = vector.broadcast %slice3A_205 : vector<1x128xf32> to vector<512x128xf32>
    %mul3A_208 = arith.mulf %mul3A_206, %mul3A_207 : vector<512x128xf32>
    %add3A_209 = arith.addf %add3A_204, %mul3A_208 : vector<512x128xf32>
    %slice3A_210 = vector.extract_strided_slice %get3A_4 {offsets = [2, 640], sizes = [1, 128], strides = [1, 1]} : vector<3x6912xf32> to vector<1x128xf32>
    %mul3A_211 = vector.broadcast %slice3A_18 : vector<512x1xf32> to vector<512x128xf32>
    %mul3A_212 = vector.broadcast %slice3A_210 : vector<1x128xf32> to vector<512x128xf32>
    %mul3A_213 = arith.mulf %mul3A_211, %mul3A_212 : vector<512x128xf32>
    %add3A_214 = arith.addf %add3A_209, %mul3A_213 : vector<512x128xf32>
    %bitcast_convert_type3A_215 = tpu.bitcast %add3A_214 : vector<512x128xf32> -> vector<512x128xi32>
    %and3A_216 = arith.constant 2147483584 : i32
    %and3A_217 = vector.broadcast %and3A_216 : i32 to vector<512x128xi32>
    %and3A_218 = arith.andi %bitcast_convert_type3A_215, %and3A_217 : vector<512x128xi32>
    %or3A_219 = arith.constant 5 : i32
    %or3A_220 = vector.broadcast %or3A_219 : i32 to vector<512x128xi32>
    %or3A_221 = arith.ori %and3A_218, %or3A_220 : vector<512x128xi32>
    %bitcast_convert_type3A_222 = tpu.bitcast %or3A_221 : vector<512x128xi32> -> vector<512x128xf32>
    %min3A_223 = arith.minimumf %min3A_189, %bitcast_convert_type3A_222 : vector<512x128xf32>
    %max3A_224 = arith.maximumf %min3A_189, %bitcast_convert_type3A_222 : vector<512x128xf32>
    %min3A_225 = arith.minimumf %min3A_191, %max3A_224 : vector<512x128xf32>
    %max3A_226 = arith.maximumf %min3A_191, %max3A_224 : vector<512x128xf32>
    %min3A_227 = arith.minimumf %min3A_193, %max3A_226 : vector<512x128xf32>
    %max3A_228 = arith.maximumf %min3A_193, %max3A_226 : vector<512x128xf32>
    %min3A_229 = arith.minimumf %min3A_195, %max3A_228 : vector<512x128xf32>
    %slice3A_230 = vector.extract_strided_slice %add3A_29 {offsets = [0, 768], sizes = [1, 128], strides = [1, 1]} : vector<1x6912xf32> to vector<1x128xf32>
    %add3A_231 = vector.broadcast %slice3A_230 : vector<1x128xf32> to vector<512x128xf32>
    %add3A_232 = vector.broadcast %add3A_12 : vector<512x1xf32> to vector<512x128xf32>
    %add3A_233 = arith.addf %add3A_231, %add3A_232 : vector<512x128xf32>
    %slice3A_234 = vector.extract_strided_slice %get3A_4 {offsets = [0, 768], sizes = [1, 128], strides = [1, 1]} : vector<3x6912xf32> to vector<1x128xf32>
    %mul3A_235 = vector.broadcast %slice3A_16 : vector<512x1xf32> to vector<512x128xf32>
    %mul3A_236 = vector.broadcast %slice3A_234 : vector<1x128xf32> to vector<512x128xf32>
    %mul3A_237 = arith.mulf %mul3A_235, %mul3A_236 : vector<512x128xf32>
    %add3A_238 = arith.addf %add3A_233, %mul3A_237 : vector<512x128xf32>
    %slice3A_239 = vector.extract_strided_slice %get3A_4 {offsets = [1, 768], sizes = [1, 128], strides = [1, 1]} : vector<3x6912xf32> to vector<1x128xf32>
    %mul3A_240 = vector.broadcast %slice3A_17 : vector<512x1xf32> to vector<512x128xf32>
    %mul3A_241 = vector.broadcast %slice3A_239 : vector<1x128xf32> to vector<512x128xf32>
    %mul3A_242 = arith.mulf %mul3A_240, %mul3A_241 : vector<512x128xf32>
    %add3A_243 = arith.addf %add3A_238, %mul3A_242 : vector<512x128xf32>
    %slice3A_244 = vector.extract_strided_slice %get3A_4 {offsets = [2, 768], sizes = [1, 128], strides = [1, 1]} : vector<3x6912xf32> to vector<1x128xf32>
    %mul3A_245 = vector.broadcast %slice3A_18 : vector<512x1xf32> to vector<512x128xf32>
    %mul3A_246 = vector.broadcast %slice3A_244 : vector<1x128xf32> to vector<512x128xf32>
    %mul3A_247 = arith.mulf %mul3A_245, %mul3A_246 : vector<512x128xf32>
    %add3A_248 = arith.addf %add3A_243, %mul3A_247 : vector<512x128xf32>
    %bitcast_convert_type3A_249 = tpu.bitcast %add3A_248 : vector<512x128xf32> -> vector<512x128xi32>
    %and3A_250 = arith.constant 2147483584 : i32
    %and3A_251 = vector.broadcast %and3A_250 : i32 to vector<512x128xi32>
    %and3A_252 = arith.andi %bitcast_convert_type3A_249, %and3A_251 : vector<512x128xi32>
    %or3A_253 = arith.constant 6 : i32
    %or3A_254 = vector.broadcast %or3A_253 : i32 to vector<512x128xi32>
    %or3A_255 = arith.ori %and3A_252, %or3A_254 : vector<512x128xi32>
    %bitcast_convert_type3A_256 = tpu.bitcast %or3A_255 : vector<512x128xi32> -> vector<512x128xf32>
    %min3A_257 = arith.minimumf %min3A_223, %bitcast_convert_type3A_256 : vector<512x128xf32>
    %max3A_258 = arith.maximumf %min3A_223, %bitcast_convert_type3A_256 : vector<512x128xf32>
    %min3A_259 = arith.minimumf %min3A_225, %max3A_258 : vector<512x128xf32>
    %max3A_260 = arith.maximumf %min3A_225, %max3A_258 : vector<512x128xf32>
    %min3A_261 = arith.minimumf %min3A_227, %max3A_260 : vector<512x128xf32>
    %max3A_262 = arith.maximumf %min3A_227, %max3A_260 : vector<512x128xf32>
    %min3A_263 = arith.minimumf %min3A_229, %max3A_262 : vector<512x128xf32>
    %slice3A_264 = vector.extract_strided_slice %add3A_29 {offsets = [0, 896], sizes = [1, 128], strides = [1, 1]} : vector<1x6912xf32> to vector<1x128xf32>
    %add3A_265 = vector.broadcast %slice3A_264 : vector<1x128xf32> to vector<512x128xf32>
    %add3A_266 = vector.broadcast %add3A_12 : vector<512x1xf32> to vector<512x128xf32>
    %add3A_267 = arith.addf %add3A_265, %add3A_266 : vector<512x128xf32>
    %slice3A_268 = vector.extract_strided_slice %get3A_4 {offsets = [0, 896], sizes = [1, 128], strides = [1, 1]} : vector<3x6912xf32> to vector<1x128xf32>
    %mul3A_269 = vector.broadcast %slice3A_16 : vector<512x1xf32> to vector<512x128xf32>
    %mul3A_270 = vector.broadcast %slice3A_268 : vector<1x128xf32> to vector<512x128xf32>
    %mul3A_271 = arith.mulf %mul3A_269, %mul3A_270 : vector<512x128xf32>
    %add3A_272 = arith.addf %add3A_267, %mul3A_271 : vector<512x128xf32>
    %slice3A_273 = vector.extract_strided_slice %get3A_4 {offsets = [1, 896], sizes = [1, 128], strides = [1, 1]} : vector<3x6912xf32> to vector<1x128xf32>
    %mul3A_274 = vector.broadcast %slice3A_17 : vector<512x1xf32> to vector<512x128xf32>
    %mul3A_275 = vector.broadcast %slice3A_273 : vector<1x128xf32> to vector<512x128xf32>
    %mul3A_276 = arith.mulf %mul3A_274, %mul3A_275 : vector<512x128xf32>
    %add3A_277 = arith.addf %add3A_272, %mul3A_276 : vector<512x128xf32>
    %slice3A_278 = vector.extract_strided_slice %get3A_4 {offsets = [2, 896], sizes = [1, 128], strides = [1, 1]} : vector<3x6912xf32> to vector<1x128xf32>
    %mul3A_279 = vector.broadcast %slice3A_18 : vector<512x1xf32> to vector<512x128xf32>
    %mul3A_280 = vector.broadcast %slice3A_278 : vector<1x128xf32> to vector<512x128xf32>
    %mul3A_281 = arith.mulf %mul3A_279, %mul3A_280 : vector<512x128xf32>
    %add3A_282 = arith.addf %add3A_277, %mul3A_281 : vector<512x128xf32>
    %bitcast_convert_type3A_283 = tpu.bitcast %add3A_282 : vector<512x128xf32> -> vector<512x128xi32>
    %and3A_284 = arith.constant 2147483584 : i32
    %and3A_285 = vector.broadcast %and3A_284 : i32 to vector<512x128xi32>
    %and3A_286 = arith.andi %bitcast_convert_type3A_283, %and3A_285 : vector<512x128xi32>
    %or3A_287 = arith.constant 7 : i32
    %or3A_288 = vector.broadcast %or3A_287 : i32 to vector<512x128xi32>
    %or3A_289 = arith.ori %and3A_286, %or3A_288 : vector<512x128xi32>
    %bitcast_convert_type3A_290 = tpu.bitcast %or3A_289 : vector<512x128xi32> -> vector<512x128xf32>
    %min3A_291 = arith.minimumf %min3A_257, %bitcast_convert_type3A_290 : vector<512x128xf32>
    %max3A_292 = arith.maximumf %min3A_257, %bitcast_convert_type3A_290 : vector<512x128xf32>
    %min3A_293 = arith.minimumf %min3A_259, %max3A_292 : vector<512x128xf32>
    %max3A_294 = arith.maximumf %min3A_259, %max3A_292 : vector<512x128xf32>
    %min3A_295 = arith.minimumf %min3A_261, %max3A_294 : vector<512x128xf32>
    %max3A_296 = arith.maximumf %min3A_261, %max3A_294 : vector<512x128xf32>
    %min3A_297 = arith.minimumf %min3A_263, %max3A_296 : vector<512x128xf32>
    %slice3A_298 = vector.extract_strided_slice %add3A_29 {offsets = [0, 1024], sizes = [1, 128], strides = [1, 1]} : vector<1x6912xf32> to vector<1x128xf32>
    %add3A_299 = vector.broadcast %slice3A_298 : vector<1x128xf32> to vector<512x128xf32>
    %add3A_300 = vector.broadcast %add3A_12 : vector<512x1xf32> to vector<512x128xf32>
    %add3A_301 = arith.addf %add3A_299, %add3A_300 : vector<512x128xf32>
    %slice3A_302 = vector.extract_strided_slice %get3A_4 {offsets = [0, 1024], sizes = [1, 128], strides = [1, 1]} : vector<3x6912xf32> to vector<1x128xf32>
    %mul3A_303 = vector.broadcast %slice3A_16 : vector<512x1xf32> to vector<512x128xf32>
    %mul3A_304 = vector.broadcast %slice3A_302 : vector<1x128xf32> to vector<512x128xf32>
    %mul3A_305 = arith.mulf %mul3A_303, %mul3A_304 : vector<512x128xf32>
    %add3A_306 = arith.addf %add3A_301, %mul3A_305 : vector<512x128xf32>
    %slice3A_307 = vector.extract_strided_slice %get3A_4 {offsets = [1, 1024], sizes = [1, 128], strides = [1, 1]} : vector<3x6912xf32> to vector<1x128xf32>
    %mul3A_308 = vector.broadcast %slice3A_17 : vector<512x1xf32> to vector<512x128xf32>
    %mul3A_309 = vector.broadcast %slice3A_307 : vector<1x128xf32> to vector<512x128xf32>
    %mul3A_310 = arith.mulf %mul3A_308, %mul3A_309 : vector<512x128xf32>
    %add3A_311 = arith.addf %add3A_306, %mul3A_310 : vector<512x128xf32>
    %slice3A_312 = vector.extract_strided_slice %get3A_4 {offsets = [2, 1024], sizes = [1, 128], strides = [1, 1]} : vector<3x6912xf32> to vector<1x128xf32>
    %mul3A_313 = vector.broadcast %slice3A_18 : vector<512x1xf32> to vector<512x128xf32>
    %mul3A_314 = vector.broadcast %slice3A_312 : vector<1x128xf32> to vector<512x128xf32>
    %mul3A_315 = arith.mulf %mul3A_313, %mul3A_314 : vector<512x128xf32>
    %add3A_316 = arith.addf %add3A_311, %mul3A_315 : vector<512x128xf32>
    %bitcast_convert_type3A_317 = tpu.bitcast %add3A_316 : vector<512x128xf32> -> vector<512x128xi32>
    %and3A_318 = arith.constant 2147483584 : i32
    %and3A_319 = vector.broadcast %and3A_318 : i32 to vector<512x128xi32>
    %and3A_320 = arith.andi %bitcast_convert_type3A_317, %and3A_319 : vector<512x128xi32>
    %or3A_321 = arith.constant 8 : i32
    %or3A_322 = vector.broadcast %or3A_321 : i32 to vector<512x128xi32>
    %or3A_323 = arith.ori %and3A_320, %or3A_322 : vector<512x128xi32>
    %bitcast_convert_type3A_324 = tpu.bitcast %or3A_323 : vector<512x128xi32> -> vector<512x128xf32>
    %min3A_325 = arith.minimumf %min3A_291, %bitcast_convert_type3A_324 : vector<512x128xf32>
    %max3A_326 = arith.maximumf %min3A_291, %bitcast_convert_type3A_324 : vector<512x128xf32>
    %min3A_327 = arith.minimumf %min3A_293, %max3A_326 : vector<512x128xf32>
    %max3A_328 = arith.maximumf %min3A_293, %max3A_326 : vector<512x128xf32>
    %min3A_329 = arith.minimumf %min3A_295, %max3A_328 : vector<512x128xf32>
    %max3A_330 = arith.maximumf %min3A_295, %max3A_328 : vector<512x128xf32>
    %min3A_331 = arith.minimumf %min3A_297, %max3A_330 : vector<512x128xf32>
    %slice3A_332 = vector.extract_strided_slice %add3A_29 {offsets = [0, 1152], sizes = [1, 128], strides = [1, 1]} : vector<1x6912xf32> to vector<1x128xf32>
    %add3A_333 = vector.broadcast %slice3A_332 : vector<1x128xf32> to vector<512x128xf32>
    %add3A_334 = vector.broadcast %add3A_12 : vector<512x1xf32> to vector<512x128xf32>
    %add3A_335 = arith.addf %add3A_333, %add3A_334 : vector<512x128xf32>
    %slice3A_336 = vector.extract_strided_slice %get3A_4 {offsets = [0, 1152], sizes = [1, 128], strides = [1, 1]} : vector<3x6912xf32> to vector<1x128xf32>
    %mul3A_337 = vector.broadcast %slice3A_16 : vector<512x1xf32> to vector<512x128xf32>
    %mul3A_338 = vector.broadcast %slice3A_336 : vector<1x128xf32> to vector<512x128xf32>
    %mul3A_339 = arith.mulf %mul3A_337, %mul3A_338 : vector<512x128xf32>
    %add3A_340 = arith.addf %add3A_335, %mul3A_339 : vector<512x128xf32>
    %slice3A_341 = vector.extract_strided_slice %get3A_4 {offsets = [1, 1152], sizes = [1, 128], strides = [1, 1]} : vector<3x6912xf32> to vector<1x128xf32>
    %mul3A_342 = vector.broadcast %slice3A_17 : vector<512x1xf32> to vector<512x128xf32>
    %mul3A_343 = vector.broadcast %slice3A_341 : vector<1x128xf32> to vector<512x128xf32>
    %mul3A_344 = arith.mulf %mul3A_342, %mul3A_343 : vector<512x128xf32>
    %add3A_345 = arith.addf %add3A_340, %mul3A_344 : vector<512x128xf32>
    %slice3A_346 = vector.extract_strided_slice %get3A_4 {offsets = [2, 1152], sizes = [1, 128], strides = [1, 1]} : vector<3x6912xf32> to vector<1x128xf32>
    %mul3A_347 = vector.broadcast %slice3A_18 : vector<512x1xf32> to vector<512x128xf32>
    %mul3A_348 = vector.broadcast %slice3A_346 : vector<1x128xf32> to vector<512x128xf32>
    %mul3A_349 = arith.mulf %mul3A_347, %mul3A_348 : vector<512x128xf32>
    %add3A_350 = arith.addf %add3A_345, %mul3A_349 : vector<512x128xf32>
    %bitcast_convert_type3A_351 = tpu.bitcast %add3A_350 : vector<512x128xf32> -> vector<512x128xi32>
    %and3A_352 = arith.constant 2147483584 : i32
    %and3A_353 = vector.broadcast %and3A_352 : i32 to vector<512x128xi32>
    %and3A_354 = arith.andi %bitcast_convert_type3A_351, %and3A_353 : vector<512x128xi32>
    %or3A_355 = arith.constant 9 : i32
    %or3A_356 = vector.broadcast %or3A_355 : i32 to vector<512x128xi32>
    %or3A_357 = arith.ori %and3A_354, %or3A_356 : vector<512x128xi32>
    %bitcast_convert_type3A_358 = tpu.bitcast %or3A_357 : vector<512x128xi32> -> vector<512x128xf32>
    %min3A_359 = arith.minimumf %min3A_325, %bitcast_convert_type3A_358 : vector<512x128xf32>
    %max3A_360 = arith.maximumf %min3A_325, %bitcast_convert_type3A_358 : vector<512x128xf32>
    %min3A_361 = arith.minimumf %min3A_327, %max3A_360 : vector<512x128xf32>
    %max3A_362 = arith.maximumf %min3A_327, %max3A_360 : vector<512x128xf32>
    %min3A_363 = arith.minimumf %min3A_329, %max3A_362 : vector<512x128xf32>
    %max3A_364 = arith.maximumf %min3A_329, %max3A_362 : vector<512x128xf32>
    %min3A_365 = arith.minimumf %min3A_331, %max3A_364 : vector<512x128xf32>
    %slice3A_366 = vector.extract_strided_slice %add3A_29 {offsets = [0, 1280], sizes = [1, 128], strides = [1, 1]} : vector<1x6912xf32> to vector<1x128xf32>
    %add3A_367 = vector.broadcast %slice3A_366 : vector<1x128xf32> to vector<512x128xf32>
    %add3A_368 = vector.broadcast %add3A_12 : vector<512x1xf32> to vector<512x128xf32>
    %add3A_369 = arith.addf %add3A_367, %add3A_368 : vector<512x128xf32>
    %slice3A_370 = vector.extract_strided_slice %get3A_4 {offsets = [0, 1280], sizes = [1, 128], strides = [1, 1]} : vector<3x6912xf32> to vector<1x128xf32>
    %mul3A_371 = vector.broadcast %slice3A_16 : vector<512x1xf32> to vector<512x128xf32>
    %mul3A_372 = vector.broadcast %slice3A_370 : vector<1x128xf32> to vector<512x128xf32>
    %mul3A_373 = arith.mulf %mul3A_371, %mul3A_372 : vector<512x128xf32>
    %add3A_374 = arith.addf %add3A_369, %mul3A_373 : vector<512x128xf32>
    %slice3A_375 = vector.extract_strided_slice %get3A_4 {offsets = [1, 1280], sizes = [1, 128], strides = [1, 1]} : vector<3x6912xf32> to vector<1x128xf32>
    %mul3A_376 = vector.broadcast %slice3A_17 : vector<512x1xf32> to vector<512x128xf32>
    %mul3A_377 = vector.broadcast %slice3A_375 : vector<1x128xf32> to vector<512x128xf32>
    %mul3A_378 = arith.mulf %mul3A_376, %mul3A_377 : vector<512x128xf32>
    %add3A_379 = arith.addf %add3A_374, %mul3A_378 : vector<512x128xf32>
    %slice3A_380 = vector.extract_strided_slice %get3A_4 {offsets = [2, 1280], sizes = [1, 128], strides = [1, 1]} : vector<3x6912xf32> to vector<1x128xf32>
    %mul3A_381 = vector.broadcast %slice3A_18 : vector<512x1xf32> to vector<512x128xf32>
    %mul3A_382 = vector.broadcast %slice3A_380 : vector<1x128xf32> to vector<512x128xf32>
    %mul3A_383 = arith.mulf %mul3A_381, %mul3A_382 : vector<512x128xf32>
    %add3A_384 = arith.addf %add3A_379, %mul3A_383 : vector<512x128xf32>
    %bitcast_convert_type3A_385 = tpu.bitcast %add3A_384 : vector<512x128xf32> -> vector<512x128xi32>
    %and3A_386 = arith.constant 2147483584 : i32
    %and3A_387 = vector.broadcast %and3A_386 : i32 to vector<512x128xi32>
    %and3A_388 = arith.andi %bitcast_convert_type3A_385, %and3A_387 : vector<512x128xi32>
    %or3A_389 = arith.constant 10 : i32
    %or3A_390 = vector.broadcast %or3A_389 : i32 to vector<512x128xi32>
    %or3A_391 = arith.ori %and3A_388, %or3A_390 : vector<512x128xi32>
    %bitcast_convert_type3A_392 = tpu.bitcast %or3A_391 : vector<512x128xi32> -> vector<512x128xf32>
    %min3A_393 = arith.minimumf %min3A_359, %bitcast_convert_type3A_392 : vector<512x128xf32>
    %max3A_394 = arith.maximumf %min3A_359, %bitcast_convert_type3A_392 : vector<512x128xf32>
    %min3A_395 = arith.minimumf %min3A_361, %max3A_394 : vector<512x128xf32>
    %max3A_396 = arith.maximumf %min3A_361, %max3A_394 : vector<512x128xf32>
    %min3A_397 = arith.minimumf %min3A_363, %max3A_396 : vector<512x128xf32>
    %max3A_398 = arith.maximumf %min3A_363, %max3A_396 : vector<512x128xf32>
    %min3A_399 = arith.minimumf %min3A_365, %max3A_398 : vector<512x128xf32>
    %slice3A_400 = vector.extract_strided_slice %add3A_29 {offsets = [0, 1408], sizes = [1, 128], strides = [1, 1]} : vector<1x6912xf32> to vector<1x128xf32>
    %add3A_401 = vector.broadcast %slice3A_400 : vector<1x128xf32> to vector<512x128xf32>
    %add3A_402 = vector.broadcast %add3A_12 : vector<512x1xf32> to vector<512x128xf32>
    %add3A_403 = arith.addf %add3A_401, %add3A_402 : vector<512x128xf32>
    %slice3A_404 = vector.extract_strided_slice %get3A_4 {offsets = [0, 1408], sizes = [1, 128], strides = [1, 1]} : vector<3x6912xf32> to vector<1x128xf32>
    %mul3A_405 = vector.broadcast %slice3A_16 : vector<512x1xf32> to vector<512x128xf32>
    %mul3A_406 = vector.broadcast %slice3A_404 : vector<1x128xf32> to vector<512x128xf32>
    %mul3A_407 = arith.mulf %mul3A_405, %mul3A_406 : vector<512x128xf32>
    %add3A_408 = arith.addf %add3A_403, %mul3A_407 : vector<512x128xf32>
    %slice3A_409 = vector.extract_strided_slice %get3A_4 {offsets = [1, 1408], sizes = [1, 128], strides = [1, 1]} : vector<3x6912xf32> to vector<1x128xf32>
    %mul3A_410 = vector.broadcast %slice3A_17 : vector<512x1xf32> to vector<512x128xf32>
    %mul3A_411 = vector.broadcast %slice3A_409 : vector<1x128xf32> to vector<512x128xf32>
    %mul3A_412 = arith.mulf %mul3A_410, %mul3A_411 : vector<512x128xf32>
    %add3A_413 = arith.addf %add3A_408, %mul3A_412 : vector<512x128xf32>
    %slice3A_414 = vector.extract_strided_slice %get3A_4 {offsets = [2, 1408], sizes = [1, 128], strides = [1, 1]} : vector<3x6912xf32> to vector<1x128xf32>
    %mul3A_415 = vector.broadcast %slice3A_18 : vector<512x1xf32> to vector<512x128xf32>
    %mul3A_416 = vector.broadcast %slice3A_414 : vector<1x128xf32> to vector<512x128xf32>
    %mul3A_417 = arith.mulf %mul3A_415, %mul3A_416 : vector<512x128xf32>
    %add3A_418 = arith.addf %add3A_413, %mul3A_417 : vector<512x128xf32>
    %bitcast_convert_type3A_419 = tpu.bitcast %add3A_418 : vector<512x128xf32> -> vector<512x128xi32>
    %and3A_420 = arith.constant 2147483584 : i32
    %and3A_421 = vector.broadcast %and3A_420 : i32 to vector<512x128xi32>
    %and3A_422 = arith.andi %bitcast_convert_type3A_419, %and3A_421 : vector<512x128xi32>
    %or3A_423 = arith.constant 11 : i32
    %or3A_424 = vector.broadcast %or3A_423 : i32 to vector<512x128xi32>
    %or3A_425 = arith.ori %and3A_422, %or3A_424 : vector<512x128xi32>
    %bitcast_convert_type3A_426 = tpu.bitcast %or3A_425 : vector<512x128xi32> -> vector<512x128xf32>
    %min3A_427 = arith.minimumf %min3A_393, %bitcast_convert_type3A_426 : vector<512x128xf32>
    %max3A_428 = arith.maximumf %min3A_393, %bitcast_convert_type3A_426 : vector<512x128xf32>
    %min3A_429 = arith.minimumf %min3A_395, %max3A_428 : vector<512x128xf32>
    %max3A_430 = arith.maximumf %min3A_395, %max3A_428 : vector<512x128xf32>
    %min3A_431 = arith.minimumf %min3A_397, %max3A_430 : vector<512x128xf32>
    %max3A_432 = arith.maximumf %min3A_397, %max3A_430 : vector<512x128xf32>
    %min3A_433 = arith.minimumf %min3A_399, %max3A_432 : vector<512x128xf32>
    %slice3A_434 = vector.extract_strided_slice %add3A_29 {offsets = [0, 1536], sizes = [1, 128], strides = [1, 1]} : vector<1x6912xf32> to vector<1x128xf32>
    %add3A_435 = vector.broadcast %slice3A_434 : vector<1x128xf32> to vector<512x128xf32>
    %add3A_436 = vector.broadcast %add3A_12 : vector<512x1xf32> to vector<512x128xf32>
    %add3A_437 = arith.addf %add3A_435, %add3A_436 : vector<512x128xf32>
    %slice3A_438 = vector.extract_strided_slice %get3A_4 {offsets = [0, 1536], sizes = [1, 128], strides = [1, 1]} : vector<3x6912xf32> to vector<1x128xf32>
    %mul3A_439 = vector.broadcast %slice3A_16 : vector<512x1xf32> to vector<512x128xf32>
    %mul3A_440 = vector.broadcast %slice3A_438 : vector<1x128xf32> to vector<512x128xf32>
    %mul3A_441 = arith.mulf %mul3A_439, %mul3A_440 : vector<512x128xf32>
    %add3A_442 = arith.addf %add3A_437, %mul3A_441 : vector<512x128xf32>
    %slice3A_443 = vector.extract_strided_slice %get3A_4 {offsets = [1, 1536], sizes = [1, 128], strides = [1, 1]} : vector<3x6912xf32> to vector<1x128xf32>
    %mul3A_444 = vector.broadcast %slice3A_17 : vector<512x1xf32> to vector<512x128xf32>
    %mul3A_445 = vector.broadcast %slice3A_443 : vector<1x128xf32> to vector<512x128xf32>
    %mul3A_446 = arith.mulf %mul3A_444, %mul3A_445 : vector<512x128xf32>
    %add3A_447 = arith.addf %add3A_442, %mul3A_446 : vector<512x128xf32>
    %slice3A_448 = vector.extract_strided_slice %get3A_4 {offsets = [2, 1536], sizes = [1, 128], strides = [1, 1]} : vector<3x6912xf32> to vector<1x128xf32>
    %mul3A_449 = vector.broadcast %slice3A_18 : vector<512x1xf32> to vector<512x128xf32>
    %mul3A_450 = vector.broadcast %slice3A_448 : vector<1x128xf32> to vector<512x128xf32>
    %mul3A_451 = arith.mulf %mul3A_449, %mul3A_450 : vector<512x128xf32>
    %add3A_452 = arith.addf %add3A_447, %mul3A_451 : vector<512x128xf32>
    %bitcast_convert_type3A_453 = tpu.bitcast %add3A_452 : vector<512x128xf32> -> vector<512x128xi32>
    %and3A_454 = arith.constant 2147483584 : i32
    %and3A_455 = vector.broadcast %and3A_454 : i32 to vector<512x128xi32>
    %and3A_456 = arith.andi %bitcast_convert_type3A_453, %and3A_455 : vector<512x128xi32>
    %or3A_457 = arith.constant 12 : i32
    %or3A_458 = vector.broadcast %or3A_457 : i32 to vector<512x128xi32>
    %or3A_459 = arith.ori %and3A_456, %or3A_458 : vector<512x128xi32>
    %bitcast_convert_type3A_460 = tpu.bitcast %or3A_459 : vector<512x128xi32> -> vector<512x128xf32>
    %min3A_461 = arith.minimumf %min3A_427, %bitcast_convert_type3A_460 : vector<512x128xf32>
    %max3A_462 = arith.maximumf %min3A_427, %bitcast_convert_type3A_460 : vector<512x128xf32>
    %min3A_463 = arith.minimumf %min3A_429, %max3A_462 : vector<512x128xf32>
    %max3A_464 = arith.maximumf %min3A_429, %max3A_462 : vector<512x128xf32>
    %min3A_465 = arith.minimumf %min3A_431, %max3A_464 : vector<512x128xf32>
    %max3A_466 = arith.maximumf %min3A_431, %max3A_464 : vector<512x128xf32>
    %min3A_467 = arith.minimumf %min3A_433, %max3A_466 : vector<512x128xf32>
    %slice3A_468 = vector.extract_strided_slice %add3A_29 {offsets = [0, 1664], sizes = [1, 128], strides = [1, 1]} : vector<1x6912xf32> to vector<1x128xf32>
    %add3A_469 = vector.broadcast %slice3A_468 : vector<1x128xf32> to vector<512x128xf32>
    %add3A_470 = vector.broadcast %add3A_12 : vector<512x1xf32> to vector<512x128xf32>
    %add3A_471 = arith.addf %add3A_469, %add3A_470 : vector<512x128xf32>
    %slice3A_472 = vector.extract_strided_slice %get3A_4 {offsets = [0, 1664], sizes = [1, 128], strides = [1, 1]} : vector<3x6912xf32> to vector<1x128xf32>
    %mul3A_473 = vector.broadcast %slice3A_16 : vector<512x1xf32> to vector<512x128xf32>
    %mul3A_474 = vector.broadcast %slice3A_472 : vector<1x128xf32> to vector<512x128xf32>
    %mul3A_475 = arith.mulf %mul3A_473, %mul3A_474 : vector<512x128xf32>
    %add3A_476 = arith.addf %add3A_471, %mul3A_475 : vector<512x128xf32>
    %slice3A_477 = vector.extract_strided_slice %get3A_4 {offsets = [1, 1664], sizes = [1, 128], strides = [1, 1]} : vector<3x6912xf32> to vector<1x128xf32>
    %mul3A_478 = vector.broadcast %slice3A_17 : vector<512x1xf32> to vector<512x128xf32>
    %mul3A_479 = vector.broadcast %slice3A_477 : vector<1x128xf32> to vector<512x128xf32>
    %mul3A_480 = arith.mulf %mul3A_478, %mul3A_479 : vector<512x128xf32>
    %add3A_481 = arith.addf %add3A_476, %mul3A_480 : vector<512x128xf32>
    %slice3A_482 = vector.extract_strided_slice %get3A_4 {offsets = [2, 1664], sizes = [1, 128], strides = [1, 1]} : vector<3x6912xf32> to vector<1x128xf32>
    %mul3A_483 = vector.broadcast %slice3A_18 : vector<512x1xf32> to vector<512x128xf32>
    %mul3A_484 = vector.broadcast %slice3A_482 : vector<1x128xf32> to vector<512x128xf32>
    %mul3A_485 = arith.mulf %mul3A_483, %mul3A_484 : vector<512x128xf32>
    %add3A_486 = arith.addf %add3A_481, %mul3A_485 : vector<512x128xf32>
    %bitcast_convert_type3A_487 = tpu.bitcast %add3A_486 : vector<512x128xf32> -> vector<512x128xi32>
    %and3A_488 = arith.constant 2147483584 : i32
    %and3A_489 = vector.broadcast %and3A_488 : i32 to vector<512x128xi32>
    %and3A_490 = arith.andi %bitcast_convert_type3A_487, %and3A_489 : vector<512x128xi32>
    %or3A_491 = arith.constant 13 : i32
    %or3A_492 = vector.broadcast %or3A_491 : i32 to vector<512x128xi32>
    %or3A_493 = arith.ori %and3A_490, %or3A_492 : vector<512x128xi32>
    %bitcast_convert_type3A_494 = tpu.bitcast %or3A_493 : vector<512x128xi32> -> vector<512x128xf32>
    %min3A_495 = arith.minimumf %min3A_461, %bitcast_convert_type3A_494 : vector<512x128xf32>
    %max3A_496 = arith.maximumf %min3A_461, %bitcast_convert_type3A_494 : vector<512x128xf32>
    %min3A_497 = arith.minimumf %min3A_463, %max3A_496 : vector<512x128xf32>
    %max3A_498 = arith.maximumf %min3A_463, %max3A_496 : vector<512x128xf32>
    %min3A_499 = arith.minimumf %min3A_465, %max3A_498 : vector<512x128xf32>
    %max3A_500 = arith.maximumf %min3A_465, %max3A_498 : vector<512x128xf32>
    %min3A_501 = arith.minimumf %min3A_467, %max3A_500 : vector<512x128xf32>
    %slice3A_502 = vector.extract_strided_slice %add3A_29 {offsets = [0, 1792], sizes = [1, 128], strides = [1, 1]} : vector<1x6912xf32> to vector<1x128xf32>
    %add3A_503 = vector.broadcast %slice3A_502 : vector<1x128xf32> to vector<512x128xf32>
    %add3A_504 = vector.broadcast %add3A_12 : vector<512x1xf32> to vector<512x128xf32>
    %add3A_505 = arith.addf %add3A_503, %add3A_504 : vector<512x128xf32>
    %slice3A_506 = vector.extract_strided_slice %get3A_4 {offsets = [0, 1792], sizes = [1, 128], strides = [1, 1]} : vector<3x6912xf32> to vector<1x128xf32>
    %mul3A_507 = vector.broadcast %slice3A_16 : vector<512x1xf32> to vector<512x128xf32>
    %mul3A_508 = vector.broadcast %slice3A_506 : vector<1x128xf32> to vector<512x128xf32>
    %mul3A_509 = arith.mulf %mul3A_507, %mul3A_508 : vector<512x128xf32>
    %add3A_510 = arith.addf %add3A_505, %mul3A_509 : vector<512x128xf32>
    %slice3A_511 = vector.extract_strided_slice %get3A_4 {offsets = [1, 1792], sizes = [1, 128], strides = [1, 1]} : vector<3x6912xf32> to vector<1x128xf32>
    %mul3A_512 = vector.broadcast %slice3A_17 : vector<512x1xf32> to vector<512x128xf32>
    %mul3A_513 = vector.broadcast %slice3A_511 : vector<1x128xf32> to vector<512x128xf32>
    %mul3A_514 = arith.mulf %mul3A_512, %mul3A_513 : vector<512x128xf32>
    %add3A_515 = arith.addf %add3A_510, %mul3A_514 : vector<512x128xf32>
    %slice3A_516 = vector.extract_strided_slice %get3A_4 {offsets = [2, 1792], sizes = [1, 128], strides = [1, 1]} : vector<3x6912xf32> to vector<1x128xf32>
    %mul3A_517 = vector.broadcast %slice3A_18 : vector<512x1xf32> to vector<512x128xf32>
    %mul3A_518 = vector.broadcast %slice3A_516 : vector<1x128xf32> to vector<512x128xf32>
    %mul3A_519 = arith.mulf %mul3A_517, %mul3A_518 : vector<512x128xf32>
    %add3A_520 = arith.addf %add3A_515, %mul3A_519 : vector<512x128xf32>
    %bitcast_convert_type3A_521 = tpu.bitcast %add3A_520 : vector<512x128xf32> -> vector<512x128xi32>
    %and3A_522 = arith.constant 2147483584 : i32
    %and3A_523 = vector.broadcast %and3A_522 : i32 to vector<512x128xi32>
    %and3A_524 = arith.andi %bitcast_convert_type3A_521, %and3A_523 : vector<512x128xi32>
    %or3A_525 = arith.constant 14 : i32
    %or3A_526 = vector.broadcast %or3A_525 : i32 to vector<512x128xi32>
    %or3A_527 = arith.ori %and3A_524, %or3A_526 : vector<512x128xi32>
    %bitcast_convert_type3A_528 = tpu.bitcast %or3A_527 : vector<512x128xi32> -> vector<512x128xf32>
    %min3A_529 = arith.minimumf %min3A_495, %bitcast_convert_type3A_528 : vector<512x128xf32>
    %max3A_530 = arith.maximumf %min3A_495, %bitcast_convert_type3A_528 : vector<512x128xf32>
    %min3A_531 = arith.minimumf %min3A_497, %max3A_530 : vector<512x128xf32>
    %max3A_532 = arith.maximumf %min3A_497, %max3A_530 : vector<512x128xf32>
    %min3A_533 = arith.minimumf %min3A_499, %max3A_532 : vector<512x128xf32>
    %max3A_534 = arith.maximumf %min3A_499, %max3A_532 : vector<512x128xf32>
    %min3A_535 = arith.minimumf %min3A_501, %max3A_534 : vector<512x128xf32>
    %slice3A_536 = vector.extract_strided_slice %add3A_29 {offsets = [0, 1920], sizes = [1, 128], strides = [1, 1]} : vector<1x6912xf32> to vector<1x128xf32>
    %add3A_537 = vector.broadcast %slice3A_536 : vector<1x128xf32> to vector<512x128xf32>
    %add3A_538 = vector.broadcast %add3A_12 : vector<512x1xf32> to vector<512x128xf32>
    %add3A_539 = arith.addf %add3A_537, %add3A_538 : vector<512x128xf32>
    %slice3A_540 = vector.extract_strided_slice %get3A_4 {offsets = [0, 1920], sizes = [1, 128], strides = [1, 1]} : vector<3x6912xf32> to vector<1x128xf32>
    %mul3A_541 = vector.broadcast %slice3A_16 : vector<512x1xf32> to vector<512x128xf32>
    %mul3A_542 = vector.broadcast %slice3A_540 : vector<1x128xf32> to vector<512x128xf32>
    %mul3A_543 = arith.mulf %mul3A_541, %mul3A_542 : vector<512x128xf32>
    %add3A_544 = arith.addf %add3A_539, %mul3A_543 : vector<512x128xf32>
    %slice3A_545 = vector.extract_strided_slice %get3A_4 {offsets = [1, 1920], sizes = [1, 128], strides = [1, 1]} : vector<3x6912xf32> to vector<1x128xf32>
    %mul3A_546 = vector.broadcast %slice3A_17 : vector<512x1xf32> to vector<512x128xf32>
    %mul3A_547 = vector.broadcast %slice3A_545 : vector<1x128xf32> to vector<512x128xf32>
    %mul3A_548 = arith.mulf %mul3A_546, %mul3A_547 : vector<512x128xf32>
    %add3A_549 = arith.addf %add3A_544, %mul3A_548 : vector<512x128xf32>
    %slice3A_550 = vector.extract_strided_slice %get3A_4 {offsets = [2, 1920], sizes = [1, 128], strides = [1, 1]} : vector<3x6912xf32> to vector<1x128xf32>
    %mul3A_551 = vector.broadcast %slice3A_18 : vector<512x1xf32> to vector<512x128xf32>
    %mul3A_552 = vector.broadcast %slice3A_550 : vector<1x128xf32> to vector<512x128xf32>
    %mul3A_553 = arith.mulf %mul3A_551, %mul3A_552 : vector<512x128xf32>
    %add3A_554 = arith.addf %add3A_549, %mul3A_553 : vector<512x128xf32>
    %bitcast_convert_type3A_555 = tpu.bitcast %add3A_554 : vector<512x128xf32> -> vector<512x128xi32>
    %and3A_556 = arith.constant 2147483584 : i32
    %and3A_557 = vector.broadcast %and3A_556 : i32 to vector<512x128xi32>
    %and3A_558 = arith.andi %bitcast_convert_type3A_555, %and3A_557 : vector<512x128xi32>
    %or3A_559 = arith.constant 15 : i32
    %or3A_560 = vector.broadcast %or3A_559 : i32 to vector<512x128xi32>
    %or3A_561 = arith.ori %and3A_558, %or3A_560 : vector<512x128xi32>
    %bitcast_convert_type3A_562 = tpu.bitcast %or3A_561 : vector<512x128xi32> -> vector<512x128xf32>
    %min3A_563 = arith.minimumf %min3A_529, %bitcast_convert_type3A_562 : vector<512x128xf32>
    %max3A_564 = arith.maximumf %min3A_529, %bitcast_convert_type3A_562 : vector<512x128xf32>
    %min3A_565 = arith.minimumf %min3A_531, %max3A_564 : vector<512x128xf32>
    %max3A_566 = arith.maximumf %min3A_531, %max3A_564 : vector<512x128xf32>
    %min3A_567 = arith.minimumf %min3A_533, %max3A_566 : vector<512x128xf32>
    %max3A_568 = arith.maximumf %min3A_533, %max3A_566 : vector<512x128xf32>
    %min3A_569 = arith.minimumf %min3A_535, %max3A_568 : vector<512x128xf32>
    %slice3A_570 = vector.extract_strided_slice %add3A_29 {offsets = [0, 2048], sizes = [1, 128], strides = [1, 1]} : vector<1x6912xf32> to vector<1x128xf32>
    %add3A_571 = vector.broadcast %slice3A_570 : vector<1x128xf32> to vector<512x128xf32>
    %add3A_572 = vector.broadcast %add3A_12 : vector<512x1xf32> to vector<512x128xf32>
    %add3A_573 = arith.addf %add3A_571, %add3A_572 : vector<512x128xf32>
    %slice3A_574 = vector.extract_strided_slice %get3A_4 {offsets = [0, 2048], sizes = [1, 128], strides = [1, 1]} : vector<3x6912xf32> to vector<1x128xf32>
    %mul3A_575 = vector.broadcast %slice3A_16 : vector<512x1xf32> to vector<512x128xf32>
    %mul3A_576 = vector.broadcast %slice3A_574 : vector<1x128xf32> to vector<512x128xf32>
    %mul3A_577 = arith.mulf %mul3A_575, %mul3A_576 : vector<512x128xf32>
    %add3A_578 = arith.addf %add3A_573, %mul3A_577 : vector<512x128xf32>
    %slice3A_579 = vector.extract_strided_slice %get3A_4 {offsets = [1, 2048], sizes = [1, 128], strides = [1, 1]} : vector<3x6912xf32> to vector<1x128xf32>
    %mul3A_580 = vector.broadcast %slice3A_17 : vector<512x1xf32> to vector<512x128xf32>
    %mul3A_581 = vector.broadcast %slice3A_579 : vector<1x128xf32> to vector<512x128xf32>
    %mul3A_582 = arith.mulf %mul3A_580, %mul3A_581 : vector<512x128xf32>
    %add3A_583 = arith.addf %add3A_578, %mul3A_582 : vector<512x128xf32>
    %slice3A_584 = vector.extract_strided_slice %get3A_4 {offsets = [2, 2048], sizes = [1, 128], strides = [1, 1]} : vector<3x6912xf32> to vector<1x128xf32>
    %mul3A_585 = vector.broadcast %slice3A_18 : vector<512x1xf32> to vector<512x128xf32>
    %mul3A_586 = vector.broadcast %slice3A_584 : vector<1x128xf32> to vector<512x128xf32>
    %mul3A_587 = arith.mulf %mul3A_585, %mul3A_586 : vector<512x128xf32>
    %add3A_588 = arith.addf %add3A_583, %mul3A_587 : vector<512x128xf32>
    %bitcast_convert_type3A_589 = tpu.bitcast %add3A_588 : vector<512x128xf32> -> vector<512x128xi32>
    %and3A_590 = arith.constant 2147483584 : i32
    %and3A_591 = vector.broadcast %and3A_590 : i32 to vector<512x128xi32>
    %and3A_592 = arith.andi %bitcast_convert_type3A_589, %and3A_591 : vector<512x128xi32>
    %or3A_593 = arith.constant 16 : i32
    %or3A_594 = vector.broadcast %or3A_593 : i32 to vector<512x128xi32>
    %or3A_595 = arith.ori %and3A_592, %or3A_594 : vector<512x128xi32>
    %bitcast_convert_type3A_596 = tpu.bitcast %or3A_595 : vector<512x128xi32> -> vector<512x128xf32>
    %min3A_597 = arith.minimumf %min3A_563, %bitcast_convert_type3A_596 : vector<512x128xf32>
    %max3A_598 = arith.maximumf %min3A_563, %bitcast_convert_type3A_596 : vector<512x128xf32>
    %min3A_599 = arith.minimumf %min3A_565, %max3A_598 : vector<512x128xf32>
    %max3A_600 = arith.maximumf %min3A_565, %max3A_598 : vector<512x128xf32>
    %min3A_601 = arith.minimumf %min3A_567, %max3A_600 : vector<512x128xf32>
    %max3A_602 = arith.maximumf %min3A_567, %max3A_600 : vector<512x128xf32>
    %min3A_603 = arith.minimumf %min3A_569, %max3A_602 : vector<512x128xf32>
    %slice3A_604 = vector.extract_strided_slice %add3A_29 {offsets = [0, 2176], sizes = [1, 128], strides = [1, 1]} : vector<1x6912xf32> to vector<1x128xf32>
    %add3A_605 = vector.broadcast %slice3A_604 : vector<1x128xf32> to vector<512x128xf32>
    %add3A_606 = vector.broadcast %add3A_12 : vector<512x1xf32> to vector<512x128xf32>
    %add3A_607 = arith.addf %add3A_605, %add3A_606 : vector<512x128xf32>
    %slice3A_608 = vector.extract_strided_slice %get3A_4 {offsets = [0, 2176], sizes = [1, 128], strides = [1, 1]} : vector<3x6912xf32> to vector<1x128xf32>
    %mul3A_609 = vector.broadcast %slice3A_16 : vector<512x1xf32> to vector<512x128xf32>
    %mul3A_610 = vector.broadcast %slice3A_608 : vector<1x128xf32> to vector<512x128xf32>
    %mul3A_611 = arith.mulf %mul3A_609, %mul3A_610 : vector<512x128xf32>
    %add3A_612 = arith.addf %add3A_607, %mul3A_611 : vector<512x128xf32>
    %slice3A_613 = vector.extract_strided_slice %get3A_4 {offsets = [1, 2176], sizes = [1, 128], strides = [1, 1]} : vector<3x6912xf32> to vector<1x128xf32>
    %mul3A_614 = vector.broadcast %slice3A_17 : vector<512x1xf32> to vector<512x128xf32>
    %mul3A_615 = vector.broadcast %slice3A_613 : vector<1x128xf32> to vector<512x128xf32>
    %mul3A_616 = arith.mulf %mul3A_614, %mul3A_615 : vector<512x128xf32>
    %add3A_617 = arith.addf %add3A_612, %mul3A_616 : vector<512x128xf32>
    %slice3A_618 = vector.extract_strided_slice %get3A_4 {offsets = [2, 2176], sizes = [1, 128], strides = [1, 1]} : vector<3x6912xf32> to vector<1x128xf32>
    %mul3A_619 = vector.broadcast %slice3A_18 : vector<512x1xf32> to vector<512x128xf32>
    %mul3A_620 = vector.broadcast %slice3A_618 : vector<1x128xf32> to vector<512x128xf32>
    %mul3A_621 = arith.mulf %mul3A_619, %mul3A_620 : vector<512x128xf32>
    %add3A_622 = arith.addf %add3A_617, %mul3A_621 : vector<512x128xf32>
    %bitcast_convert_type3A_623 = tpu.bitcast %add3A_622 : vector<512x128xf32> -> vector<512x128xi32>
    %and3A_624 = arith.constant 2147483584 : i32
    %and3A_625 = vector.broadcast %and3A_624 : i32 to vector<512x128xi32>
    %and3A_626 = arith.andi %bitcast_convert_type3A_623, %and3A_625 : vector<512x128xi32>
    %or3A_627 = arith.constant 17 : i32
    %or3A_628 = vector.broadcast %or3A_627 : i32 to vector<512x128xi32>
    %or3A_629 = arith.ori %and3A_626, %or3A_628 : vector<512x128xi32>
    %bitcast_convert_type3A_630 = tpu.bitcast %or3A_629 : vector<512x128xi32> -> vector<512x128xf32>
    %min3A_631 = arith.minimumf %min3A_597, %bitcast_convert_type3A_630 : vector<512x128xf32>
    %max3A_632 = arith.maximumf %min3A_597, %bitcast_convert_type3A_630 : vector<512x128xf32>
    %min3A_633 = arith.minimumf %min3A_599, %max3A_632 : vector<512x128xf32>
    %max3A_634 = arith.maximumf %min3A_599, %max3A_632 : vector<512x128xf32>
    %min3A_635 = arith.minimumf %min3A_601, %max3A_634 : vector<512x128xf32>
    %max3A_636 = arith.maximumf %min3A_601, %max3A_634 : vector<512x128xf32>
    %min3A_637 = arith.minimumf %min3A_603, %max3A_636 : vector<512x128xf32>
    %slice3A_638 = vector.extract_strided_slice %add3A_29 {offsets = [0, 2304], sizes = [1, 128], strides = [1, 1]} : vector<1x6912xf32> to vector<1x128xf32>
    %add3A_639 = vector.broadcast %slice3A_638 : vector<1x128xf32> to vector<512x128xf32>
    %add3A_640 = vector.broadcast %add3A_12 : vector<512x1xf32> to vector<512x128xf32>
    %add3A_641 = arith.addf %add3A_639, %add3A_640 : vector<512x128xf32>
    %slice3A_642 = vector.extract_strided_slice %get3A_4 {offsets = [0, 2304], sizes = [1, 128], strides = [1, 1]} : vector<3x6912xf32> to vector<1x128xf32>
    %mul3A_643 = vector.broadcast %slice3A_16 : vector<512x1xf32> to vector<512x128xf32>
    %mul3A_644 = vector.broadcast %slice3A_642 : vector<1x128xf32> to vector<512x128xf32>
    %mul3A_645 = arith.mulf %mul3A_643, %mul3A_644 : vector<512x128xf32>
    %add3A_646 = arith.addf %add3A_641, %mul3A_645 : vector<512x128xf32>
    %slice3A_647 = vector.extract_strided_slice %get3A_4 {offsets = [1, 2304], sizes = [1, 128], strides = [1, 1]} : vector<3x6912xf32> to vector<1x128xf32>
    %mul3A_648 = vector.broadcast %slice3A_17 : vector<512x1xf32> to vector<512x128xf32>
    %mul3A_649 = vector.broadcast %slice3A_647 : vector<1x128xf32> to vector<512x128xf32>
    %mul3A_650 = arith.mulf %mul3A_648, %mul3A_649 : vector<512x128xf32>
    %add3A_651 = arith.addf %add3A_646, %mul3A_650 : vector<512x128xf32>
    %slice3A_652 = vector.extract_strided_slice %get3A_4 {offsets = [2, 2304], sizes = [1, 128], strides = [1, 1]} : vector<3x6912xf32> to vector<1x128xf32>
    %mul3A_653 = vector.broadcast %slice3A_18 : vector<512x1xf32> to vector<512x128xf32>
    %mul3A_654 = vector.broadcast %slice3A_652 : vector<1x128xf32> to vector<512x128xf32>
    %mul3A_655 = arith.mulf %mul3A_653, %mul3A_654 : vector<512x128xf32>
    %add3A_656 = arith.addf %add3A_651, %mul3A_655 : vector<512x128xf32>
    %bitcast_convert_type3A_657 = tpu.bitcast %add3A_656 : vector<512x128xf32> -> vector<512x128xi32>
    %and3A_658 = arith.constant 2147483584 : i32
    %and3A_659 = vector.broadcast %and3A_658 : i32 to vector<512x128xi32>
    %and3A_660 = arith.andi %bitcast_convert_type3A_657, %and3A_659 : vector<512x128xi32>
    %or3A_661 = arith.constant 18 : i32
    %or3A_662 = vector.broadcast %or3A_661 : i32 to vector<512x128xi32>
    %or3A_663 = arith.ori %and3A_660, %or3A_662 : vector<512x128xi32>
    %bitcast_convert_type3A_664 = tpu.bitcast %or3A_663 : vector<512x128xi32> -> vector<512x128xf32>
    %min3A_665 = arith.minimumf %min3A_631, %bitcast_convert_type3A_664 : vector<512x128xf32>
    %max3A_666 = arith.maximumf %min3A_631, %bitcast_convert_type3A_664 : vector<512x128xf32>
    %min3A_667 = arith.minimumf %min3A_633, %max3A_666 : vector<512x128xf32>
    %max3A_668 = arith.maximumf %min3A_633, %max3A_666 : vector<512x128xf32>
    %min3A_669 = arith.minimumf %min3A_635, %max3A_668 : vector<512x128xf32>
    %max3A_670 = arith.maximumf %min3A_635, %max3A_668 : vector<512x128xf32>
    %min3A_671 = arith.minimumf %min3A_637, %max3A_670 : vector<512x128xf32>
    %slice3A_672 = vector.extract_strided_slice %add3A_29 {offsets = [0, 2432], sizes = [1, 128], strides = [1, 1]} : vector<1x6912xf32> to vector<1x128xf32>
    %add3A_673 = vector.broadcast %slice3A_672 : vector<1x128xf32> to vector<512x128xf32>
    %add3A_674 = vector.broadcast %add3A_12 : vector<512x1xf32> to vector<512x128xf32>
    %add3A_675 = arith.addf %add3A_673, %add3A_674 : vector<512x128xf32>
    %slice3A_676 = vector.extract_strided_slice %get3A_4 {offsets = [0, 2432], sizes = [1, 128], strides = [1, 1]} : vector<3x6912xf32> to vector<1x128xf32>
    %mul3A_677 = vector.broadcast %slice3A_16 : vector<512x1xf32> to vector<512x128xf32>
    %mul3A_678 = vector.broadcast %slice3A_676 : vector<1x128xf32> to vector<512x128xf32>
    %mul3A_679 = arith.mulf %mul3A_677, %mul3A_678 : vector<512x128xf32>
    %add3A_680 = arith.addf %add3A_675, %mul3A_679 : vector<512x128xf32>
    %slice3A_681 = vector.extract_strided_slice %get3A_4 {offsets = [1, 2432], sizes = [1, 128], strides = [1, 1]} : vector<3x6912xf32> to vector<1x128xf32>
    %mul3A_682 = vector.broadcast %slice3A_17 : vector<512x1xf32> to vector<512x128xf32>
    %mul3A_683 = vector.broadcast %slice3A_681 : vector<1x128xf32> to vector<512x128xf32>
    %mul3A_684 = arith.mulf %mul3A_682, %mul3A_683 : vector<512x128xf32>
    %add3A_685 = arith.addf %add3A_680, %mul3A_684 : vector<512x128xf32>
    %slice3A_686 = vector.extract_strided_slice %get3A_4 {offsets = [2, 2432], sizes = [1, 128], strides = [1, 1]} : vector<3x6912xf32> to vector<1x128xf32>
    %mul3A_687 = vector.broadcast %slice3A_18 : vector<512x1xf32> to vector<512x128xf32>
    %mul3A_688 = vector.broadcast %slice3A_686 : vector<1x128xf32> to vector<512x128xf32>
    %mul3A_689 = arith.mulf %mul3A_687, %mul3A_688 : vector<512x128xf32>
    %add3A_690 = arith.addf %add3A_685, %mul3A_689 : vector<512x128xf32>
    %bitcast_convert_type3A_691 = tpu.bitcast %add3A_690 : vector<512x128xf32> -> vector<512x128xi32>
    %and3A_692 = arith.constant 2147483584 : i32
    %and3A_693 = vector.broadcast %and3A_692 : i32 to vector<512x128xi32>
    %and3A_694 = arith.andi %bitcast_convert_type3A_691, %and3A_693 : vector<512x128xi32>
    %or3A_695 = arith.constant 19 : i32
    %or3A_696 = vector.broadcast %or3A_695 : i32 to vector<512x128xi32>
    %or3A_697 = arith.ori %and3A_694, %or3A_696 : vector<512x128xi32>
    %bitcast_convert_type3A_698 = tpu.bitcast %or3A_697 : vector<512x128xi32> -> vector<512x128xf32>
    %min3A_699 = arith.minimumf %min3A_665, %bitcast_convert_type3A_698 : vector<512x128xf32>
    %max3A_700 = arith.maximumf %min3A_665, %bitcast_convert_type3A_698 : vector<512x128xf32>
    %min3A_701 = arith.minimumf %min3A_667, %max3A_700 : vector<512x128xf32>
    %max3A_702 = arith.maximumf %min3A_667, %max3A_700 : vector<512x128xf32>
    %min3A_703 = arith.minimumf %min3A_669, %max3A_702 : vector<512x128xf32>
    %max3A_704 = arith.maximumf %min3A_669, %max3A_702 : vector<512x128xf32>
    %min3A_705 = arith.minimumf %min3A_671, %max3A_704 : vector<512x128xf32>
    %slice3A_706 = vector.extract_strided_slice %add3A_29 {offsets = [0, 2560], sizes = [1, 128], strides = [1, 1]} : vector<1x6912xf32> to vector<1x128xf32>
    %add3A_707 = vector.broadcast %slice3A_706 : vector<1x128xf32> to vector<512x128xf32>
    %add3A_708 = vector.broadcast %add3A_12 : vector<512x1xf32> to vector<512x128xf32>
    %add3A_709 = arith.addf %add3A_707, %add3A_708 : vector<512x128xf32>
    %slice3A_710 = vector.extract_strided_slice %get3A_4 {offsets = [0, 2560], sizes = [1, 128], strides = [1, 1]} : vector<3x6912xf32> to vector<1x128xf32>
    %mul3A_711 = vector.broadcast %slice3A_16 : vector<512x1xf32> to vector<512x128xf32>
    %mul3A_712 = vector.broadcast %slice3A_710 : vector<1x128xf32> to vector<512x128xf32>
    %mul3A_713 = arith.mulf %mul3A_711, %mul3A_712 : vector<512x128xf32>
    %add3A_714 = arith.addf %add3A_709, %mul3A_713 : vector<512x128xf32>
    %slice3A_715 = vector.extract_strided_slice %get3A_4 {offsets = [1, 2560], sizes = [1, 128], strides = [1, 1]} : vector<3x6912xf32> to vector<1x128xf32>
    %mul3A_716 = vector.broadcast %slice3A_17 : vector<512x1xf32> to vector<512x128xf32>
    %mul3A_717 = vector.broadcast %slice3A_715 : vector<1x128xf32> to vector<512x128xf32>
    %mul3A_718 = arith.mulf %mul3A_716, %mul3A_717 : vector<512x128xf32>
    %add3A_719 = arith.addf %add3A_714, %mul3A_718 : vector<512x128xf32>
    %slice3A_720 = vector.extract_strided_slice %get3A_4 {offsets = [2, 2560], sizes = [1, 128], strides = [1, 1]} : vector<3x6912xf32> to vector<1x128xf32>
    %mul3A_721 = vector.broadcast %slice3A_18 : vector<512x1xf32> to vector<512x128xf32>
    %mul3A_722 = vector.broadcast %slice3A_720 : vector<1x128xf32> to vector<512x128xf32>
    %mul3A_723 = arith.mulf %mul3A_721, %mul3A_722 : vector<512x128xf32>
    %add3A_724 = arith.addf %add3A_719, %mul3A_723 : vector<512x128xf32>
    %bitcast_convert_type3A_725 = tpu.bitcast %add3A_724 : vector<512x128xf32> -> vector<512x128xi32>
    %and3A_726 = arith.constant 2147483584 : i32
    %and3A_727 = vector.broadcast %and3A_726 : i32 to vector<512x128xi32>
    %and3A_728 = arith.andi %bitcast_convert_type3A_725, %and3A_727 : vector<512x128xi32>
    %or3A_729 = arith.constant 20 : i32
    %or3A_730 = vector.broadcast %or3A_729 : i32 to vector<512x128xi32>
    %or3A_731 = arith.ori %and3A_728, %or3A_730 : vector<512x128xi32>
    %bitcast_convert_type3A_732 = tpu.bitcast %or3A_731 : vector<512x128xi32> -> vector<512x128xf32>
    %min3A_733 = arith.minimumf %min3A_699, %bitcast_convert_type3A_732 : vector<512x128xf32>
    %max3A_734 = arith.maximumf %min3A_699, %bitcast_convert_type3A_732 : vector<512x128xf32>
    %min3A_735 = arith.minimumf %min3A_701, %max3A_734 : vector<512x128xf32>
    %max3A_736 = arith.maximumf %min3A_701, %max3A_734 : vector<512x128xf32>
    %min3A_737 = arith.minimumf %min3A_703, %max3A_736 : vector<512x128xf32>
    %max3A_738 = arith.maximumf %min3A_703, %max3A_736 : vector<512x128xf32>
    %min3A_739 = arith.minimumf %min3A_705, %max3A_738 : vector<512x128xf32>
    %slice3A_740 = vector.extract_strided_slice %add3A_29 {offsets = [0, 2688], sizes = [1, 128], strides = [1, 1]} : vector<1x6912xf32> to vector<1x128xf32>
    %add3A_741 = vector.broadcast %slice3A_740 : vector<1x128xf32> to vector<512x128xf32>
    %add3A_742 = vector.broadcast %add3A_12 : vector<512x1xf32> to vector<512x128xf32>
    %add3A_743 = arith.addf %add3A_741, %add3A_742 : vector<512x128xf32>
    %slice3A_744 = vector.extract_strided_slice %get3A_4 {offsets = [0, 2688], sizes = [1, 128], strides = [1, 1]} : vector<3x6912xf32> to vector<1x128xf32>
    %mul3A_745 = vector.broadcast %slice3A_16 : vector<512x1xf32> to vector<512x128xf32>
    %mul3A_746 = vector.broadcast %slice3A_744 : vector<1x128xf32> to vector<512x128xf32>
    %mul3A_747 = arith.mulf %mul3A_745, %mul3A_746 : vector<512x128xf32>
    %add3A_748 = arith.addf %add3A_743, %mul3A_747 : vector<512x128xf32>
    %slice3A_749 = vector.extract_strided_slice %get3A_4 {offsets = [1, 2688], sizes = [1, 128], strides = [1, 1]} : vector<3x6912xf32> to vector<1x128xf32>
    %mul3A_750 = vector.broadcast %slice3A_17 : vector<512x1xf32> to vector<512x128xf32>
    %mul3A_751 = vector.broadcast %slice3A_749 : vector<1x128xf32> to vector<512x128xf32>
    %mul3A_752 = arith.mulf %mul3A_750, %mul3A_751 : vector<512x128xf32>
    %add3A_753 = arith.addf %add3A_748, %mul3A_752 : vector<512x128xf32>
    %slice3A_754 = vector.extract_strided_slice %get3A_4 {offsets = [2, 2688], sizes = [1, 128], strides = [1, 1]} : vector<3x6912xf32> to vector<1x128xf32>
    %mul3A_755 = vector.broadcast %slice3A_18 : vector<512x1xf32> to vector<512x128xf32>
    %mul3A_756 = vector.broadcast %slice3A_754 : vector<1x128xf32> to vector<512x128xf32>
    %mul3A_757 = arith.mulf %mul3A_755, %mul3A_756 : vector<512x128xf32>
    %add3A_758 = arith.addf %add3A_753, %mul3A_757 : vector<512x128xf32>
    %bitcast_convert_type3A_759 = tpu.bitcast %add3A_758 : vector<512x128xf32> -> vector<512x128xi32>
    %and3A_760 = arith.constant 2147483584 : i32
    %and3A_761 = vector.broadcast %and3A_760 : i32 to vector<512x128xi32>
    %and3A_762 = arith.andi %bitcast_convert_type3A_759, %and3A_761 : vector<512x128xi32>
    %or3A_763 = arith.constant 21 : i32
    %or3A_764 = vector.broadcast %or3A_763 : i32 to vector<512x128xi32>
    %or3A_765 = arith.ori %and3A_762, %or3A_764 : vector<512x128xi32>
    %bitcast_convert_type3A_766 = tpu.bitcast %or3A_765 : vector<512x128xi32> -> vector<512x128xf32>
    %min3A_767 = arith.minimumf %min3A_733, %bitcast_convert_type3A_766 : vector<512x128xf32>
    %max3A_768 = arith.maximumf %min3A_733, %bitcast_convert_type3A_766 : vector<512x128xf32>
    %min3A_769 = arith.minimumf %min3A_735, %max3A_768 : vector<512x128xf32>
    %max3A_770 = arith.maximumf %min3A_735, %max3A_768 : vector<512x128xf32>
    %min3A_771 = arith.minimumf %min3A_737, %max3A_770 : vector<512x128xf32>
    %max3A_772 = arith.maximumf %min3A_737, %max3A_770 : vector<512x128xf32>
    %min3A_773 = arith.minimumf %min3A_739, %max3A_772 : vector<512x128xf32>
    %slice3A_774 = vector.extract_strided_slice %add3A_29 {offsets = [0, 2816], sizes = [1, 128], strides = [1, 1]} : vector<1x6912xf32> to vector<1x128xf32>
    %add3A_775 = vector.broadcast %slice3A_774 : vector<1x128xf32> to vector<512x128xf32>
    %add3A_776 = vector.broadcast %add3A_12 : vector<512x1xf32> to vector<512x128xf32>
    %add3A_777 = arith.addf %add3A_775, %add3A_776 : vector<512x128xf32>
    %slice3A_778 = vector.extract_strided_slice %get3A_4 {offsets = [0, 2816], sizes = [1, 128], strides = [1, 1]} : vector<3x6912xf32> to vector<1x128xf32>
    %mul3A_779 = vector.broadcast %slice3A_16 : vector<512x1xf32> to vector<512x128xf32>
    %mul3A_780 = vector.broadcast %slice3A_778 : vector<1x128xf32> to vector<512x128xf32>
    %mul3A_781 = arith.mulf %mul3A_779, %mul3A_780 : vector<512x128xf32>
    %add3A_782 = arith.addf %add3A_777, %mul3A_781 : vector<512x128xf32>
    %slice3A_783 = vector.extract_strided_slice %get3A_4 {offsets = [1, 2816], sizes = [1, 128], strides = [1, 1]} : vector<3x6912xf32> to vector<1x128xf32>
    %mul3A_784 = vector.broadcast %slice3A_17 : vector<512x1xf32> to vector<512x128xf32>
    %mul3A_785 = vector.broadcast %slice3A_783 : vector<1x128xf32> to vector<512x128xf32>
    %mul3A_786 = arith.mulf %mul3A_784, %mul3A_785 : vector<512x128xf32>
    %add3A_787 = arith.addf %add3A_782, %mul3A_786 : vector<512x128xf32>
    %slice3A_788 = vector.extract_strided_slice %get3A_4 {offsets = [2, 2816], sizes = [1, 128], strides = [1, 1]} : vector<3x6912xf32> to vector<1x128xf32>
    %mul3A_789 = vector.broadcast %slice3A_18 : vector<512x1xf32> to vector<512x128xf32>
    %mul3A_790 = vector.broadcast %slice3A_788 : vector<1x128xf32> to vector<512x128xf32>
    %mul3A_791 = arith.mulf %mul3A_789, %mul3A_790 : vector<512x128xf32>
    %add3A_792 = arith.addf %add3A_787, %mul3A_791 : vector<512x128xf32>
    %bitcast_convert_type3A_793 = tpu.bitcast %add3A_792 : vector<512x128xf32> -> vector<512x128xi32>
    %and3A_794 = arith.constant 2147483584 : i32
    %and3A_795 = vector.broadcast %and3A_794 : i32 to vector<512x128xi32>
    %and3A_796 = arith.andi %bitcast_convert_type3A_793, %and3A_795 : vector<512x128xi32>
    %or3A_797 = arith.constant 22 : i32
    %or3A_798 = vector.broadcast %or3A_797 : i32 to vector<512x128xi32>
    %or3A_799 = arith.ori %and3A_796, %or3A_798 : vector<512x128xi32>
    %bitcast_convert_type3A_800 = tpu.bitcast %or3A_799 : vector<512x128xi32> -> vector<512x128xf32>
    %min3A_801 = arith.minimumf %min3A_767, %bitcast_convert_type3A_800 : vector<512x128xf32>
    %max3A_802 = arith.maximumf %min3A_767, %bitcast_convert_type3A_800 : vector<512x128xf32>
    %min3A_803 = arith.minimumf %min3A_769, %max3A_802 : vector<512x128xf32>
    %max3A_804 = arith.maximumf %min3A_769, %max3A_802 : vector<512x128xf32>
    %min3A_805 = arith.minimumf %min3A_771, %max3A_804 : vector<512x128xf32>
    %max3A_806 = arith.maximumf %min3A_771, %max3A_804 : vector<512x128xf32>
    %min3A_807 = arith.minimumf %min3A_773, %max3A_806 : vector<512x128xf32>
    %slice3A_808 = vector.extract_strided_slice %add3A_29 {offsets = [0, 2944], sizes = [1, 128], strides = [1, 1]} : vector<1x6912xf32> to vector<1x128xf32>
    %add3A_809 = vector.broadcast %slice3A_808 : vector<1x128xf32> to vector<512x128xf32>
    %add3A_810 = vector.broadcast %add3A_12 : vector<512x1xf32> to vector<512x128xf32>
    %add3A_811 = arith.addf %add3A_809, %add3A_810 : vector<512x128xf32>
    %slice3A_812 = vector.extract_strided_slice %get3A_4 {offsets = [0, 2944], sizes = [1, 128], strides = [1, 1]} : vector<3x6912xf32> to vector<1x128xf32>
    %mul3A_813 = vector.broadcast %slice3A_16 : vector<512x1xf32> to vector<512x128xf32>
    %mul3A_814 = vector.broadcast %slice3A_812 : vector<1x128xf32> to vector<512x128xf32>
    %mul3A_815 = arith.mulf %mul3A_813, %mul3A_814 : vector<512x128xf32>
    %add3A_816 = arith.addf %add3A_811, %mul3A_815 : vector<512x128xf32>
    %slice3A_817 = vector.extract_strided_slice %get3A_4 {offsets = [1, 2944], sizes = [1, 128], strides = [1, 1]} : vector<3x6912xf32> to vector<1x128xf32>
    %mul3A_818 = vector.broadcast %slice3A_17 : vector<512x1xf32> to vector<512x128xf32>
    %mul3A_819 = vector.broadcast %slice3A_817 : vector<1x128xf32> to vector<512x128xf32>
    %mul3A_820 = arith.mulf %mul3A_818, %mul3A_819 : vector<512x128xf32>
    %add3A_821 = arith.addf %add3A_816, %mul3A_820 : vector<512x128xf32>
    %slice3A_822 = vector.extract_strided_slice %get3A_4 {offsets = [2, 2944], sizes = [1, 128], strides = [1, 1]} : vector<3x6912xf32> to vector<1x128xf32>
    %mul3A_823 = vector.broadcast %slice3A_18 : vector<512x1xf32> to vector<512x128xf32>
    %mul3A_824 = vector.broadcast %slice3A_822 : vector<1x128xf32> to vector<512x128xf32>
    %mul3A_825 = arith.mulf %mul3A_823, %mul3A_824 : vector<512x128xf32>
    %add3A_826 = arith.addf %add3A_821, %mul3A_825 : vector<512x128xf32>
    %bitcast_convert_type3A_827 = tpu.bitcast %add3A_826 : vector<512x128xf32> -> vector<512x128xi32>
    %and3A_828 = arith.constant 2147483584 : i32
    %and3A_829 = vector.broadcast %and3A_828 : i32 to vector<512x128xi32>
    %and3A_830 = arith.andi %bitcast_convert_type3A_827, %and3A_829 : vector<512x128xi32>
    %or3A_831 = arith.constant 23 : i32
    %or3A_832 = vector.broadcast %or3A_831 : i32 to vector<512x128xi32>
    %or3A_833 = arith.ori %and3A_830, %or3A_832 : vector<512x128xi32>
    %bitcast_convert_type3A_834 = tpu.bitcast %or3A_833 : vector<512x128xi32> -> vector<512x128xf32>
    %min3A_835 = arith.minimumf %min3A_801, %bitcast_convert_type3A_834 : vector<512x128xf32>
    %max3A_836 = arith.maximumf %min3A_801, %bitcast_convert_type3A_834 : vector<512x128xf32>
    %min3A_837 = arith.minimumf %min3A_803, %max3A_836 : vector<512x128xf32>
    %max3A_838 = arith.maximumf %min3A_803, %max3A_836 : vector<512x128xf32>
    %min3A_839 = arith.minimumf %min3A_805, %max3A_838 : vector<512x128xf32>
    %max3A_840 = arith.maximumf %min3A_805, %max3A_838 : vector<512x128xf32>
    %min3A_841 = arith.minimumf %min3A_807, %max3A_840 : vector<512x128xf32>
    %slice3A_842 = vector.extract_strided_slice %add3A_29 {offsets = [0, 3072], sizes = [1, 128], strides = [1, 1]} : vector<1x6912xf32> to vector<1x128xf32>
    %add3A_843 = vector.broadcast %slice3A_842 : vector<1x128xf32> to vector<512x128xf32>
    %add3A_844 = vector.broadcast %add3A_12 : vector<512x1xf32> to vector<512x128xf32>
    %add3A_845 = arith.addf %add3A_843, %add3A_844 : vector<512x128xf32>
    %slice3A_846 = vector.extract_strided_slice %get3A_4 {offsets = [0, 3072], sizes = [1, 128], strides = [1, 1]} : vector<3x6912xf32> to vector<1x128xf32>
    %mul3A_847 = vector.broadcast %slice3A_16 : vector<512x1xf32> to vector<512x128xf32>
    %mul3A_848 = vector.broadcast %slice3A_846 : vector<1x128xf32> to vector<512x128xf32>
    %mul3A_849 = arith.mulf %mul3A_847, %mul3A_848 : vector<512x128xf32>
    %add3A_850 = arith.addf %add3A_845, %mul3A_849 : vector<512x128xf32>
    %slice3A_851 = vector.extract_strided_slice %get3A_4 {offsets = [1, 3072], sizes = [1, 128], strides = [1, 1]} : vector<3x6912xf32> to vector<1x128xf32>
    %mul3A_852 = vector.broadcast %slice3A_17 : vector<512x1xf32> to vector<512x128xf32>
    %mul3A_853 = vector.broadcast %slice3A_851 : vector<1x128xf32> to vector<512x128xf32>
    %mul3A_854 = arith.mulf %mul3A_852, %mul3A_853 : vector<512x128xf32>
    %add3A_855 = arith.addf %add3A_850, %mul3A_854 : vector<512x128xf32>
    %slice3A_856 = vector.extract_strided_slice %get3A_4 {offsets = [2, 3072], sizes = [1, 128], strides = [1, 1]} : vector<3x6912xf32> to vector<1x128xf32>
    %mul3A_857 = vector.broadcast %slice3A_18 : vector<512x1xf32> to vector<512x128xf32>
    %mul3A_858 = vector.broadcast %slice3A_856 : vector<1x128xf32> to vector<512x128xf32>
    %mul3A_859 = arith.mulf %mul3A_857, %mul3A_858 : vector<512x128xf32>
    %add3A_860 = arith.addf %add3A_855, %mul3A_859 : vector<512x128xf32>
    %bitcast_convert_type3A_861 = tpu.bitcast %add3A_860 : vector<512x128xf32> -> vector<512x128xi32>
    %and3A_862 = arith.constant 2147483584 : i32
    %and3A_863 = vector.broadcast %and3A_862 : i32 to vector<512x128xi32>
    %and3A_864 = arith.andi %bitcast_convert_type3A_861, %and3A_863 : vector<512x128xi32>
    %or3A_865 = arith.constant 24 : i32
    %or3A_866 = vector.broadcast %or3A_865 : i32 to vector<512x128xi32>
    %or3A_867 = arith.ori %and3A_864, %or3A_866 : vector<512x128xi32>
    %bitcast_convert_type3A_868 = tpu.bitcast %or3A_867 : vector<512x128xi32> -> vector<512x128xf32>
    %min3A_869 = arith.minimumf %min3A_835, %bitcast_convert_type3A_868 : vector<512x128xf32>
    %max3A_870 = arith.maximumf %min3A_835, %bitcast_convert_type3A_868 : vector<512x128xf32>
    %min3A_871 = arith.minimumf %min3A_837, %max3A_870 : vector<512x128xf32>
    %max3A_872 = arith.maximumf %min3A_837, %max3A_870 : vector<512x128xf32>
    %min3A_873 = arith.minimumf %min3A_839, %max3A_872 : vector<512x128xf32>
    %max3A_874 = arith.maximumf %min3A_839, %max3A_872 : vector<512x128xf32>
    %min3A_875 = arith.minimumf %min3A_841, %max3A_874 : vector<512x128xf32>
    %slice3A_876 = vector.extract_strided_slice %add3A_29 {offsets = [0, 3200], sizes = [1, 128], strides = [1, 1]} : vector<1x6912xf32> to vector<1x128xf32>
    %add3A_877 = vector.broadcast %slice3A_876 : vector<1x128xf32> to vector<512x128xf32>
    %add3A_878 = vector.broadcast %add3A_12 : vector<512x1xf32> to vector<512x128xf32>
    %add3A_879 = arith.addf %add3A_877, %add3A_878 : vector<512x128xf32>
    %slice3A_880 = vector.extract_strided_slice %get3A_4 {offsets = [0, 3200], sizes = [1, 128], strides = [1, 1]} : vector<3x6912xf32> to vector<1x128xf32>
    %mul3A_881 = vector.broadcast %slice3A_16 : vector<512x1xf32> to vector<512x128xf32>
    %mul3A_882 = vector.broadcast %slice3A_880 : vector<1x128xf32> to vector<512x128xf32>
    %mul3A_883 = arith.mulf %mul3A_881, %mul3A_882 : vector<512x128xf32>
    %add3A_884 = arith.addf %add3A_879, %mul3A_883 : vector<512x128xf32>
    %slice3A_885 = vector.extract_strided_slice %get3A_4 {offsets = [1, 3200], sizes = [1, 128], strides = [1, 1]} : vector<3x6912xf32> to vector<1x128xf32>
    %mul3A_886 = vector.broadcast %slice3A_17 : vector<512x1xf32> to vector<512x128xf32>
    %mul3A_887 = vector.broadcast %slice3A_885 : vector<1x128xf32> to vector<512x128xf32>
    %mul3A_888 = arith.mulf %mul3A_886, %mul3A_887 : vector<512x128xf32>
    %add3A_889 = arith.addf %add3A_884, %mul3A_888 : vector<512x128xf32>
    %slice3A_890 = vector.extract_strided_slice %get3A_4 {offsets = [2, 3200], sizes = [1, 128], strides = [1, 1]} : vector<3x6912xf32> to vector<1x128xf32>
    %mul3A_891 = vector.broadcast %slice3A_18 : vector<512x1xf32> to vector<512x128xf32>
    %mul3A_892 = vector.broadcast %slice3A_890 : vector<1x128xf32> to vector<512x128xf32>
    %mul3A_893 = arith.mulf %mul3A_891, %mul3A_892 : vector<512x128xf32>
    %add3A_894 = arith.addf %add3A_889, %mul3A_893 : vector<512x128xf32>
    %bitcast_convert_type3A_895 = tpu.bitcast %add3A_894 : vector<512x128xf32> -> vector<512x128xi32>
    %and3A_896 = arith.constant 2147483584 : i32
    %and3A_897 = vector.broadcast %and3A_896 : i32 to vector<512x128xi32>
    %and3A_898 = arith.andi %bitcast_convert_type3A_895, %and3A_897 : vector<512x128xi32>
    %or3A_899 = arith.constant 25 : i32
    %or3A_900 = vector.broadcast %or3A_899 : i32 to vector<512x128xi32>
    %or3A_901 = arith.ori %and3A_898, %or3A_900 : vector<512x128xi32>
    %bitcast_convert_type3A_902 = tpu.bitcast %or3A_901 : vector<512x128xi32> -> vector<512x128xf32>
    %min3A_903 = arith.minimumf %min3A_869, %bitcast_convert_type3A_902 : vector<512x128xf32>
    %max3A_904 = arith.maximumf %min3A_869, %bitcast_convert_type3A_902 : vector<512x128xf32>
    %min3A_905 = arith.minimumf %min3A_871, %max3A_904 : vector<512x128xf32>
    %max3A_906 = arith.maximumf %min3A_871, %max3A_904 : vector<512x128xf32>
    %min3A_907 = arith.minimumf %min3A_873, %max3A_906 : vector<512x128xf32>
    %max3A_908 = arith.maximumf %min3A_873, %max3A_906 : vector<512x128xf32>
    %min3A_909 = arith.minimumf %min3A_875, %max3A_908 : vector<512x128xf32>
    %slice3A_910 = vector.extract_strided_slice %add3A_29 {offsets = [0, 3328], sizes = [1, 128], strides = [1, 1]} : vector<1x6912xf32> to vector<1x128xf32>
    %add3A_911 = vector.broadcast %slice3A_910 : vector<1x128xf32> to vector<512x128xf32>
    %add3A_912 = vector.broadcast %add3A_12 : vector<512x1xf32> to vector<512x128xf32>
    %add3A_913 = arith.addf %add3A_911, %add3A_912 : vector<512x128xf32>
    %slice3A_914 = vector.extract_strided_slice %get3A_4 {offsets = [0, 3328], sizes = [1, 128], strides = [1, 1]} : vector<3x6912xf32> to vector<1x128xf32>
    %mul3A_915 = vector.broadcast %slice3A_16 : vector<512x1xf32> to vector<512x128xf32>
    %mul3A_916 = vector.broadcast %slice3A_914 : vector<1x128xf32> to vector<512x128xf32>
    %mul3A_917 = arith.mulf %mul3A_915, %mul3A_916 : vector<512x128xf32>
    %add3A_918 = arith.addf %add3A_913, %mul3A_917 : vector<512x128xf32>
    %slice3A_919 = vector.extract_strided_slice %get3A_4 {offsets = [1, 3328], sizes = [1, 128], strides = [1, 1]} : vector<3x6912xf32> to vector<1x128xf32>
    %mul3A_920 = vector.broadcast %slice3A_17 : vector<512x1xf32> to vector<512x128xf32>
    %mul3A_921 = vector.broadcast %slice3A_919 : vector<1x128xf32> to vector<512x128xf32>
    %mul3A_922 = arith.mulf %mul3A_920, %mul3A_921 : vector<512x128xf32>
    %add3A_923 = arith.addf %add3A_918, %mul3A_922 : vector<512x128xf32>
    %slice3A_924 = vector.extract_strided_slice %get3A_4 {offsets = [2, 3328], sizes = [1, 128], strides = [1, 1]} : vector<3x6912xf32> to vector<1x128xf32>
    %mul3A_925 = vector.broadcast %slice3A_18 : vector<512x1xf32> to vector<512x128xf32>
    %mul3A_926 = vector.broadcast %slice3A_924 : vector<1x128xf32> to vector<512x128xf32>
    %mul3A_927 = arith.mulf %mul3A_925, %mul3A_926 : vector<512x128xf32>
    %add3A_928 = arith.addf %add3A_923, %mul3A_927 : vector<512x128xf32>
    %bitcast_convert_type3A_929 = tpu.bitcast %add3A_928 : vector<512x128xf32> -> vector<512x128xi32>
    %and3A_930 = arith.constant 2147483584 : i32
    %and3A_931 = vector.broadcast %and3A_930 : i32 to vector<512x128xi32>
    %and3A_932 = arith.andi %bitcast_convert_type3A_929, %and3A_931 : vector<512x128xi32>
    %or3A_933 = arith.constant 26 : i32
    %or3A_934 = vector.broadcast %or3A_933 : i32 to vector<512x128xi32>
    %or3A_935 = arith.ori %and3A_932, %or3A_934 : vector<512x128xi32>
    %bitcast_convert_type3A_936 = tpu.bitcast %or3A_935 : vector<512x128xi32> -> vector<512x128xf32>
    %min3A_937 = arith.minimumf %min3A_903, %bitcast_convert_type3A_936 : vector<512x128xf32>
    %max3A_938 = arith.maximumf %min3A_903, %bitcast_convert_type3A_936 : vector<512x128xf32>
    %min3A_939 = arith.minimumf %min3A_905, %max3A_938 : vector<512x128xf32>
    %max3A_940 = arith.maximumf %min3A_905, %max3A_938 : vector<512x128xf32>
    %min3A_941 = arith.minimumf %min3A_907, %max3A_940 : vector<512x128xf32>
    %max3A_942 = arith.maximumf %min3A_907, %max3A_940 : vector<512x128xf32>
    %min3A_943 = arith.minimumf %min3A_909, %max3A_942 : vector<512x128xf32>
    %slice3A_944 = vector.extract_strided_slice %add3A_29 {offsets = [0, 3456], sizes = [1, 128], strides = [1, 1]} : vector<1x6912xf32> to vector<1x128xf32>
    %add3A_945 = vector.broadcast %slice3A_944 : vector<1x128xf32> to vector<512x128xf32>
    %add3A_946 = vector.broadcast %add3A_12 : vector<512x1xf32> to vector<512x128xf32>
    %add3A_947 = arith.addf %add3A_945, %add3A_946 : vector<512x128xf32>
    %slice3A_948 = vector.extract_strided_slice %get3A_4 {offsets = [0, 3456], sizes = [1, 128], strides = [1, 1]} : vector<3x6912xf32> to vector<1x128xf32>
    %mul3A_949 = vector.broadcast %slice3A_16 : vector<512x1xf32> to vector<512x128xf32>
    %mul3A_950 = vector.broadcast %slice3A_948 : vector<1x128xf32> to vector<512x128xf32>
    %mul3A_951 = arith.mulf %mul3A_949, %mul3A_950 : vector<512x128xf32>
    %add3A_952 = arith.addf %add3A_947, %mul3A_951 : vector<512x128xf32>
    %slice3A_953 = vector.extract_strided_slice %get3A_4 {offsets = [1, 3456], sizes = [1, 128], strides = [1, 1]} : vector<3x6912xf32> to vector<1x128xf32>
    %mul3A_954 = vector.broadcast %slice3A_17 : vector<512x1xf32> to vector<512x128xf32>
    %mul3A_955 = vector.broadcast %slice3A_953 : vector<1x128xf32> to vector<512x128xf32>
    %mul3A_956 = arith.mulf %mul3A_954, %mul3A_955 : vector<512x128xf32>
    %add3A_957 = arith.addf %add3A_952, %mul3A_956 : vector<512x128xf32>
    %slice3A_958 = vector.extract_strided_slice %get3A_4 {offsets = [2, 3456], sizes = [1, 128], strides = [1, 1]} : vector<3x6912xf32> to vector<1x128xf32>
    %mul3A_959 = vector.broadcast %slice3A_18 : vector<512x1xf32> to vector<512x128xf32>
    %mul3A_960 = vector.broadcast %slice3A_958 : vector<1x128xf32> to vector<512x128xf32>
    %mul3A_961 = arith.mulf %mul3A_959, %mul3A_960 : vector<512x128xf32>
    %add3A_962 = arith.addf %add3A_957, %mul3A_961 : vector<512x128xf32>
    %bitcast_convert_type3A_963 = tpu.bitcast %add3A_962 : vector<512x128xf32> -> vector<512x128xi32>
    %and3A_964 = arith.constant 2147483584 : i32
    %and3A_965 = vector.broadcast %and3A_964 : i32 to vector<512x128xi32>
    %and3A_966 = arith.andi %bitcast_convert_type3A_963, %and3A_965 : vector<512x128xi32>
    %or3A_967 = arith.constant 27 : i32
    %or3A_968 = vector.broadcast %or3A_967 : i32 to vector<512x128xi32>
    %or3A_969 = arith.ori %and3A_966, %or3A_968 : vector<512x128xi32>
    %bitcast_convert_type3A_970 = tpu.bitcast %or3A_969 : vector<512x128xi32> -> vector<512x128xf32>
    %min3A_971 = arith.minimumf %min3A_937, %bitcast_convert_type3A_970 : vector<512x128xf32>
    %max3A_972 = arith.maximumf %min3A_937, %bitcast_convert_type3A_970 : vector<512x128xf32>
    %min3A_973 = arith.minimumf %min3A_939, %max3A_972 : vector<512x128xf32>
    %max3A_974 = arith.maximumf %min3A_939, %max3A_972 : vector<512x128xf32>
    %min3A_975 = arith.minimumf %min3A_941, %max3A_974 : vector<512x128xf32>
    %max3A_976 = arith.maximumf %min3A_941, %max3A_974 : vector<512x128xf32>
    %min3A_977 = arith.minimumf %min3A_943, %max3A_976 : vector<512x128xf32>
    %slice3A_978 = vector.extract_strided_slice %add3A_29 {offsets = [0, 3584], sizes = [1, 128], strides = [1, 1]} : vector<1x6912xf32> to vector<1x128xf32>
    %add3A_979 = vector.broadcast %slice3A_978 : vector<1x128xf32> to vector<512x128xf32>
    %add3A_980 = vector.broadcast %add3A_12 : vector<512x1xf32> to vector<512x128xf32>
    %add3A_981 = arith.addf %add3A_979, %add3A_980 : vector<512x128xf32>
    %slice3A_982 = vector.extract_strided_slice %get3A_4 {offsets = [0, 3584], sizes = [1, 128], strides = [1, 1]} : vector<3x6912xf32> to vector<1x128xf32>
    %mul3A_983 = vector.broadcast %slice3A_16 : vector<512x1xf32> to vector<512x128xf32>
    %mul3A_984 = vector.broadcast %slice3A_982 : vector<1x128xf32> to vector<512x128xf32>
    %mul3A_985 = arith.mulf %mul3A_983, %mul3A_984 : vector<512x128xf32>
    %add3A_986 = arith.addf %add3A_981, %mul3A_985 : vector<512x128xf32>
    %slice3A_987 = vector.extract_strided_slice %get3A_4 {offsets = [1, 3584], sizes = [1, 128], strides = [1, 1]} : vector<3x6912xf32> to vector<1x128xf32>
    %mul3A_988 = vector.broadcast %slice3A_17 : vector<512x1xf32> to vector<512x128xf32>
    %mul3A_989 = vector.broadcast %slice3A_987 : vector<1x128xf32> to vector<512x128xf32>
    %mul3A_990 = arith.mulf %mul3A_988, %mul3A_989 : vector<512x128xf32>
    %add3A_991 = arith.addf %add3A_986, %mul3A_990 : vector<512x128xf32>
    %slice3A_992 = vector.extract_strided_slice %get3A_4 {offsets = [2, 3584], sizes = [1, 128], strides = [1, 1]} : vector<3x6912xf32> to vector<1x128xf32>
    %mul3A_993 = vector.broadcast %slice3A_18 : vector<512x1xf32> to vector<512x128xf32>
    %mul3A_994 = vector.broadcast %slice3A_992 : vector<1x128xf32> to vector<512x128xf32>
    %mul3A_995 = arith.mulf %mul3A_993, %mul3A_994 : vector<512x128xf32>
    %add3A_996 = arith.addf %add3A_991, %mul3A_995 : vector<512x128xf32>
    %bitcast_convert_type3A_997 = tpu.bitcast %add3A_996 : vector<512x128xf32> -> vector<512x128xi32>
    %and3A_998 = arith.constant 2147483584 : i32
    %and3A_999 = vector.broadcast %and3A_998 : i32 to vector<512x128xi32>
    %and3A_1000 = arith.andi %bitcast_convert_type3A_997, %and3A_999 : vector<512x128xi32>
    %or3A_1001 = arith.constant 28 : i32
    %or3A_1002 = vector.broadcast %or3A_1001 : i32 to vector<512x128xi32>
    %or3A_1003 = arith.ori %and3A_1000, %or3A_1002 : vector<512x128xi32>
    %bitcast_convert_type3A_1004 = tpu.bitcast %or3A_1003 : vector<512x128xi32> -> vector<512x128xf32>
    %min3A_1005 = arith.minimumf %min3A_971, %bitcast_convert_type3A_1004 : vector<512x128xf32>
    %max3A_1006 = arith.maximumf %min3A_971, %bitcast_convert_type3A_1004 : vector<512x128xf32>
    %min3A_1007 = arith.minimumf %min3A_973, %max3A_1006 : vector<512x128xf32>
    %max3A_1008 = arith.maximumf %min3A_973, %max3A_1006 : vector<512x128xf32>
    %min3A_1009 = arith.minimumf %min3A_975, %max3A_1008 : vector<512x128xf32>
    %max3A_1010 = arith.maximumf %min3A_975, %max3A_1008 : vector<512x128xf32>
    %min3A_1011 = arith.minimumf %min3A_977, %max3A_1010 : vector<512x128xf32>
    %slice3A_1012 = vector.extract_strided_slice %add3A_29 {offsets = [0, 3712], sizes = [1, 128], strides = [1, 1]} : vector<1x6912xf32> to vector<1x128xf32>
    %add3A_1013 = vector.broadcast %slice3A_1012 : vector<1x128xf32> to vector<512x128xf32>
    %add3A_1014 = vector.broadcast %add3A_12 : vector<512x1xf32> to vector<512x128xf32>
    %add3A_1015 = arith.addf %add3A_1013, %add3A_1014 : vector<512x128xf32>
    %slice3A_1016 = vector.extract_strided_slice %get3A_4 {offsets = [0, 3712], sizes = [1, 128], strides = [1, 1]} : vector<3x6912xf32> to vector<1x128xf32>
    %mul3A_1017 = vector.broadcast %slice3A_16 : vector<512x1xf32> to vector<512x128xf32>
    %mul3A_1018 = vector.broadcast %slice3A_1016 : vector<1x128xf32> to vector<512x128xf32>
    %mul3A_1019 = arith.mulf %mul3A_1017, %mul3A_1018 : vector<512x128xf32>
    %add3A_1020 = arith.addf %add3A_1015, %mul3A_1019 : vector<512x128xf32>
    %slice3A_1021 = vector.extract_strided_slice %get3A_4 {offsets = [1, 3712], sizes = [1, 128], strides = [1, 1]} : vector<3x6912xf32> to vector<1x128xf32>
    %mul3A_1022 = vector.broadcast %slice3A_17 : vector<512x1xf32> to vector<512x128xf32>
    %mul3A_1023 = vector.broadcast %slice3A_1021 : vector<1x128xf32> to vector<512x128xf32>
    %mul3A_1024 = arith.mulf %mul3A_1022, %mul3A_1023 : vector<512x128xf32>
    %add3A_1025 = arith.addf %add3A_1020, %mul3A_1024 : vector<512x128xf32>
    %slice3A_1026 = vector.extract_strided_slice %get3A_4 {offsets = [2, 3712], sizes = [1, 128], strides = [1, 1]} : vector<3x6912xf32> to vector<1x128xf32>
    %mul3A_1027 = vector.broadcast %slice3A_18 : vector<512x1xf32> to vector<512x128xf32>
    %mul3A_1028 = vector.broadcast %slice3A_1026 : vector<1x128xf32> to vector<512x128xf32>
    %mul3A_1029 = arith.mulf %mul3A_1027, %mul3A_1028 : vector<512x128xf32>
    %add3A_1030 = arith.addf %add3A_1025, %mul3A_1029 : vector<512x128xf32>
    %bitcast_convert_type3A_1031 = tpu.bitcast %add3A_1030 : vector<512x128xf32> -> vector<512x128xi32>
    %and3A_1032 = arith.constant 2147483584 : i32
    %and3A_1033 = vector.broadcast %and3A_1032 : i32 to vector<512x128xi32>
    %and3A_1034 = arith.andi %bitcast_convert_type3A_1031, %and3A_1033 : vector<512x128xi32>
    %or3A_1035 = arith.constant 29 : i32
    %or3A_1036 = vector.broadcast %or3A_1035 : i32 to vector<512x128xi32>
    %or3A_1037 = arith.ori %and3A_1034, %or3A_1036 : vector<512x128xi32>
    %bitcast_convert_type3A_1038 = tpu.bitcast %or3A_1037 : vector<512x128xi32> -> vector<512x128xf32>
    %min3A_1039 = arith.minimumf %min3A_1005, %bitcast_convert_type3A_1038 : vector<512x128xf32>
    %max3A_1040 = arith.maximumf %min3A_1005, %bitcast_convert_type3A_1038 : vector<512x128xf32>
    %min3A_1041 = arith.minimumf %min3A_1007, %max3A_1040 : vector<512x128xf32>
    %max3A_1042 = arith.maximumf %min3A_1007, %max3A_1040 : vector<512x128xf32>
    %min3A_1043 = arith.minimumf %min3A_1009, %max3A_1042 : vector<512x128xf32>
    %max3A_1044 = arith.maximumf %min3A_1009, %max3A_1042 : vector<512x128xf32>
    %min3A_1045 = arith.minimumf %min3A_1011, %max3A_1044 : vector<512x128xf32>
    %slice3A_1046 = vector.extract_strided_slice %add3A_29 {offsets = [0, 3840], sizes = [1, 128], strides = [1, 1]} : vector<1x6912xf32> to vector<1x128xf32>
    %add3A_1047 = vector.broadcast %slice3A_1046 : vector<1x128xf32> to vector<512x128xf32>
    %add3A_1048 = vector.broadcast %add3A_12 : vector<512x1xf32> to vector<512x128xf32>
    %add3A_1049 = arith.addf %add3A_1047, %add3A_1048 : vector<512x128xf32>
    %slice3A_1050 = vector.extract_strided_slice %get3A_4 {offsets = [0, 3840], sizes = [1, 128], strides = [1, 1]} : vector<3x6912xf32> to vector<1x128xf32>
    %mul3A_1051 = vector.broadcast %slice3A_16 : vector<512x1xf32> to vector<512x128xf32>
    %mul3A_1052 = vector.broadcast %slice3A_1050 : vector<1x128xf32> to vector<512x128xf32>
    %mul3A_1053 = arith.mulf %mul3A_1051, %mul3A_1052 : vector<512x128xf32>
    %add3A_1054 = arith.addf %add3A_1049, %mul3A_1053 : vector<512x128xf32>
    %slice3A_1055 = vector.extract_strided_slice %get3A_4 {offsets = [1, 3840], sizes = [1, 128], strides = [1, 1]} : vector<3x6912xf32> to vector<1x128xf32>
    %mul3A_1056 = vector.broadcast %slice3A_17 : vector<512x1xf32> to vector<512x128xf32>
    %mul3A_1057 = vector.broadcast %slice3A_1055 : vector<1x128xf32> to vector<512x128xf32>
    %mul3A_1058 = arith.mulf %mul3A_1056, %mul3A_1057 : vector<512x128xf32>
    %add3A_1059 = arith.addf %add3A_1054, %mul3A_1058 : vector<512x128xf32>
    %slice3A_1060 = vector.extract_strided_slice %get3A_4 {offsets = [2, 3840], sizes = [1, 128], strides = [1, 1]} : vector<3x6912xf32> to vector<1x128xf32>
    %mul3A_1061 = vector.broadcast %slice3A_18 : vector<512x1xf32> to vector<512x128xf32>
    %mul3A_1062 = vector.broadcast %slice3A_1060 : vector<1x128xf32> to vector<512x128xf32>
    %mul3A_1063 = arith.mulf %mul3A_1061, %mul3A_1062 : vector<512x128xf32>
    %add3A_1064 = arith.addf %add3A_1059, %mul3A_1063 : vector<512x128xf32>
    %bitcast_convert_type3A_1065 = tpu.bitcast %add3A_1064 : vector<512x128xf32> -> vector<512x128xi32>
    %and3A_1066 = arith.constant 2147483584 : i32
    %and3A_1067 = vector.broadcast %and3A_1066 : i32 to vector<512x128xi32>
    %and3A_1068 = arith.andi %bitcast_convert_type3A_1065, %and3A_1067 : vector<512x128xi32>
    %or3A_1069 = arith.constant 30 : i32
    %or3A_1070 = vector.broadcast %or3A_1069 : i32 to vector<512x128xi32>
    %or3A_1071 = arith.ori %and3A_1068, %or3A_1070 : vector<512x128xi32>
    %bitcast_convert_type3A_1072 = tpu.bitcast %or3A_1071 : vector<512x128xi32> -> vector<512x128xf32>
    %min3A_1073 = arith.minimumf %min3A_1039, %bitcast_convert_type3A_1072 : vector<512x128xf32>
    %max3A_1074 = arith.maximumf %min3A_1039, %bitcast_convert_type3A_1072 : vector<512x128xf32>
    %min3A_1075 = arith.minimumf %min3A_1041, %max3A_1074 : vector<512x128xf32>
    %max3A_1076 = arith.maximumf %min3A_1041, %max3A_1074 : vector<512x128xf32>
    %min3A_1077 = arith.minimumf %min3A_1043, %max3A_1076 : vector<512x128xf32>
    %max3A_1078 = arith.maximumf %min3A_1043, %max3A_1076 : vector<512x128xf32>
    %min3A_1079 = arith.minimumf %min3A_1045, %max3A_1078 : vector<512x128xf32>
    %slice3A_1080 = vector.extract_strided_slice %add3A_29 {offsets = [0, 3968], sizes = [1, 128], strides = [1, 1]} : vector<1x6912xf32> to vector<1x128xf32>
    %add3A_1081 = vector.broadcast %slice3A_1080 : vector<1x128xf32> to vector<512x128xf32>
    %add3A_1082 = vector.broadcast %add3A_12 : vector<512x1xf32> to vector<512x128xf32>
    %add3A_1083 = arith.addf %add3A_1081, %add3A_1082 : vector<512x128xf32>
    %slice3A_1084 = vector.extract_strided_slice %get3A_4 {offsets = [0, 3968], sizes = [1, 128], strides = [1, 1]} : vector<3x6912xf32> to vector<1x128xf32>
    %mul3A_1085 = vector.broadcast %slice3A_16 : vector<512x1xf32> to vector<512x128xf32>
    %mul3A_1086 = vector.broadcast %slice3A_1084 : vector<1x128xf32> to vector<512x128xf32>
    %mul3A_1087 = arith.mulf %mul3A_1085, %mul3A_1086 : vector<512x128xf32>
    %add3A_1088 = arith.addf %add3A_1083, %mul3A_1087 : vector<512x128xf32>
    %slice3A_1089 = vector.extract_strided_slice %get3A_4 {offsets = [1, 3968], sizes = [1, 128], strides = [1, 1]} : vector<3x6912xf32> to vector<1x128xf32>
    %mul3A_1090 = vector.broadcast %slice3A_17 : vector<512x1xf32> to vector<512x128xf32>
    %mul3A_1091 = vector.broadcast %slice3A_1089 : vector<1x128xf32> to vector<512x128xf32>
    %mul3A_1092 = arith.mulf %mul3A_1090, %mul3A_1091 : vector<512x128xf32>
    %add3A_1093 = arith.addf %add3A_1088, %mul3A_1092 : vector<512x128xf32>
    %slice3A_1094 = vector.extract_strided_slice %get3A_4 {offsets = [2, 3968], sizes = [1, 128], strides = [1, 1]} : vector<3x6912xf32> to vector<1x128xf32>
    %mul3A_1095 = vector.broadcast %slice3A_18 : vector<512x1xf32> to vector<512x128xf32>
    %mul3A_1096 = vector.broadcast %slice3A_1094 : vector<1x128xf32> to vector<512x128xf32>
    %mul3A_1097 = arith.mulf %mul3A_1095, %mul3A_1096 : vector<512x128xf32>
    %add3A_1098 = arith.addf %add3A_1093, %mul3A_1097 : vector<512x128xf32>
    %bitcast_convert_type3A_1099 = tpu.bitcast %add3A_1098 : vector<512x128xf32> -> vector<512x128xi32>
    %and3A_1100 = arith.constant 2147483584 : i32
    %and3A_1101 = vector.broadcast %and3A_1100 : i32 to vector<512x128xi32>
    %and3A_1102 = arith.andi %bitcast_convert_type3A_1099, %and3A_1101 : vector<512x128xi32>
    %or3A_1103 = arith.constant 31 : i32
    %or3A_1104 = vector.broadcast %or3A_1103 : i32 to vector<512x128xi32>
    %or3A_1105 = arith.ori %and3A_1102, %or3A_1104 : vector<512x128xi32>
    %bitcast_convert_type3A_1106 = tpu.bitcast %or3A_1105 : vector<512x128xi32> -> vector<512x128xf32>
    %min3A_1107 = arith.minimumf %min3A_1073, %bitcast_convert_type3A_1106 : vector<512x128xf32>
    %max3A_1108 = arith.maximumf %min3A_1073, %bitcast_convert_type3A_1106 : vector<512x128xf32>
    %min3A_1109 = arith.minimumf %min3A_1075, %max3A_1108 : vector<512x128xf32>
    %max3A_1110 = arith.maximumf %min3A_1075, %max3A_1108 : vector<512x128xf32>
    %min3A_1111 = arith.minimumf %min3A_1077, %max3A_1110 : vector<512x128xf32>
    %max3A_1112 = arith.maximumf %min3A_1077, %max3A_1110 : vector<512x128xf32>
    %min3A_1113 = arith.minimumf %min3A_1079, %max3A_1112 : vector<512x128xf32>
    %slice3A_1114 = vector.extract_strided_slice %add3A_29 {offsets = [0, 4096], sizes = [1, 128], strides = [1, 1]} : vector<1x6912xf32> to vector<1x128xf32>
    %add3A_1115 = vector.broadcast %slice3A_1114 : vector<1x128xf32> to vector<512x128xf32>
    %add3A_1116 = vector.broadcast %add3A_12 : vector<512x1xf32> to vector<512x128xf32>
    %add3A_1117 = arith.addf %add3A_1115, %add3A_1116 : vector<512x128xf32>
    %slice3A_1118 = vector.extract_strided_slice %get3A_4 {offsets = [0, 4096], sizes = [1, 128], strides = [1, 1]} : vector<3x6912xf32> to vector<1x128xf32>
    %mul3A_1119 = vector.broadcast %slice3A_16 : vector<512x1xf32> to vector<512x128xf32>
    %mul3A_1120 = vector.broadcast %slice3A_1118 : vector<1x128xf32> to vector<512x128xf32>
    %mul3A_1121 = arith.mulf %mul3A_1119, %mul3A_1120 : vector<512x128xf32>
    %add3A_1122 = arith.addf %add3A_1117, %mul3A_1121 : vector<512x128xf32>
    %slice3A_1123 = vector.extract_strided_slice %get3A_4 {offsets = [1, 4096], sizes = [1, 128], strides = [1, 1]} : vector<3x6912xf32> to vector<1x128xf32>
    %mul3A_1124 = vector.broadcast %slice3A_17 : vector<512x1xf32> to vector<512x128xf32>
    %mul3A_1125 = vector.broadcast %slice3A_1123 : vector<1x128xf32> to vector<512x128xf32>
    %mul3A_1126 = arith.mulf %mul3A_1124, %mul3A_1125 : vector<512x128xf32>
    %add3A_1127 = arith.addf %add3A_1122, %mul3A_1126 : vector<512x128xf32>
    %slice3A_1128 = vector.extract_strided_slice %get3A_4 {offsets = [2, 4096], sizes = [1, 128], strides = [1, 1]} : vector<3x6912xf32> to vector<1x128xf32>
    %mul3A_1129 = vector.broadcast %slice3A_18 : vector<512x1xf32> to vector<512x128xf32>
    %mul3A_1130 = vector.broadcast %slice3A_1128 : vector<1x128xf32> to vector<512x128xf32>
    %mul3A_1131 = arith.mulf %mul3A_1129, %mul3A_1130 : vector<512x128xf32>
    %add3A_1132 = arith.addf %add3A_1127, %mul3A_1131 : vector<512x128xf32>
    %bitcast_convert_type3A_1133 = tpu.bitcast %add3A_1132 : vector<512x128xf32> -> vector<512x128xi32>
    %and3A_1134 = arith.constant 2147483584 : i32
    %and3A_1135 = vector.broadcast %and3A_1134 : i32 to vector<512x128xi32>
    %and3A_1136 = arith.andi %bitcast_convert_type3A_1133, %and3A_1135 : vector<512x128xi32>
    %or3A_1137 = arith.constant 32 : i32
    %or3A_1138 = vector.broadcast %or3A_1137 : i32 to vector<512x128xi32>
    %or3A_1139 = arith.ori %and3A_1136, %or3A_1138 : vector<512x128xi32>
    %bitcast_convert_type3A_1140 = tpu.bitcast %or3A_1139 : vector<512x128xi32> -> vector<512x128xf32>
    %min3A_1141 = arith.minimumf %min3A_1107, %bitcast_convert_type3A_1140 : vector<512x128xf32>
    %max3A_1142 = arith.maximumf %min3A_1107, %bitcast_convert_type3A_1140 : vector<512x128xf32>
    %min3A_1143 = arith.minimumf %min3A_1109, %max3A_1142 : vector<512x128xf32>
    %max3A_1144 = arith.maximumf %min3A_1109, %max3A_1142 : vector<512x128xf32>
    %min3A_1145 = arith.minimumf %min3A_1111, %max3A_1144 : vector<512x128xf32>
    %max3A_1146 = arith.maximumf %min3A_1111, %max3A_1144 : vector<512x128xf32>
    %min3A_1147 = arith.minimumf %min3A_1113, %max3A_1146 : vector<512x128xf32>
    %slice3A_1148 = vector.extract_strided_slice %add3A_29 {offsets = [0, 4224], sizes = [1, 128], strides = [1, 1]} : vector<1x6912xf32> to vector<1x128xf32>
    %add3A_1149 = vector.broadcast %slice3A_1148 : vector<1x128xf32> to vector<512x128xf32>
    %add3A_1150 = vector.broadcast %add3A_12 : vector<512x1xf32> to vector<512x128xf32>
    %add3A_1151 = arith.addf %add3A_1149, %add3A_1150 : vector<512x128xf32>
    %slice3A_1152 = vector.extract_strided_slice %get3A_4 {offsets = [0, 4224], sizes = [1, 128], strides = [1, 1]} : vector<3x6912xf32> to vector<1x128xf32>
    %mul3A_1153 = vector.broadcast %slice3A_16 : vector<512x1xf32> to vector<512x128xf32>
    %mul3A_1154 = vector.broadcast %slice3A_1152 : vector<1x128xf32> to vector<512x128xf32>
    %mul3A_1155 = arith.mulf %mul3A_1153, %mul3A_1154 : vector<512x128xf32>
    %add3A_1156 = arith.addf %add3A_1151, %mul3A_1155 : vector<512x128xf32>
    %slice3A_1157 = vector.extract_strided_slice %get3A_4 {offsets = [1, 4224], sizes = [1, 128], strides = [1, 1]} : vector<3x6912xf32> to vector<1x128xf32>
    %mul3A_1158 = vector.broadcast %slice3A_17 : vector<512x1xf32> to vector<512x128xf32>
    %mul3A_1159 = vector.broadcast %slice3A_1157 : vector<1x128xf32> to vector<512x128xf32>
    %mul3A_1160 = arith.mulf %mul3A_1158, %mul3A_1159 : vector<512x128xf32>
    %add3A_1161 = arith.addf %add3A_1156, %mul3A_1160 : vector<512x128xf32>
    %slice3A_1162 = vector.extract_strided_slice %get3A_4 {offsets = [2, 4224], sizes = [1, 128], strides = [1, 1]} : vector<3x6912xf32> to vector<1x128xf32>
    %mul3A_1163 = vector.broadcast %slice3A_18 : vector<512x1xf32> to vector<512x128xf32>
    %mul3A_1164 = vector.broadcast %slice3A_1162 : vector<1x128xf32> to vector<512x128xf32>
    %mul3A_1165 = arith.mulf %mul3A_1163, %mul3A_1164 : vector<512x128xf32>
    %add3A_1166 = arith.addf %add3A_1161, %mul3A_1165 : vector<512x128xf32>
    %bitcast_convert_type3A_1167 = tpu.bitcast %add3A_1166 : vector<512x128xf32> -> vector<512x128xi32>
    %and3A_1168 = arith.constant 2147483584 : i32
    %and3A_1169 = vector.broadcast %and3A_1168 : i32 to vector<512x128xi32>
    %and3A_1170 = arith.andi %bitcast_convert_type3A_1167, %and3A_1169 : vector<512x128xi32>
    %or3A_1171 = arith.constant 33 : i32
    %or3A_1172 = vector.broadcast %or3A_1171 : i32 to vector<512x128xi32>
    %or3A_1173 = arith.ori %and3A_1170, %or3A_1172 : vector<512x128xi32>
    %bitcast_convert_type3A_1174 = tpu.bitcast %or3A_1173 : vector<512x128xi32> -> vector<512x128xf32>
    %min3A_1175 = arith.minimumf %min3A_1141, %bitcast_convert_type3A_1174 : vector<512x128xf32>
    %max3A_1176 = arith.maximumf %min3A_1141, %bitcast_convert_type3A_1174 : vector<512x128xf32>
    %min3A_1177 = arith.minimumf %min3A_1143, %max3A_1176 : vector<512x128xf32>
    %max3A_1178 = arith.maximumf %min3A_1143, %max3A_1176 : vector<512x128xf32>
    %min3A_1179 = arith.minimumf %min3A_1145, %max3A_1178 : vector<512x128xf32>
    %max3A_1180 = arith.maximumf %min3A_1145, %max3A_1178 : vector<512x128xf32>
    %min3A_1181 = arith.minimumf %min3A_1147, %max3A_1180 : vector<512x128xf32>
    %slice3A_1182 = vector.extract_strided_slice %add3A_29 {offsets = [0, 4352], sizes = [1, 128], strides = [1, 1]} : vector<1x6912xf32> to vector<1x128xf32>
    %add3A_1183 = vector.broadcast %slice3A_1182 : vector<1x128xf32> to vector<512x128xf32>
    %add3A_1184 = vector.broadcast %add3A_12 : vector<512x1xf32> to vector<512x128xf32>
    %add3A_1185 = arith.addf %add3A_1183, %add3A_1184 : vector<512x128xf32>
    %slice3A_1186 = vector.extract_strided_slice %get3A_4 {offsets = [0, 4352], sizes = [1, 128], strides = [1, 1]} : vector<3x6912xf32> to vector<1x128xf32>
    %mul3A_1187 = vector.broadcast %slice3A_16 : vector<512x1xf32> to vector<512x128xf32>
    %mul3A_1188 = vector.broadcast %slice3A_1186 : vector<1x128xf32> to vector<512x128xf32>
    %mul3A_1189 = arith.mulf %mul3A_1187, %mul3A_1188 : vector<512x128xf32>
    %add3A_1190 = arith.addf %add3A_1185, %mul3A_1189 : vector<512x128xf32>
    %slice3A_1191 = vector.extract_strided_slice %get3A_4 {offsets = [1, 4352], sizes = [1, 128], strides = [1, 1]} : vector<3x6912xf32> to vector<1x128xf32>
    %mul3A_1192 = vector.broadcast %slice3A_17 : vector<512x1xf32> to vector<512x128xf32>
    %mul3A_1193 = vector.broadcast %slice3A_1191 : vector<1x128xf32> to vector<512x128xf32>
    %mul3A_1194 = arith.mulf %mul3A_1192, %mul3A_1193 : vector<512x128xf32>
    %add3A_1195 = arith.addf %add3A_1190, %mul3A_1194 : vector<512x128xf32>
    %slice3A_1196 = vector.extract_strided_slice %get3A_4 {offsets = [2, 4352], sizes = [1, 128], strides = [1, 1]} : vector<3x6912xf32> to vector<1x128xf32>
    %mul3A_1197 = vector.broadcast %slice3A_18 : vector<512x1xf32> to vector<512x128xf32>
    %mul3A_1198 = vector.broadcast %slice3A_1196 : vector<1x128xf32> to vector<512x128xf32>
    %mul3A_1199 = arith.mulf %mul3A_1197, %mul3A_1198 : vector<512x128xf32>
    %add3A_1200 = arith.addf %add3A_1195, %mul3A_1199 : vector<512x128xf32>
    %bitcast_convert_type3A_1201 = tpu.bitcast %add3A_1200 : vector<512x128xf32> -> vector<512x128xi32>
    %and3A_1202 = arith.constant 2147483584 : i32
    %and3A_1203 = vector.broadcast %and3A_1202 : i32 to vector<512x128xi32>
    %and3A_1204 = arith.andi %bitcast_convert_type3A_1201, %and3A_1203 : vector<512x128xi32>
    %or3A_1205 = arith.constant 34 : i32
    %or3A_1206 = vector.broadcast %or3A_1205 : i32 to vector<512x128xi32>
    %or3A_1207 = arith.ori %and3A_1204, %or3A_1206 : vector<512x128xi32>
    %bitcast_convert_type3A_1208 = tpu.bitcast %or3A_1207 : vector<512x128xi32> -> vector<512x128xf32>
    %min3A_1209 = arith.minimumf %min3A_1175, %bitcast_convert_type3A_1208 : vector<512x128xf32>
    %max3A_1210 = arith.maximumf %min3A_1175, %bitcast_convert_type3A_1208 : vector<512x128xf32>
    %min3A_1211 = arith.minimumf %min3A_1177, %max3A_1210 : vector<512x128xf32>
    %max3A_1212 = arith.maximumf %min3A_1177, %max3A_1210 : vector<512x128xf32>
    %min3A_1213 = arith.minimumf %min3A_1179, %max3A_1212 : vector<512x128xf32>
    %max3A_1214 = arith.maximumf %min3A_1179, %max3A_1212 : vector<512x128xf32>
    %min3A_1215 = arith.minimumf %min3A_1181, %max3A_1214 : vector<512x128xf32>
    %slice3A_1216 = vector.extract_strided_slice %add3A_29 {offsets = [0, 4480], sizes = [1, 128], strides = [1, 1]} : vector<1x6912xf32> to vector<1x128xf32>
    %add3A_1217 = vector.broadcast %slice3A_1216 : vector<1x128xf32> to vector<512x128xf32>
    %add3A_1218 = vector.broadcast %add3A_12 : vector<512x1xf32> to vector<512x128xf32>
    %add3A_1219 = arith.addf %add3A_1217, %add3A_1218 : vector<512x128xf32>
    %slice3A_1220 = vector.extract_strided_slice %get3A_4 {offsets = [0, 4480], sizes = [1, 128], strides = [1, 1]} : vector<3x6912xf32> to vector<1x128xf32>
    %mul3A_1221 = vector.broadcast %slice3A_16 : vector<512x1xf32> to vector<512x128xf32>
    %mul3A_1222 = vector.broadcast %slice3A_1220 : vector<1x128xf32> to vector<512x128xf32>
    %mul3A_1223 = arith.mulf %mul3A_1221, %mul3A_1222 : vector<512x128xf32>
    %add3A_1224 = arith.addf %add3A_1219, %mul3A_1223 : vector<512x128xf32>
    %slice3A_1225 = vector.extract_strided_slice %get3A_4 {offsets = [1, 4480], sizes = [1, 128], strides = [1, 1]} : vector<3x6912xf32> to vector<1x128xf32>
    %mul3A_1226 = vector.broadcast %slice3A_17 : vector<512x1xf32> to vector<512x128xf32>
    %mul3A_1227 = vector.broadcast %slice3A_1225 : vector<1x128xf32> to vector<512x128xf32>
    %mul3A_1228 = arith.mulf %mul3A_1226, %mul3A_1227 : vector<512x128xf32>
    %add3A_1229 = arith.addf %add3A_1224, %mul3A_1228 : vector<512x128xf32>
    %slice3A_1230 = vector.extract_strided_slice %get3A_4 {offsets = [2, 4480], sizes = [1, 128], strides = [1, 1]} : vector<3x6912xf32> to vector<1x128xf32>
    %mul3A_1231 = vector.broadcast %slice3A_18 : vector<512x1xf32> to vector<512x128xf32>
    %mul3A_1232 = vector.broadcast %slice3A_1230 : vector<1x128xf32> to vector<512x128xf32>
    %mul3A_1233 = arith.mulf %mul3A_1231, %mul3A_1232 : vector<512x128xf32>
    %add3A_1234 = arith.addf %add3A_1229, %mul3A_1233 : vector<512x128xf32>
    %bitcast_convert_type3A_1235 = tpu.bitcast %add3A_1234 : vector<512x128xf32> -> vector<512x128xi32>
    %and3A_1236 = arith.constant 2147483584 : i32
    %and3A_1237 = vector.broadcast %and3A_1236 : i32 to vector<512x128xi32>
    %and3A_1238 = arith.andi %bitcast_convert_type3A_1235, %and3A_1237 : vector<512x128xi32>
    %or3A_1239 = arith.constant 35 : i32
    %or3A_1240 = vector.broadcast %or3A_1239 : i32 to vector<512x128xi32>
    %or3A_1241 = arith.ori %and3A_1238, %or3A_1240 : vector<512x128xi32>
    %bitcast_convert_type3A_1242 = tpu.bitcast %or3A_1241 : vector<512x128xi32> -> vector<512x128xf32>
    %min3A_1243 = arith.minimumf %min3A_1209, %bitcast_convert_type3A_1242 : vector<512x128xf32>
    %max3A_1244 = arith.maximumf %min3A_1209, %bitcast_convert_type3A_1242 : vector<512x128xf32>
    %min3A_1245 = arith.minimumf %min3A_1211, %max3A_1244 : vector<512x128xf32>
    %max3A_1246 = arith.maximumf %min3A_1211, %max3A_1244 : vector<512x128xf32>
    %min3A_1247 = arith.minimumf %min3A_1213, %max3A_1246 : vector<512x128xf32>
    %max3A_1248 = arith.maximumf %min3A_1213, %max3A_1246 : vector<512x128xf32>
    %min3A_1249 = arith.minimumf %min3A_1215, %max3A_1248 : vector<512x128xf32>
    %slice3A_1250 = vector.extract_strided_slice %add3A_29 {offsets = [0, 4608], sizes = [1, 128], strides = [1, 1]} : vector<1x6912xf32> to vector<1x128xf32>
    %add3A_1251 = vector.broadcast %slice3A_1250 : vector<1x128xf32> to vector<512x128xf32>
    %add3A_1252 = vector.broadcast %add3A_12 : vector<512x1xf32> to vector<512x128xf32>
    %add3A_1253 = arith.addf %add3A_1251, %add3A_1252 : vector<512x128xf32>
    %slice3A_1254 = vector.extract_strided_slice %get3A_4 {offsets = [0, 4608], sizes = [1, 128], strides = [1, 1]} : vector<3x6912xf32> to vector<1x128xf32>
    %mul3A_1255 = vector.broadcast %slice3A_16 : vector<512x1xf32> to vector<512x128xf32>
    %mul3A_1256 = vector.broadcast %slice3A_1254 : vector<1x128xf32> to vector<512x128xf32>
    %mul3A_1257 = arith.mulf %mul3A_1255, %mul3A_1256 : vector<512x128xf32>
    %add3A_1258 = arith.addf %add3A_1253, %mul3A_1257 : vector<512x128xf32>
    %slice3A_1259 = vector.extract_strided_slice %get3A_4 {offsets = [1, 4608], sizes = [1, 128], strides = [1, 1]} : vector<3x6912xf32> to vector<1x128xf32>
    %mul3A_1260 = vector.broadcast %slice3A_17 : vector<512x1xf32> to vector<512x128xf32>
    %mul3A_1261 = vector.broadcast %slice3A_1259 : vector<1x128xf32> to vector<512x128xf32>
    %mul3A_1262 = arith.mulf %mul3A_1260, %mul3A_1261 : vector<512x128xf32>
    %add3A_1263 = arith.addf %add3A_1258, %mul3A_1262 : vector<512x128xf32>
    %slice3A_1264 = vector.extract_strided_slice %get3A_4 {offsets = [2, 4608], sizes = [1, 128], strides = [1, 1]} : vector<3x6912xf32> to vector<1x128xf32>
    %mul3A_1265 = vector.broadcast %slice3A_18 : vector<512x1xf32> to vector<512x128xf32>
    %mul3A_1266 = vector.broadcast %slice3A_1264 : vector<1x128xf32> to vector<512x128xf32>
    %mul3A_1267 = arith.mulf %mul3A_1265, %mul3A_1266 : vector<512x128xf32>
    %add3A_1268 = arith.addf %add3A_1263, %mul3A_1267 : vector<512x128xf32>
    %bitcast_convert_type3A_1269 = tpu.bitcast %add3A_1268 : vector<512x128xf32> -> vector<512x128xi32>
    %and3A_1270 = arith.constant 2147483584 : i32
    %and3A_1271 = vector.broadcast %and3A_1270 : i32 to vector<512x128xi32>
    %and3A_1272 = arith.andi %bitcast_convert_type3A_1269, %and3A_1271 : vector<512x128xi32>
    %or3A_1273 = arith.constant 36 : i32
    %or3A_1274 = vector.broadcast %or3A_1273 : i32 to vector<512x128xi32>
    %or3A_1275 = arith.ori %and3A_1272, %or3A_1274 : vector<512x128xi32>
    %bitcast_convert_type3A_1276 = tpu.bitcast %or3A_1275 : vector<512x128xi32> -> vector<512x128xf32>
    %min3A_1277 = arith.minimumf %min3A_1243, %bitcast_convert_type3A_1276 : vector<512x128xf32>
    %max3A_1278 = arith.maximumf %min3A_1243, %bitcast_convert_type3A_1276 : vector<512x128xf32>
    %min3A_1279 = arith.minimumf %min3A_1245, %max3A_1278 : vector<512x128xf32>
    %max3A_1280 = arith.maximumf %min3A_1245, %max3A_1278 : vector<512x128xf32>
    %min3A_1281 = arith.minimumf %min3A_1247, %max3A_1280 : vector<512x128xf32>
    %max3A_1282 = arith.maximumf %min3A_1247, %max3A_1280 : vector<512x128xf32>
    %min3A_1283 = arith.minimumf %min3A_1249, %max3A_1282 : vector<512x128xf32>
    %slice3A_1284 = vector.extract_strided_slice %add3A_29 {offsets = [0, 4736], sizes = [1, 128], strides = [1, 1]} : vector<1x6912xf32> to vector<1x128xf32>
    %add3A_1285 = vector.broadcast %slice3A_1284 : vector<1x128xf32> to vector<512x128xf32>
    %add3A_1286 = vector.broadcast %add3A_12 : vector<512x1xf32> to vector<512x128xf32>
    %add3A_1287 = arith.addf %add3A_1285, %add3A_1286 : vector<512x128xf32>
    %slice3A_1288 = vector.extract_strided_slice %get3A_4 {offsets = [0, 4736], sizes = [1, 128], strides = [1, 1]} : vector<3x6912xf32> to vector<1x128xf32>
    %mul3A_1289 = vector.broadcast %slice3A_16 : vector<512x1xf32> to vector<512x128xf32>
    %mul3A_1290 = vector.broadcast %slice3A_1288 : vector<1x128xf32> to vector<512x128xf32>
    %mul3A_1291 = arith.mulf %mul3A_1289, %mul3A_1290 : vector<512x128xf32>
    %add3A_1292 = arith.addf %add3A_1287, %mul3A_1291 : vector<512x128xf32>
    %slice3A_1293 = vector.extract_strided_slice %get3A_4 {offsets = [1, 4736], sizes = [1, 128], strides = [1, 1]} : vector<3x6912xf32> to vector<1x128xf32>
    %mul3A_1294 = vector.broadcast %slice3A_17 : vector<512x1xf32> to vector<512x128xf32>
    %mul3A_1295 = vector.broadcast %slice3A_1293 : vector<1x128xf32> to vector<512x128xf32>
    %mul3A_1296 = arith.mulf %mul3A_1294, %mul3A_1295 : vector<512x128xf32>
    %add3A_1297 = arith.addf %add3A_1292, %mul3A_1296 : vector<512x128xf32>
    %slice3A_1298 = vector.extract_strided_slice %get3A_4 {offsets = [2, 4736], sizes = [1, 128], strides = [1, 1]} : vector<3x6912xf32> to vector<1x128xf32>
    %mul3A_1299 = vector.broadcast %slice3A_18 : vector<512x1xf32> to vector<512x128xf32>
    %mul3A_1300 = vector.broadcast %slice3A_1298 : vector<1x128xf32> to vector<512x128xf32>
    %mul3A_1301 = arith.mulf %mul3A_1299, %mul3A_1300 : vector<512x128xf32>
    %add3A_1302 = arith.addf %add3A_1297, %mul3A_1301 : vector<512x128xf32>
    %bitcast_convert_type3A_1303 = tpu.bitcast %add3A_1302 : vector<512x128xf32> -> vector<512x128xi32>
    %and3A_1304 = arith.constant 2147483584 : i32
    %and3A_1305 = vector.broadcast %and3A_1304 : i32 to vector<512x128xi32>
    %and3A_1306 = arith.andi %bitcast_convert_type3A_1303, %and3A_1305 : vector<512x128xi32>
    %or3A_1307 = arith.constant 37 : i32
    %or3A_1308 = vector.broadcast %or3A_1307 : i32 to vector<512x128xi32>
    %or3A_1309 = arith.ori %and3A_1306, %or3A_1308 : vector<512x128xi32>
    %bitcast_convert_type3A_1310 = tpu.bitcast %or3A_1309 : vector<512x128xi32> -> vector<512x128xf32>
    %min3A_1311 = arith.minimumf %min3A_1277, %bitcast_convert_type3A_1310 : vector<512x128xf32>
    %max3A_1312 = arith.maximumf %min3A_1277, %bitcast_convert_type3A_1310 : vector<512x128xf32>
    %min3A_1313 = arith.minimumf %min3A_1279, %max3A_1312 : vector<512x128xf32>
    %max3A_1314 = arith.maximumf %min3A_1279, %max3A_1312 : vector<512x128xf32>
    %min3A_1315 = arith.minimumf %min3A_1281, %max3A_1314 : vector<512x128xf32>
    %max3A_1316 = arith.maximumf %min3A_1281, %max3A_1314 : vector<512x128xf32>
    %min3A_1317 = arith.minimumf %min3A_1283, %max3A_1316 : vector<512x128xf32>
    %slice3A_1318 = vector.extract_strided_slice %add3A_29 {offsets = [0, 4864], sizes = [1, 128], strides = [1, 1]} : vector<1x6912xf32> to vector<1x128xf32>
    %add3A_1319 = vector.broadcast %slice3A_1318 : vector<1x128xf32> to vector<512x128xf32>
    %add3A_1320 = vector.broadcast %add3A_12 : vector<512x1xf32> to vector<512x128xf32>
    %add3A_1321 = arith.addf %add3A_1319, %add3A_1320 : vector<512x128xf32>
    %slice3A_1322 = vector.extract_strided_slice %get3A_4 {offsets = [0, 4864], sizes = [1, 128], strides = [1, 1]} : vector<3x6912xf32> to vector<1x128xf32>
    %mul3A_1323 = vector.broadcast %slice3A_16 : vector<512x1xf32> to vector<512x128xf32>
    %mul3A_1324 = vector.broadcast %slice3A_1322 : vector<1x128xf32> to vector<512x128xf32>
    %mul3A_1325 = arith.mulf %mul3A_1323, %mul3A_1324 : vector<512x128xf32>
    %add3A_1326 = arith.addf %add3A_1321, %mul3A_1325 : vector<512x128xf32>
    %slice3A_1327 = vector.extract_strided_slice %get3A_4 {offsets = [1, 4864], sizes = [1, 128], strides = [1, 1]} : vector<3x6912xf32> to vector<1x128xf32>
    %mul3A_1328 = vector.broadcast %slice3A_17 : vector<512x1xf32> to vector<512x128xf32>
    %mul3A_1329 = vector.broadcast %slice3A_1327 : vector<1x128xf32> to vector<512x128xf32>
    %mul3A_1330 = arith.mulf %mul3A_1328, %mul3A_1329 : vector<512x128xf32>
    %add3A_1331 = arith.addf %add3A_1326, %mul3A_1330 : vector<512x128xf32>
    %slice3A_1332 = vector.extract_strided_slice %get3A_4 {offsets = [2, 4864], sizes = [1, 128], strides = [1, 1]} : vector<3x6912xf32> to vector<1x128xf32>
    %mul3A_1333 = vector.broadcast %slice3A_18 : vector<512x1xf32> to vector<512x128xf32>
    %mul3A_1334 = vector.broadcast %slice3A_1332 : vector<1x128xf32> to vector<512x128xf32>
    %mul3A_1335 = arith.mulf %mul3A_1333, %mul3A_1334 : vector<512x128xf32>
    %add3A_1336 = arith.addf %add3A_1331, %mul3A_1335 : vector<512x128xf32>
    %bitcast_convert_type3A_1337 = tpu.bitcast %add3A_1336 : vector<512x128xf32> -> vector<512x128xi32>
    %and3A_1338 = arith.constant 2147483584 : i32
    %and3A_1339 = vector.broadcast %and3A_1338 : i32 to vector<512x128xi32>
    %and3A_1340 = arith.andi %bitcast_convert_type3A_1337, %and3A_1339 : vector<512x128xi32>
    %or3A_1341 = arith.constant 38 : i32
    %or3A_1342 = vector.broadcast %or3A_1341 : i32 to vector<512x128xi32>
    %or3A_1343 = arith.ori %and3A_1340, %or3A_1342 : vector<512x128xi32>
    %bitcast_convert_type3A_1344 = tpu.bitcast %or3A_1343 : vector<512x128xi32> -> vector<512x128xf32>
    %min3A_1345 = arith.minimumf %min3A_1311, %bitcast_convert_type3A_1344 : vector<512x128xf32>
    %max3A_1346 = arith.maximumf %min3A_1311, %bitcast_convert_type3A_1344 : vector<512x128xf32>
    %min3A_1347 = arith.minimumf %min3A_1313, %max3A_1346 : vector<512x128xf32>
    %max3A_1348 = arith.maximumf %min3A_1313, %max3A_1346 : vector<512x128xf32>
    %min3A_1349 = arith.minimumf %min3A_1315, %max3A_1348 : vector<512x128xf32>
    %max3A_1350 = arith.maximumf %min3A_1315, %max3A_1348 : vector<512x128xf32>
    %min3A_1351 = arith.minimumf %min3A_1317, %max3A_1350 : vector<512x128xf32>
    %slice3A_1352 = vector.extract_strided_slice %add3A_29 {offsets = [0, 4992], sizes = [1, 128], strides = [1, 1]} : vector<1x6912xf32> to vector<1x128xf32>
    %add3A_1353 = vector.broadcast %slice3A_1352 : vector<1x128xf32> to vector<512x128xf32>
    %add3A_1354 = vector.broadcast %add3A_12 : vector<512x1xf32> to vector<512x128xf32>
    %add3A_1355 = arith.addf %add3A_1353, %add3A_1354 : vector<512x128xf32>
    %slice3A_1356 = vector.extract_strided_slice %get3A_4 {offsets = [0, 4992], sizes = [1, 128], strides = [1, 1]} : vector<3x6912xf32> to vector<1x128xf32>
    %mul3A_1357 = vector.broadcast %slice3A_16 : vector<512x1xf32> to vector<512x128xf32>
    %mul3A_1358 = vector.broadcast %slice3A_1356 : vector<1x128xf32> to vector<512x128xf32>
    %mul3A_1359 = arith.mulf %mul3A_1357, %mul3A_1358 : vector<512x128xf32>
    %add3A_1360 = arith.addf %add3A_1355, %mul3A_1359 : vector<512x128xf32>
    %slice3A_1361 = vector.extract_strided_slice %get3A_4 {offsets = [1, 4992], sizes = [1, 128], strides = [1, 1]} : vector<3x6912xf32> to vector<1x128xf32>
    %mul3A_1362 = vector.broadcast %slice3A_17 : vector<512x1xf32> to vector<512x128xf32>
    %mul3A_1363 = vector.broadcast %slice3A_1361 : vector<1x128xf32> to vector<512x128xf32>
    %mul3A_1364 = arith.mulf %mul3A_1362, %mul3A_1363 : vector<512x128xf32>
    %add3A_1365 = arith.addf %add3A_1360, %mul3A_1364 : vector<512x128xf32>
    %slice3A_1366 = vector.extract_strided_slice %get3A_4 {offsets = [2, 4992], sizes = [1, 128], strides = [1, 1]} : vector<3x6912xf32> to vector<1x128xf32>
    %mul3A_1367 = vector.broadcast %slice3A_18 : vector<512x1xf32> to vector<512x128xf32>
    %mul3A_1368 = vector.broadcast %slice3A_1366 : vector<1x128xf32> to vector<512x128xf32>
    %mul3A_1369 = arith.mulf %mul3A_1367, %mul3A_1368 : vector<512x128xf32>
    %add3A_1370 = arith.addf %add3A_1365, %mul3A_1369 : vector<512x128xf32>
    %bitcast_convert_type3A_1371 = tpu.bitcast %add3A_1370 : vector<512x128xf32> -> vector<512x128xi32>
    %and3A_1372 = arith.constant 2147483584 : i32
    %and3A_1373 = vector.broadcast %and3A_1372 : i32 to vector<512x128xi32>
    %and3A_1374 = arith.andi %bitcast_convert_type3A_1371, %and3A_1373 : vector<512x128xi32>
    %or3A_1375 = arith.constant 39 : i32
    %or3A_1376 = vector.broadcast %or3A_1375 : i32 to vector<512x128xi32>
    %or3A_1377 = arith.ori %and3A_1374, %or3A_1376 : vector<512x128xi32>
    %bitcast_convert_type3A_1378 = tpu.bitcast %or3A_1377 : vector<512x128xi32> -> vector<512x128xf32>
    %min3A_1379 = arith.minimumf %min3A_1345, %bitcast_convert_type3A_1378 : vector<512x128xf32>
    %max3A_1380 = arith.maximumf %min3A_1345, %bitcast_convert_type3A_1378 : vector<512x128xf32>
    %min3A_1381 = arith.minimumf %min3A_1347, %max3A_1380 : vector<512x128xf32>
    %max3A_1382 = arith.maximumf %min3A_1347, %max3A_1380 : vector<512x128xf32>
    %min3A_1383 = arith.minimumf %min3A_1349, %max3A_1382 : vector<512x128xf32>
    %max3A_1384 = arith.maximumf %min3A_1349, %max3A_1382 : vector<512x128xf32>
    %min3A_1385 = arith.minimumf %min3A_1351, %max3A_1384 : vector<512x128xf32>
    %slice3A_1386 = vector.extract_strided_slice %add3A_29 {offsets = [0, 5120], sizes = [1, 128], strides = [1, 1]} : vector<1x6912xf32> to vector<1x128xf32>
    %add3A_1387 = vector.broadcast %slice3A_1386 : vector<1x128xf32> to vector<512x128xf32>
    %add3A_1388 = vector.broadcast %add3A_12 : vector<512x1xf32> to vector<512x128xf32>
    %add3A_1389 = arith.addf %add3A_1387, %add3A_1388 : vector<512x128xf32>
    %slice3A_1390 = vector.extract_strided_slice %get3A_4 {offsets = [0, 5120], sizes = [1, 128], strides = [1, 1]} : vector<3x6912xf32> to vector<1x128xf32>
    %mul3A_1391 = vector.broadcast %slice3A_16 : vector<512x1xf32> to vector<512x128xf32>
    %mul3A_1392 = vector.broadcast %slice3A_1390 : vector<1x128xf32> to vector<512x128xf32>
    %mul3A_1393 = arith.mulf %mul3A_1391, %mul3A_1392 : vector<512x128xf32>
    %add3A_1394 = arith.addf %add3A_1389, %mul3A_1393 : vector<512x128xf32>
    %slice3A_1395 = vector.extract_strided_slice %get3A_4 {offsets = [1, 5120], sizes = [1, 128], strides = [1, 1]} : vector<3x6912xf32> to vector<1x128xf32>
    %mul3A_1396 = vector.broadcast %slice3A_17 : vector<512x1xf32> to vector<512x128xf32>
    %mul3A_1397 = vector.broadcast %slice3A_1395 : vector<1x128xf32> to vector<512x128xf32>
    %mul3A_1398 = arith.mulf %mul3A_1396, %mul3A_1397 : vector<512x128xf32>
    %add3A_1399 = arith.addf %add3A_1394, %mul3A_1398 : vector<512x128xf32>
    %slice3A_1400 = vector.extract_strided_slice %get3A_4 {offsets = [2, 5120], sizes = [1, 128], strides = [1, 1]} : vector<3x6912xf32> to vector<1x128xf32>
    %mul3A_1401 = vector.broadcast %slice3A_18 : vector<512x1xf32> to vector<512x128xf32>
    %mul3A_1402 = vector.broadcast %slice3A_1400 : vector<1x128xf32> to vector<512x128xf32>
    %mul3A_1403 = arith.mulf %mul3A_1401, %mul3A_1402 : vector<512x128xf32>
    %add3A_1404 = arith.addf %add3A_1399, %mul3A_1403 : vector<512x128xf32>
    %bitcast_convert_type3A_1405 = tpu.bitcast %add3A_1404 : vector<512x128xf32> -> vector<512x128xi32>
    %and3A_1406 = arith.constant 2147483584 : i32
    %and3A_1407 = vector.broadcast %and3A_1406 : i32 to vector<512x128xi32>
    %and3A_1408 = arith.andi %bitcast_convert_type3A_1405, %and3A_1407 : vector<512x128xi32>
    %or3A_1409 = arith.constant 40 : i32
    %or3A_1410 = vector.broadcast %or3A_1409 : i32 to vector<512x128xi32>
    %or3A_1411 = arith.ori %and3A_1408, %or3A_1410 : vector<512x128xi32>
    %bitcast_convert_type3A_1412 = tpu.bitcast %or3A_1411 : vector<512x128xi32> -> vector<512x128xf32>
    %min3A_1413 = arith.minimumf %min3A_1379, %bitcast_convert_type3A_1412 : vector<512x128xf32>
    %max3A_1414 = arith.maximumf %min3A_1379, %bitcast_convert_type3A_1412 : vector<512x128xf32>
    %min3A_1415 = arith.minimumf %min3A_1381, %max3A_1414 : vector<512x128xf32>
    %max3A_1416 = arith.maximumf %min3A_1381, %max3A_1414 : vector<512x128xf32>
    %min3A_1417 = arith.minimumf %min3A_1383, %max3A_1416 : vector<512x128xf32>
    %max3A_1418 = arith.maximumf %min3A_1383, %max3A_1416 : vector<512x128xf32>
    %min3A_1419 = arith.minimumf %min3A_1385, %max3A_1418 : vector<512x128xf32>
    %slice3A_1420 = vector.extract_strided_slice %add3A_29 {offsets = [0, 5248], sizes = [1, 128], strides = [1, 1]} : vector<1x6912xf32> to vector<1x128xf32>
    %add3A_1421 = vector.broadcast %slice3A_1420 : vector<1x128xf32> to vector<512x128xf32>
    %add3A_1422 = vector.broadcast %add3A_12 : vector<512x1xf32> to vector<512x128xf32>
    %add3A_1423 = arith.addf %add3A_1421, %add3A_1422 : vector<512x128xf32>
    %slice3A_1424 = vector.extract_strided_slice %get3A_4 {offsets = [0, 5248], sizes = [1, 128], strides = [1, 1]} : vector<3x6912xf32> to vector<1x128xf32>
    %mul3A_1425 = vector.broadcast %slice3A_16 : vector<512x1xf32> to vector<512x128xf32>
    %mul3A_1426 = vector.broadcast %slice3A_1424 : vector<1x128xf32> to vector<512x128xf32>
    %mul3A_1427 = arith.mulf %mul3A_1425, %mul3A_1426 : vector<512x128xf32>
    %add3A_1428 = arith.addf %add3A_1423, %mul3A_1427 : vector<512x128xf32>
    %slice3A_1429 = vector.extract_strided_slice %get3A_4 {offsets = [1, 5248], sizes = [1, 128], strides = [1, 1]} : vector<3x6912xf32> to vector<1x128xf32>
    %mul3A_1430 = vector.broadcast %slice3A_17 : vector<512x1xf32> to vector<512x128xf32>
    %mul3A_1431 = vector.broadcast %slice3A_1429 : vector<1x128xf32> to vector<512x128xf32>
    %mul3A_1432 = arith.mulf %mul3A_1430, %mul3A_1431 : vector<512x128xf32>
    %add3A_1433 = arith.addf %add3A_1428, %mul3A_1432 : vector<512x128xf32>
    %slice3A_1434 = vector.extract_strided_slice %get3A_4 {offsets = [2, 5248], sizes = [1, 128], strides = [1, 1]} : vector<3x6912xf32> to vector<1x128xf32>
    %mul3A_1435 = vector.broadcast %slice3A_18 : vector<512x1xf32> to vector<512x128xf32>
    %mul3A_1436 = vector.broadcast %slice3A_1434 : vector<1x128xf32> to vector<512x128xf32>
    %mul3A_1437 = arith.mulf %mul3A_1435, %mul3A_1436 : vector<512x128xf32>
    %add3A_1438 = arith.addf %add3A_1433, %mul3A_1437 : vector<512x128xf32>
    %bitcast_convert_type3A_1439 = tpu.bitcast %add3A_1438 : vector<512x128xf32> -> vector<512x128xi32>
    %and3A_1440 = arith.constant 2147483584 : i32
    %and3A_1441 = vector.broadcast %and3A_1440 : i32 to vector<512x128xi32>
    %and3A_1442 = arith.andi %bitcast_convert_type3A_1439, %and3A_1441 : vector<512x128xi32>
    %or3A_1443 = arith.constant 41 : i32
    %or3A_1444 = vector.broadcast %or3A_1443 : i32 to vector<512x128xi32>
    %or3A_1445 = arith.ori %and3A_1442, %or3A_1444 : vector<512x128xi32>
    %bitcast_convert_type3A_1446 = tpu.bitcast %or3A_1445 : vector<512x128xi32> -> vector<512x128xf32>
    %min3A_1447 = arith.minimumf %min3A_1413, %bitcast_convert_type3A_1446 : vector<512x128xf32>
    %max3A_1448 = arith.maximumf %min3A_1413, %bitcast_convert_type3A_1446 : vector<512x128xf32>
    %min3A_1449 = arith.minimumf %min3A_1415, %max3A_1448 : vector<512x128xf32>
    %max3A_1450 = arith.maximumf %min3A_1415, %max3A_1448 : vector<512x128xf32>
    %min3A_1451 = arith.minimumf %min3A_1417, %max3A_1450 : vector<512x128xf32>
    %max3A_1452 = arith.maximumf %min3A_1417, %max3A_1450 : vector<512x128xf32>
    %min3A_1453 = arith.minimumf %min3A_1419, %max3A_1452 : vector<512x128xf32>
    %slice3A_1454 = vector.extract_strided_slice %add3A_29 {offsets = [0, 5376], sizes = [1, 128], strides = [1, 1]} : vector<1x6912xf32> to vector<1x128xf32>
    %add3A_1455 = vector.broadcast %slice3A_1454 : vector<1x128xf32> to vector<512x128xf32>
    %add3A_1456 = vector.broadcast %add3A_12 : vector<512x1xf32> to vector<512x128xf32>
    %add3A_1457 = arith.addf %add3A_1455, %add3A_1456 : vector<512x128xf32>
    %slice3A_1458 = vector.extract_strided_slice %get3A_4 {offsets = [0, 5376], sizes = [1, 128], strides = [1, 1]} : vector<3x6912xf32> to vector<1x128xf32>
    %mul3A_1459 = vector.broadcast %slice3A_16 : vector<512x1xf32> to vector<512x128xf32>
    %mul3A_1460 = vector.broadcast %slice3A_1458 : vector<1x128xf32> to vector<512x128xf32>
    %mul3A_1461 = arith.mulf %mul3A_1459, %mul3A_1460 : vector<512x128xf32>
    %add3A_1462 = arith.addf %add3A_1457, %mul3A_1461 : vector<512x128xf32>
    %slice3A_1463 = vector.extract_strided_slice %get3A_4 {offsets = [1, 5376], sizes = [1, 128], strides = [1, 1]} : vector<3x6912xf32> to vector<1x128xf32>
    %mul3A_1464 = vector.broadcast %slice3A_17 : vector<512x1xf32> to vector<512x128xf32>
    %mul3A_1465 = vector.broadcast %slice3A_1463 : vector<1x128xf32> to vector<512x128xf32>
    %mul3A_1466 = arith.mulf %mul3A_1464, %mul3A_1465 : vector<512x128xf32>
    %add3A_1467 = arith.addf %add3A_1462, %mul3A_1466 : vector<512x128xf32>
    %slice3A_1468 = vector.extract_strided_slice %get3A_4 {offsets = [2, 5376], sizes = [1, 128], strides = [1, 1]} : vector<3x6912xf32> to vector<1x128xf32>
    %mul3A_1469 = vector.broadcast %slice3A_18 : vector<512x1xf32> to vector<512x128xf32>
    %mul3A_1470 = vector.broadcast %slice3A_1468 : vector<1x128xf32> to vector<512x128xf32>
    %mul3A_1471 = arith.mulf %mul3A_1469, %mul3A_1470 : vector<512x128xf32>
    %add3A_1472 = arith.addf %add3A_1467, %mul3A_1471 : vector<512x128xf32>
    %bitcast_convert_type3A_1473 = tpu.bitcast %add3A_1472 : vector<512x128xf32> -> vector<512x128xi32>
    %and3A_1474 = arith.constant 2147483584 : i32
    %and3A_1475 = vector.broadcast %and3A_1474 : i32 to vector<512x128xi32>
    %and3A_1476 = arith.andi %bitcast_convert_type3A_1473, %and3A_1475 : vector<512x128xi32>
    %or3A_1477 = arith.constant 42 : i32
    %or3A_1478 = vector.broadcast %or3A_1477 : i32 to vector<512x128xi32>
    %or3A_1479 = arith.ori %and3A_1476, %or3A_1478 : vector<512x128xi32>
    %bitcast_convert_type3A_1480 = tpu.bitcast %or3A_1479 : vector<512x128xi32> -> vector<512x128xf32>
    %min3A_1481 = arith.minimumf %min3A_1447, %bitcast_convert_type3A_1480 : vector<512x128xf32>
    %max3A_1482 = arith.maximumf %min3A_1447, %bitcast_convert_type3A_1480 : vector<512x128xf32>
    %min3A_1483 = arith.minimumf %min3A_1449, %max3A_1482 : vector<512x128xf32>
    %max3A_1484 = arith.maximumf %min3A_1449, %max3A_1482 : vector<512x128xf32>
    %min3A_1485 = arith.minimumf %min3A_1451, %max3A_1484 : vector<512x128xf32>
    %max3A_1486 = arith.maximumf %min3A_1451, %max3A_1484 : vector<512x128xf32>
    %min3A_1487 = arith.minimumf %min3A_1453, %max3A_1486 : vector<512x128xf32>
    %slice3A_1488 = vector.extract_strided_slice %add3A_29 {offsets = [0, 5504], sizes = [1, 128], strides = [1, 1]} : vector<1x6912xf32> to vector<1x128xf32>
    %add3A_1489 = vector.broadcast %slice3A_1488 : vector<1x128xf32> to vector<512x128xf32>
    %add3A_1490 = vector.broadcast %add3A_12 : vector<512x1xf32> to vector<512x128xf32>
    %add3A_1491 = arith.addf %add3A_1489, %add3A_1490 : vector<512x128xf32>
    %slice3A_1492 = vector.extract_strided_slice %get3A_4 {offsets = [0, 5504], sizes = [1, 128], strides = [1, 1]} : vector<3x6912xf32> to vector<1x128xf32>
    %mul3A_1493 = vector.broadcast %slice3A_16 : vector<512x1xf32> to vector<512x128xf32>
    %mul3A_1494 = vector.broadcast %slice3A_1492 : vector<1x128xf32> to vector<512x128xf32>
    %mul3A_1495 = arith.mulf %mul3A_1493, %mul3A_1494 : vector<512x128xf32>
    %add3A_1496 = arith.addf %add3A_1491, %mul3A_1495 : vector<512x128xf32>
    %slice3A_1497 = vector.extract_strided_slice %get3A_4 {offsets = [1, 5504], sizes = [1, 128], strides = [1, 1]} : vector<3x6912xf32> to vector<1x128xf32>
    %mul3A_1498 = vector.broadcast %slice3A_17 : vector<512x1xf32> to vector<512x128xf32>
    %mul3A_1499 = vector.broadcast %slice3A_1497 : vector<1x128xf32> to vector<512x128xf32>
    %mul3A_1500 = arith.mulf %mul3A_1498, %mul3A_1499 : vector<512x128xf32>
    %add3A_1501 = arith.addf %add3A_1496, %mul3A_1500 : vector<512x128xf32>
    %slice3A_1502 = vector.extract_strided_slice %get3A_4 {offsets = [2, 5504], sizes = [1, 128], strides = [1, 1]} : vector<3x6912xf32> to vector<1x128xf32>
    %mul3A_1503 = vector.broadcast %slice3A_18 : vector<512x1xf32> to vector<512x128xf32>
    %mul3A_1504 = vector.broadcast %slice3A_1502 : vector<1x128xf32> to vector<512x128xf32>
    %mul3A_1505 = arith.mulf %mul3A_1503, %mul3A_1504 : vector<512x128xf32>
    %add3A_1506 = arith.addf %add3A_1501, %mul3A_1505 : vector<512x128xf32>
    %bitcast_convert_type3A_1507 = tpu.bitcast %add3A_1506 : vector<512x128xf32> -> vector<512x128xi32>
    %and3A_1508 = arith.constant 2147483584 : i32
    %and3A_1509 = vector.broadcast %and3A_1508 : i32 to vector<512x128xi32>
    %and3A_1510 = arith.andi %bitcast_convert_type3A_1507, %and3A_1509 : vector<512x128xi32>
    %or3A_1511 = arith.constant 43 : i32
    %or3A_1512 = vector.broadcast %or3A_1511 : i32 to vector<512x128xi32>
    %or3A_1513 = arith.ori %and3A_1510, %or3A_1512 : vector<512x128xi32>
    %bitcast_convert_type3A_1514 = tpu.bitcast %or3A_1513 : vector<512x128xi32> -> vector<512x128xf32>
    %min3A_1515 = arith.minimumf %min3A_1481, %bitcast_convert_type3A_1514 : vector<512x128xf32>
    %max3A_1516 = arith.maximumf %min3A_1481, %bitcast_convert_type3A_1514 : vector<512x128xf32>
    %min3A_1517 = arith.minimumf %min3A_1483, %max3A_1516 : vector<512x128xf32>
    %max3A_1518 = arith.maximumf %min3A_1483, %max3A_1516 : vector<512x128xf32>
    %min3A_1519 = arith.minimumf %min3A_1485, %max3A_1518 : vector<512x128xf32>
    %max3A_1520 = arith.maximumf %min3A_1485, %max3A_1518 : vector<512x128xf32>
    %min3A_1521 = arith.minimumf %min3A_1487, %max3A_1520 : vector<512x128xf32>
    %slice3A_1522 = vector.extract_strided_slice %add3A_29 {offsets = [0, 5632], sizes = [1, 128], strides = [1, 1]} : vector<1x6912xf32> to vector<1x128xf32>
    %add3A_1523 = vector.broadcast %slice3A_1522 : vector<1x128xf32> to vector<512x128xf32>
    %add3A_1524 = vector.broadcast %add3A_12 : vector<512x1xf32> to vector<512x128xf32>
    %add3A_1525 = arith.addf %add3A_1523, %add3A_1524 : vector<512x128xf32>
    %slice3A_1526 = vector.extract_strided_slice %get3A_4 {offsets = [0, 5632], sizes = [1, 128], strides = [1, 1]} : vector<3x6912xf32> to vector<1x128xf32>
    %mul3A_1527 = vector.broadcast %slice3A_16 : vector<512x1xf32> to vector<512x128xf32>
    %mul3A_1528 = vector.broadcast %slice3A_1526 : vector<1x128xf32> to vector<512x128xf32>
    %mul3A_1529 = arith.mulf %mul3A_1527, %mul3A_1528 : vector<512x128xf32>
    %add3A_1530 = arith.addf %add3A_1525, %mul3A_1529 : vector<512x128xf32>
    %slice3A_1531 = vector.extract_strided_slice %get3A_4 {offsets = [1, 5632], sizes = [1, 128], strides = [1, 1]} : vector<3x6912xf32> to vector<1x128xf32>
    %mul3A_1532 = vector.broadcast %slice3A_17 : vector<512x1xf32> to vector<512x128xf32>
    %mul3A_1533 = vector.broadcast %slice3A_1531 : vector<1x128xf32> to vector<512x128xf32>
    %mul3A_1534 = arith.mulf %mul3A_1532, %mul3A_1533 : vector<512x128xf32>
    %add3A_1535 = arith.addf %add3A_1530, %mul3A_1534 : vector<512x128xf32>
    %slice3A_1536 = vector.extract_strided_slice %get3A_4 {offsets = [2, 5632], sizes = [1, 128], strides = [1, 1]} : vector<3x6912xf32> to vector<1x128xf32>
    %mul3A_1537 = vector.broadcast %slice3A_18 : vector<512x1xf32> to vector<512x128xf32>
    %mul3A_1538 = vector.broadcast %slice3A_1536 : vector<1x128xf32> to vector<512x128xf32>
    %mul3A_1539 = arith.mulf %mul3A_1537, %mul3A_1538 : vector<512x128xf32>
    %add3A_1540 = arith.addf %add3A_1535, %mul3A_1539 : vector<512x128xf32>
    %bitcast_convert_type3A_1541 = tpu.bitcast %add3A_1540 : vector<512x128xf32> -> vector<512x128xi32>
    %and3A_1542 = arith.constant 2147483584 : i32
    %and3A_1543 = vector.broadcast %and3A_1542 : i32 to vector<512x128xi32>
    %and3A_1544 = arith.andi %bitcast_convert_type3A_1541, %and3A_1543 : vector<512x128xi32>
    %or3A_1545 = arith.constant 44 : i32
    %or3A_1546 = vector.broadcast %or3A_1545 : i32 to vector<512x128xi32>
    %or3A_1547 = arith.ori %and3A_1544, %or3A_1546 : vector<512x128xi32>
    %bitcast_convert_type3A_1548 = tpu.bitcast %or3A_1547 : vector<512x128xi32> -> vector<512x128xf32>
    %min3A_1549 = arith.minimumf %min3A_1515, %bitcast_convert_type3A_1548 : vector<512x128xf32>
    %max3A_1550 = arith.maximumf %min3A_1515, %bitcast_convert_type3A_1548 : vector<512x128xf32>
    %min3A_1551 = arith.minimumf %min3A_1517, %max3A_1550 : vector<512x128xf32>
    %max3A_1552 = arith.maximumf %min3A_1517, %max3A_1550 : vector<512x128xf32>
    %min3A_1553 = arith.minimumf %min3A_1519, %max3A_1552 : vector<512x128xf32>
    %max3A_1554 = arith.maximumf %min3A_1519, %max3A_1552 : vector<512x128xf32>
    %min3A_1555 = arith.minimumf %min3A_1521, %max3A_1554 : vector<512x128xf32>
    %slice3A_1556 = vector.extract_strided_slice %add3A_29 {offsets = [0, 5760], sizes = [1, 128], strides = [1, 1]} : vector<1x6912xf32> to vector<1x128xf32>
    %add3A_1557 = vector.broadcast %slice3A_1556 : vector<1x128xf32> to vector<512x128xf32>
    %add3A_1558 = vector.broadcast %add3A_12 : vector<512x1xf32> to vector<512x128xf32>
    %add3A_1559 = arith.addf %add3A_1557, %add3A_1558 : vector<512x128xf32>
    %slice3A_1560 = vector.extract_strided_slice %get3A_4 {offsets = [0, 5760], sizes = [1, 128], strides = [1, 1]} : vector<3x6912xf32> to vector<1x128xf32>
    %mul3A_1561 = vector.broadcast %slice3A_16 : vector<512x1xf32> to vector<512x128xf32>
    %mul3A_1562 = vector.broadcast %slice3A_1560 : vector<1x128xf32> to vector<512x128xf32>
    %mul3A_1563 = arith.mulf %mul3A_1561, %mul3A_1562 : vector<512x128xf32>
    %add3A_1564 = arith.addf %add3A_1559, %mul3A_1563 : vector<512x128xf32>
    %slice3A_1565 = vector.extract_strided_slice %get3A_4 {offsets = [1, 5760], sizes = [1, 128], strides = [1, 1]} : vector<3x6912xf32> to vector<1x128xf32>
    %mul3A_1566 = vector.broadcast %slice3A_17 : vector<512x1xf32> to vector<512x128xf32>
    %mul3A_1567 = vector.broadcast %slice3A_1565 : vector<1x128xf32> to vector<512x128xf32>
    %mul3A_1568 = arith.mulf %mul3A_1566, %mul3A_1567 : vector<512x128xf32>
    %add3A_1569 = arith.addf %add3A_1564, %mul3A_1568 : vector<512x128xf32>
    %slice3A_1570 = vector.extract_strided_slice %get3A_4 {offsets = [2, 5760], sizes = [1, 128], strides = [1, 1]} : vector<3x6912xf32> to vector<1x128xf32>
    %mul3A_1571 = vector.broadcast %slice3A_18 : vector<512x1xf32> to vector<512x128xf32>
    %mul3A_1572 = vector.broadcast %slice3A_1570 : vector<1x128xf32> to vector<512x128xf32>
    %mul3A_1573 = arith.mulf %mul3A_1571, %mul3A_1572 : vector<512x128xf32>
    %add3A_1574 = arith.addf %add3A_1569, %mul3A_1573 : vector<512x128xf32>
    %bitcast_convert_type3A_1575 = tpu.bitcast %add3A_1574 : vector<512x128xf32> -> vector<512x128xi32>
    %and3A_1576 = arith.constant 2147483584 : i32
    %and3A_1577 = vector.broadcast %and3A_1576 : i32 to vector<512x128xi32>
    %and3A_1578 = arith.andi %bitcast_convert_type3A_1575, %and3A_1577 : vector<512x128xi32>
    %or3A_1579 = arith.constant 45 : i32
    %or3A_1580 = vector.broadcast %or3A_1579 : i32 to vector<512x128xi32>
    %or3A_1581 = arith.ori %and3A_1578, %or3A_1580 : vector<512x128xi32>
    %bitcast_convert_type3A_1582 = tpu.bitcast %or3A_1581 : vector<512x128xi32> -> vector<512x128xf32>
    %min3A_1583 = arith.minimumf %min3A_1549, %bitcast_convert_type3A_1582 : vector<512x128xf32>
    %max3A_1584 = arith.maximumf %min3A_1549, %bitcast_convert_type3A_1582 : vector<512x128xf32>
    %min3A_1585 = arith.minimumf %min3A_1551, %max3A_1584 : vector<512x128xf32>
    %max3A_1586 = arith.maximumf %min3A_1551, %max3A_1584 : vector<512x128xf32>
    %min3A_1587 = arith.minimumf %min3A_1553, %max3A_1586 : vector<512x128xf32>
    %max3A_1588 = arith.maximumf %min3A_1553, %max3A_1586 : vector<512x128xf32>
    %min3A_1589 = arith.minimumf %min3A_1555, %max3A_1588 : vector<512x128xf32>
    %slice3A_1590 = vector.extract_strided_slice %add3A_29 {offsets = [0, 5888], sizes = [1, 128], strides = [1, 1]} : vector<1x6912xf32> to vector<1x128xf32>
    %add3A_1591 = vector.broadcast %slice3A_1590 : vector<1x128xf32> to vector<512x128xf32>
    %add3A_1592 = vector.broadcast %add3A_12 : vector<512x1xf32> to vector<512x128xf32>
    %add3A_1593 = arith.addf %add3A_1591, %add3A_1592 : vector<512x128xf32>
    %slice3A_1594 = vector.extract_strided_slice %get3A_4 {offsets = [0, 5888], sizes = [1, 128], strides = [1, 1]} : vector<3x6912xf32> to vector<1x128xf32>
    %mul3A_1595 = vector.broadcast %slice3A_16 : vector<512x1xf32> to vector<512x128xf32>
    %mul3A_1596 = vector.broadcast %slice3A_1594 : vector<1x128xf32> to vector<512x128xf32>
    %mul3A_1597 = arith.mulf %mul3A_1595, %mul3A_1596 : vector<512x128xf32>
    %add3A_1598 = arith.addf %add3A_1593, %mul3A_1597 : vector<512x128xf32>
    %slice3A_1599 = vector.extract_strided_slice %get3A_4 {offsets = [1, 5888], sizes = [1, 128], strides = [1, 1]} : vector<3x6912xf32> to vector<1x128xf32>
    %mul3A_1600 = vector.broadcast %slice3A_17 : vector<512x1xf32> to vector<512x128xf32>
    %mul3A_1601 = vector.broadcast %slice3A_1599 : vector<1x128xf32> to vector<512x128xf32>
    %mul3A_1602 = arith.mulf %mul3A_1600, %mul3A_1601 : vector<512x128xf32>
    %add3A_1603 = arith.addf %add3A_1598, %mul3A_1602 : vector<512x128xf32>
    %slice3A_1604 = vector.extract_strided_slice %get3A_4 {offsets = [2, 5888], sizes = [1, 128], strides = [1, 1]} : vector<3x6912xf32> to vector<1x128xf32>
    %mul3A_1605 = vector.broadcast %slice3A_18 : vector<512x1xf32> to vector<512x128xf32>
    %mul3A_1606 = vector.broadcast %slice3A_1604 : vector<1x128xf32> to vector<512x128xf32>
    %mul3A_1607 = arith.mulf %mul3A_1605, %mul3A_1606 : vector<512x128xf32>
    %add3A_1608 = arith.addf %add3A_1603, %mul3A_1607 : vector<512x128xf32>
    %bitcast_convert_type3A_1609 = tpu.bitcast %add3A_1608 : vector<512x128xf32> -> vector<512x128xi32>
    %and3A_1610 = arith.constant 2147483584 : i32
    %and3A_1611 = vector.broadcast %and3A_1610 : i32 to vector<512x128xi32>
    %and3A_1612 = arith.andi %bitcast_convert_type3A_1609, %and3A_1611 : vector<512x128xi32>
    %or3A_1613 = arith.constant 46 : i32
    %or3A_1614 = vector.broadcast %or3A_1613 : i32 to vector<512x128xi32>
    %or3A_1615 = arith.ori %and3A_1612, %or3A_1614 : vector<512x128xi32>
    %bitcast_convert_type3A_1616 = tpu.bitcast %or3A_1615 : vector<512x128xi32> -> vector<512x128xf32>
    %min3A_1617 = arith.minimumf %min3A_1583, %bitcast_convert_type3A_1616 : vector<512x128xf32>
    %max3A_1618 = arith.maximumf %min3A_1583, %bitcast_convert_type3A_1616 : vector<512x128xf32>
    %min3A_1619 = arith.minimumf %min3A_1585, %max3A_1618 : vector<512x128xf32>
    %max3A_1620 = arith.maximumf %min3A_1585, %max3A_1618 : vector<512x128xf32>
    %min3A_1621 = arith.minimumf %min3A_1587, %max3A_1620 : vector<512x128xf32>
    %max3A_1622 = arith.maximumf %min3A_1587, %max3A_1620 : vector<512x128xf32>
    %min3A_1623 = arith.minimumf %min3A_1589, %max3A_1622 : vector<512x128xf32>
    %slice3A_1624 = vector.extract_strided_slice %add3A_29 {offsets = [0, 6016], sizes = [1, 128], strides = [1, 1]} : vector<1x6912xf32> to vector<1x128xf32>
    %add3A_1625 = vector.broadcast %slice3A_1624 : vector<1x128xf32> to vector<512x128xf32>
    %add3A_1626 = vector.broadcast %add3A_12 : vector<512x1xf32> to vector<512x128xf32>
    %add3A_1627 = arith.addf %add3A_1625, %add3A_1626 : vector<512x128xf32>
    %slice3A_1628 = vector.extract_strided_slice %get3A_4 {offsets = [0, 6016], sizes = [1, 128], strides = [1, 1]} : vector<3x6912xf32> to vector<1x128xf32>
    %mul3A_1629 = vector.broadcast %slice3A_16 : vector<512x1xf32> to vector<512x128xf32>
    %mul3A_1630 = vector.broadcast %slice3A_1628 : vector<1x128xf32> to vector<512x128xf32>
    %mul3A_1631 = arith.mulf %mul3A_1629, %mul3A_1630 : vector<512x128xf32>
    %add3A_1632 = arith.addf %add3A_1627, %mul3A_1631 : vector<512x128xf32>
    %slice3A_1633 = vector.extract_strided_slice %get3A_4 {offsets = [1, 6016], sizes = [1, 128], strides = [1, 1]} : vector<3x6912xf32> to vector<1x128xf32>
    %mul3A_1634 = vector.broadcast %slice3A_17 : vector<512x1xf32> to vector<512x128xf32>
    %mul3A_1635 = vector.broadcast %slice3A_1633 : vector<1x128xf32> to vector<512x128xf32>
    %mul3A_1636 = arith.mulf %mul3A_1634, %mul3A_1635 : vector<512x128xf32>
    %add3A_1637 = arith.addf %add3A_1632, %mul3A_1636 : vector<512x128xf32>
    %slice3A_1638 = vector.extract_strided_slice %get3A_4 {offsets = [2, 6016], sizes = [1, 128], strides = [1, 1]} : vector<3x6912xf32> to vector<1x128xf32>
    %mul3A_1639 = vector.broadcast %slice3A_18 : vector<512x1xf32> to vector<512x128xf32>
    %mul3A_1640 = vector.broadcast %slice3A_1638 : vector<1x128xf32> to vector<512x128xf32>
    %mul3A_1641 = arith.mulf %mul3A_1639, %mul3A_1640 : vector<512x128xf32>
    %add3A_1642 = arith.addf %add3A_1637, %mul3A_1641 : vector<512x128xf32>
    %bitcast_convert_type3A_1643 = tpu.bitcast %add3A_1642 : vector<512x128xf32> -> vector<512x128xi32>
    %and3A_1644 = arith.constant 2147483584 : i32
    %and3A_1645 = vector.broadcast %and3A_1644 : i32 to vector<512x128xi32>
    %and3A_1646 = arith.andi %bitcast_convert_type3A_1643, %and3A_1645 : vector<512x128xi32>
    %or3A_1647 = arith.constant 47 : i32
    %or3A_1648 = vector.broadcast %or3A_1647 : i32 to vector<512x128xi32>
    %or3A_1649 = arith.ori %and3A_1646, %or3A_1648 : vector<512x128xi32>
    %bitcast_convert_type3A_1650 = tpu.bitcast %or3A_1649 : vector<512x128xi32> -> vector<512x128xf32>
    %min3A_1651 = arith.minimumf %min3A_1617, %bitcast_convert_type3A_1650 : vector<512x128xf32>
    %max3A_1652 = arith.maximumf %min3A_1617, %bitcast_convert_type3A_1650 : vector<512x128xf32>
    %min3A_1653 = arith.minimumf %min3A_1619, %max3A_1652 : vector<512x128xf32>
    %max3A_1654 = arith.maximumf %min3A_1619, %max3A_1652 : vector<512x128xf32>
    %min3A_1655 = arith.minimumf %min3A_1621, %max3A_1654 : vector<512x128xf32>
    %max3A_1656 = arith.maximumf %min3A_1621, %max3A_1654 : vector<512x128xf32>
    %min3A_1657 = arith.minimumf %min3A_1623, %max3A_1656 : vector<512x128xf32>
    %slice3A_1658 = vector.extract_strided_slice %add3A_29 {offsets = [0, 6144], sizes = [1, 128], strides = [1, 1]} : vector<1x6912xf32> to vector<1x128xf32>
    %add3A_1659 = vector.broadcast %slice3A_1658 : vector<1x128xf32> to vector<512x128xf32>
    %add3A_1660 = vector.broadcast %add3A_12 : vector<512x1xf32> to vector<512x128xf32>
    %add3A_1661 = arith.addf %add3A_1659, %add3A_1660 : vector<512x128xf32>
    %slice3A_1662 = vector.extract_strided_slice %get3A_4 {offsets = [0, 6144], sizes = [1, 128], strides = [1, 1]} : vector<3x6912xf32> to vector<1x128xf32>
    %mul3A_1663 = vector.broadcast %slice3A_16 : vector<512x1xf32> to vector<512x128xf32>
    %mul3A_1664 = vector.broadcast %slice3A_1662 : vector<1x128xf32> to vector<512x128xf32>
    %mul3A_1665 = arith.mulf %mul3A_1663, %mul3A_1664 : vector<512x128xf32>
    %add3A_1666 = arith.addf %add3A_1661, %mul3A_1665 : vector<512x128xf32>
    %slice3A_1667 = vector.extract_strided_slice %get3A_4 {offsets = [1, 6144], sizes = [1, 128], strides = [1, 1]} : vector<3x6912xf32> to vector<1x128xf32>
    %mul3A_1668 = vector.broadcast %slice3A_17 : vector<512x1xf32> to vector<512x128xf32>
    %mul3A_1669 = vector.broadcast %slice3A_1667 : vector<1x128xf32> to vector<512x128xf32>
    %mul3A_1670 = arith.mulf %mul3A_1668, %mul3A_1669 : vector<512x128xf32>
    %add3A_1671 = arith.addf %add3A_1666, %mul3A_1670 : vector<512x128xf32>
    %slice3A_1672 = vector.extract_strided_slice %get3A_4 {offsets = [2, 6144], sizes = [1, 128], strides = [1, 1]} : vector<3x6912xf32> to vector<1x128xf32>
    %mul3A_1673 = vector.broadcast %slice3A_18 : vector<512x1xf32> to vector<512x128xf32>
    %mul3A_1674 = vector.broadcast %slice3A_1672 : vector<1x128xf32> to vector<512x128xf32>
    %mul3A_1675 = arith.mulf %mul3A_1673, %mul3A_1674 : vector<512x128xf32>
    %add3A_1676 = arith.addf %add3A_1671, %mul3A_1675 : vector<512x128xf32>
    %bitcast_convert_type3A_1677 = tpu.bitcast %add3A_1676 : vector<512x128xf32> -> vector<512x128xi32>
    %and3A_1678 = arith.constant 2147483584 : i32
    %and3A_1679 = vector.broadcast %and3A_1678 : i32 to vector<512x128xi32>
    %and3A_1680 = arith.andi %bitcast_convert_type3A_1677, %and3A_1679 : vector<512x128xi32>
    %or3A_1681 = arith.constant 48 : i32
    %or3A_1682 = vector.broadcast %or3A_1681 : i32 to vector<512x128xi32>
    %or3A_1683 = arith.ori %and3A_1680, %or3A_1682 : vector<512x128xi32>
    %bitcast_convert_type3A_1684 = tpu.bitcast %or3A_1683 : vector<512x128xi32> -> vector<512x128xf32>
    %min3A_1685 = arith.minimumf %min3A_1651, %bitcast_convert_type3A_1684 : vector<512x128xf32>
    %max3A_1686 = arith.maximumf %min3A_1651, %bitcast_convert_type3A_1684 : vector<512x128xf32>
    %min3A_1687 = arith.minimumf %min3A_1653, %max3A_1686 : vector<512x128xf32>
    %max3A_1688 = arith.maximumf %min3A_1653, %max3A_1686 : vector<512x128xf32>
    %min3A_1689 = arith.minimumf %min3A_1655, %max3A_1688 : vector<512x128xf32>
    %max3A_1690 = arith.maximumf %min3A_1655, %max3A_1688 : vector<512x128xf32>
    %min3A_1691 = arith.minimumf %min3A_1657, %max3A_1690 : vector<512x128xf32>
    %slice3A_1692 = vector.extract_strided_slice %add3A_29 {offsets = [0, 6272], sizes = [1, 128], strides = [1, 1]} : vector<1x6912xf32> to vector<1x128xf32>
    %add3A_1693 = vector.broadcast %slice3A_1692 : vector<1x128xf32> to vector<512x128xf32>
    %add3A_1694 = vector.broadcast %add3A_12 : vector<512x1xf32> to vector<512x128xf32>
    %add3A_1695 = arith.addf %add3A_1693, %add3A_1694 : vector<512x128xf32>
    %slice3A_1696 = vector.extract_strided_slice %get3A_4 {offsets = [0, 6272], sizes = [1, 128], strides = [1, 1]} : vector<3x6912xf32> to vector<1x128xf32>
    %mul3A_1697 = vector.broadcast %slice3A_16 : vector<512x1xf32> to vector<512x128xf32>
    %mul3A_1698 = vector.broadcast %slice3A_1696 : vector<1x128xf32> to vector<512x128xf32>
    %mul3A_1699 = arith.mulf %mul3A_1697, %mul3A_1698 : vector<512x128xf32>
    %add3A_1700 = arith.addf %add3A_1695, %mul3A_1699 : vector<512x128xf32>
    %slice3A_1701 = vector.extract_strided_slice %get3A_4 {offsets = [1, 6272], sizes = [1, 128], strides = [1, 1]} : vector<3x6912xf32> to vector<1x128xf32>
    %mul3A_1702 = vector.broadcast %slice3A_17 : vector<512x1xf32> to vector<512x128xf32>
    %mul3A_1703 = vector.broadcast %slice3A_1701 : vector<1x128xf32> to vector<512x128xf32>
    %mul3A_1704 = arith.mulf %mul3A_1702, %mul3A_1703 : vector<512x128xf32>
    %add3A_1705 = arith.addf %add3A_1700, %mul3A_1704 : vector<512x128xf32>
    %slice3A_1706 = vector.extract_strided_slice %get3A_4 {offsets = [2, 6272], sizes = [1, 128], strides = [1, 1]} : vector<3x6912xf32> to vector<1x128xf32>
    %mul3A_1707 = vector.broadcast %slice3A_18 : vector<512x1xf32> to vector<512x128xf32>
    %mul3A_1708 = vector.broadcast %slice3A_1706 : vector<1x128xf32> to vector<512x128xf32>
    %mul3A_1709 = arith.mulf %mul3A_1707, %mul3A_1708 : vector<512x128xf32>
    %add3A_1710 = arith.addf %add3A_1705, %mul3A_1709 : vector<512x128xf32>
    %bitcast_convert_type3A_1711 = tpu.bitcast %add3A_1710 : vector<512x128xf32> -> vector<512x128xi32>
    %and3A_1712 = arith.constant 2147483584 : i32
    %and3A_1713 = vector.broadcast %and3A_1712 : i32 to vector<512x128xi32>
    %and3A_1714 = arith.andi %bitcast_convert_type3A_1711, %and3A_1713 : vector<512x128xi32>
    %or3A_1715 = arith.constant 49 : i32
    %or3A_1716 = vector.broadcast %or3A_1715 : i32 to vector<512x128xi32>
    %or3A_1717 = arith.ori %and3A_1714, %or3A_1716 : vector<512x128xi32>
    %bitcast_convert_type3A_1718 = tpu.bitcast %or3A_1717 : vector<512x128xi32> -> vector<512x128xf32>
    %min3A_1719 = arith.minimumf %min3A_1685, %bitcast_convert_type3A_1718 : vector<512x128xf32>
    %max3A_1720 = arith.maximumf %min3A_1685, %bitcast_convert_type3A_1718 : vector<512x128xf32>
    %min3A_1721 = arith.minimumf %min3A_1687, %max3A_1720 : vector<512x128xf32>
    %max3A_1722 = arith.maximumf %min3A_1687, %max3A_1720 : vector<512x128xf32>
    %min3A_1723 = arith.minimumf %min3A_1689, %max3A_1722 : vector<512x128xf32>
    %max3A_1724 = arith.maximumf %min3A_1689, %max3A_1722 : vector<512x128xf32>
    %min3A_1725 = arith.minimumf %min3A_1691, %max3A_1724 : vector<512x128xf32>
    %slice3A_1726 = vector.extract_strided_slice %add3A_29 {offsets = [0, 6400], sizes = [1, 128], strides = [1, 1]} : vector<1x6912xf32> to vector<1x128xf32>
    %add3A_1727 = vector.broadcast %slice3A_1726 : vector<1x128xf32> to vector<512x128xf32>
    %add3A_1728 = vector.broadcast %add3A_12 : vector<512x1xf32> to vector<512x128xf32>
    %add3A_1729 = arith.addf %add3A_1727, %add3A_1728 : vector<512x128xf32>
    %slice3A_1730 = vector.extract_strided_slice %get3A_4 {offsets = [0, 6400], sizes = [1, 128], strides = [1, 1]} : vector<3x6912xf32> to vector<1x128xf32>
    %mul3A_1731 = vector.broadcast %slice3A_16 : vector<512x1xf32> to vector<512x128xf32>
    %mul3A_1732 = vector.broadcast %slice3A_1730 : vector<1x128xf32> to vector<512x128xf32>
    %mul3A_1733 = arith.mulf %mul3A_1731, %mul3A_1732 : vector<512x128xf32>
    %add3A_1734 = arith.addf %add3A_1729, %mul3A_1733 : vector<512x128xf32>
    %slice3A_1735 = vector.extract_strided_slice %get3A_4 {offsets = [1, 6400], sizes = [1, 128], strides = [1, 1]} : vector<3x6912xf32> to vector<1x128xf32>
    %mul3A_1736 = vector.broadcast %slice3A_17 : vector<512x1xf32> to vector<512x128xf32>
    %mul3A_1737 = vector.broadcast %slice3A_1735 : vector<1x128xf32> to vector<512x128xf32>
    %mul3A_1738 = arith.mulf %mul3A_1736, %mul3A_1737 : vector<512x128xf32>
    %add3A_1739 = arith.addf %add3A_1734, %mul3A_1738 : vector<512x128xf32>
    %slice3A_1740 = vector.extract_strided_slice %get3A_4 {offsets = [2, 6400], sizes = [1, 128], strides = [1, 1]} : vector<3x6912xf32> to vector<1x128xf32>
    %mul3A_1741 = vector.broadcast %slice3A_18 : vector<512x1xf32> to vector<512x128xf32>
    %mul3A_1742 = vector.broadcast %slice3A_1740 : vector<1x128xf32> to vector<512x128xf32>
    %mul3A_1743 = arith.mulf %mul3A_1741, %mul3A_1742 : vector<512x128xf32>
    %add3A_1744 = arith.addf %add3A_1739, %mul3A_1743 : vector<512x128xf32>
    %bitcast_convert_type3A_1745 = tpu.bitcast %add3A_1744 : vector<512x128xf32> -> vector<512x128xi32>
    %and3A_1746 = arith.constant 2147483584 : i32
    %and3A_1747 = vector.broadcast %and3A_1746 : i32 to vector<512x128xi32>
    %and3A_1748 = arith.andi %bitcast_convert_type3A_1745, %and3A_1747 : vector<512x128xi32>
    %or3A_1749 = arith.constant 50 : i32
    %or3A_1750 = vector.broadcast %or3A_1749 : i32 to vector<512x128xi32>
    %or3A_1751 = arith.ori %and3A_1748, %or3A_1750 : vector<512x128xi32>
    %bitcast_convert_type3A_1752 = tpu.bitcast %or3A_1751 : vector<512x128xi32> -> vector<512x128xf32>
    %min3A_1753 = arith.minimumf %min3A_1719, %bitcast_convert_type3A_1752 : vector<512x128xf32>
    %max3A_1754 = arith.maximumf %min3A_1719, %bitcast_convert_type3A_1752 : vector<512x128xf32>
    %min3A_1755 = arith.minimumf %min3A_1721, %max3A_1754 : vector<512x128xf32>
    %max3A_1756 = arith.maximumf %min3A_1721, %max3A_1754 : vector<512x128xf32>
    %min3A_1757 = arith.minimumf %min3A_1723, %max3A_1756 : vector<512x128xf32>
    %max3A_1758 = arith.maximumf %min3A_1723, %max3A_1756 : vector<512x128xf32>
    %min3A_1759 = arith.minimumf %min3A_1725, %max3A_1758 : vector<512x128xf32>
    %slice3A_1760 = vector.extract_strided_slice %add3A_29 {offsets = [0, 6528], sizes = [1, 128], strides = [1, 1]} : vector<1x6912xf32> to vector<1x128xf32>
    %add3A_1761 = vector.broadcast %slice3A_1760 : vector<1x128xf32> to vector<512x128xf32>
    %add3A_1762 = vector.broadcast %add3A_12 : vector<512x1xf32> to vector<512x128xf32>
    %add3A_1763 = arith.addf %add3A_1761, %add3A_1762 : vector<512x128xf32>
    %slice3A_1764 = vector.extract_strided_slice %get3A_4 {offsets = [0, 6528], sizes = [1, 128], strides = [1, 1]} : vector<3x6912xf32> to vector<1x128xf32>
    %mul3A_1765 = vector.broadcast %slice3A_16 : vector<512x1xf32> to vector<512x128xf32>
    %mul3A_1766 = vector.broadcast %slice3A_1764 : vector<1x128xf32> to vector<512x128xf32>
    %mul3A_1767 = arith.mulf %mul3A_1765, %mul3A_1766 : vector<512x128xf32>
    %add3A_1768 = arith.addf %add3A_1763, %mul3A_1767 : vector<512x128xf32>
    %slice3A_1769 = vector.extract_strided_slice %get3A_4 {offsets = [1, 6528], sizes = [1, 128], strides = [1, 1]} : vector<3x6912xf32> to vector<1x128xf32>
    %mul3A_1770 = vector.broadcast %slice3A_17 : vector<512x1xf32> to vector<512x128xf32>
    %mul3A_1771 = vector.broadcast %slice3A_1769 : vector<1x128xf32> to vector<512x128xf32>
    %mul3A_1772 = arith.mulf %mul3A_1770, %mul3A_1771 : vector<512x128xf32>
    %add3A_1773 = arith.addf %add3A_1768, %mul3A_1772 : vector<512x128xf32>
    %slice3A_1774 = vector.extract_strided_slice %get3A_4 {offsets = [2, 6528], sizes = [1, 128], strides = [1, 1]} : vector<3x6912xf32> to vector<1x128xf32>
    %mul3A_1775 = vector.broadcast %slice3A_18 : vector<512x1xf32> to vector<512x128xf32>
    %mul3A_1776 = vector.broadcast %slice3A_1774 : vector<1x128xf32> to vector<512x128xf32>
    %mul3A_1777 = arith.mulf %mul3A_1775, %mul3A_1776 : vector<512x128xf32>
    %add3A_1778 = arith.addf %add3A_1773, %mul3A_1777 : vector<512x128xf32>
    %bitcast_convert_type3A_1779 = tpu.bitcast %add3A_1778 : vector<512x128xf32> -> vector<512x128xi32>
    %and3A_1780 = arith.constant 2147483584 : i32
    %and3A_1781 = vector.broadcast %and3A_1780 : i32 to vector<512x128xi32>
    %and3A_1782 = arith.andi %bitcast_convert_type3A_1779, %and3A_1781 : vector<512x128xi32>
    %or3A_1783 = arith.constant 51 : i32
    %or3A_1784 = vector.broadcast %or3A_1783 : i32 to vector<512x128xi32>
    %or3A_1785 = arith.ori %and3A_1782, %or3A_1784 : vector<512x128xi32>
    %bitcast_convert_type3A_1786 = tpu.bitcast %or3A_1785 : vector<512x128xi32> -> vector<512x128xf32>
    %min3A_1787 = arith.minimumf %min3A_1753, %bitcast_convert_type3A_1786 : vector<512x128xf32>
    %max3A_1788 = arith.maximumf %min3A_1753, %bitcast_convert_type3A_1786 : vector<512x128xf32>
    %min3A_1789 = arith.minimumf %min3A_1755, %max3A_1788 : vector<512x128xf32>
    %max3A_1790 = arith.maximumf %min3A_1755, %max3A_1788 : vector<512x128xf32>
    %min3A_1791 = arith.minimumf %min3A_1757, %max3A_1790 : vector<512x128xf32>
    %max3A_1792 = arith.maximumf %min3A_1757, %max3A_1790 : vector<512x128xf32>
    %min3A_1793 = arith.minimumf %min3A_1759, %max3A_1792 : vector<512x128xf32>
    %slice3A_1794 = vector.extract_strided_slice %add3A_29 {offsets = [0, 6656], sizes = [1, 128], strides = [1, 1]} : vector<1x6912xf32> to vector<1x128xf32>
    %add3A_1795 = vector.broadcast %slice3A_1794 : vector<1x128xf32> to vector<512x128xf32>
    %add3A_1796 = vector.broadcast %add3A_12 : vector<512x1xf32> to vector<512x128xf32>
    %add3A_1797 = arith.addf %add3A_1795, %add3A_1796 : vector<512x128xf32>
    %slice3A_1798 = vector.extract_strided_slice %get3A_4 {offsets = [0, 6656], sizes = [1, 128], strides = [1, 1]} : vector<3x6912xf32> to vector<1x128xf32>
    %mul3A_1799 = vector.broadcast %slice3A_16 : vector<512x1xf32> to vector<512x128xf32>
    %mul3A_1800 = vector.broadcast %slice3A_1798 : vector<1x128xf32> to vector<512x128xf32>
    %mul3A_1801 = arith.mulf %mul3A_1799, %mul3A_1800 : vector<512x128xf32>
    %add3A_1802 = arith.addf %add3A_1797, %mul3A_1801 : vector<512x128xf32>
    %slice3A_1803 = vector.extract_strided_slice %get3A_4 {offsets = [1, 6656], sizes = [1, 128], strides = [1, 1]} : vector<3x6912xf32> to vector<1x128xf32>
    %mul3A_1804 = vector.broadcast %slice3A_17 : vector<512x1xf32> to vector<512x128xf32>
    %mul3A_1805 = vector.broadcast %slice3A_1803 : vector<1x128xf32> to vector<512x128xf32>
    %mul3A_1806 = arith.mulf %mul3A_1804, %mul3A_1805 : vector<512x128xf32>
    %add3A_1807 = arith.addf %add3A_1802, %mul3A_1806 : vector<512x128xf32>
    %slice3A_1808 = vector.extract_strided_slice %get3A_4 {offsets = [2, 6656], sizes = [1, 128], strides = [1, 1]} : vector<3x6912xf32> to vector<1x128xf32>
    %mul3A_1809 = vector.broadcast %slice3A_18 : vector<512x1xf32> to vector<512x128xf32>
    %mul3A_1810 = vector.broadcast %slice3A_1808 : vector<1x128xf32> to vector<512x128xf32>
    %mul3A_1811 = arith.mulf %mul3A_1809, %mul3A_1810 : vector<512x128xf32>
    %add3A_1812 = arith.addf %add3A_1807, %mul3A_1811 : vector<512x128xf32>
    %bitcast_convert_type3A_1813 = tpu.bitcast %add3A_1812 : vector<512x128xf32> -> vector<512x128xi32>
    %and3A_1814 = arith.constant 2147483584 : i32
    %and3A_1815 = vector.broadcast %and3A_1814 : i32 to vector<512x128xi32>
    %and3A_1816 = arith.andi %bitcast_convert_type3A_1813, %and3A_1815 : vector<512x128xi32>
    %or3A_1817 = arith.constant 52 : i32
    %or3A_1818 = vector.broadcast %or3A_1817 : i32 to vector<512x128xi32>
    %or3A_1819 = arith.ori %and3A_1816, %or3A_1818 : vector<512x128xi32>
    %bitcast_convert_type3A_1820 = tpu.bitcast %or3A_1819 : vector<512x128xi32> -> vector<512x128xf32>
    %min3A_1821 = arith.minimumf %min3A_1787, %bitcast_convert_type3A_1820 : vector<512x128xf32>
    %max3A_1822 = arith.maximumf %min3A_1787, %bitcast_convert_type3A_1820 : vector<512x128xf32>
    %min3A_1823 = arith.minimumf %min3A_1789, %max3A_1822 : vector<512x128xf32>
    %max3A_1824 = arith.maximumf %min3A_1789, %max3A_1822 : vector<512x128xf32>
    %min3A_1825 = arith.minimumf %min3A_1791, %max3A_1824 : vector<512x128xf32>
    %max3A_1826 = arith.maximumf %min3A_1791, %max3A_1824 : vector<512x128xf32>
    %min3A_1827 = arith.minimumf %min3A_1793, %max3A_1826 : vector<512x128xf32>
    %slice3A_1828 = vector.extract_strided_slice %add3A_29 {offsets = [0, 6784], sizes = [1, 128], strides = [1, 1]} : vector<1x6912xf32> to vector<1x128xf32>
    %add3A_1829 = vector.broadcast %slice3A_1828 : vector<1x128xf32> to vector<512x128xf32>
    %add3A_1830 = vector.broadcast %add3A_12 : vector<512x1xf32> to vector<512x128xf32>
    %add3A_1831 = arith.addf %add3A_1829, %add3A_1830 : vector<512x128xf32>
    %slice3A_1832 = vector.extract_strided_slice %get3A_4 {offsets = [0, 6784], sizes = [1, 128], strides = [1, 1]} : vector<3x6912xf32> to vector<1x128xf32>
    %mul3A_1833 = vector.broadcast %slice3A_16 : vector<512x1xf32> to vector<512x128xf32>
    %mul3A_1834 = vector.broadcast %slice3A_1832 : vector<1x128xf32> to vector<512x128xf32>
    %mul3A_1835 = arith.mulf %mul3A_1833, %mul3A_1834 : vector<512x128xf32>
    %add3A_1836 = arith.addf %add3A_1831, %mul3A_1835 : vector<512x128xf32>
    %slice3A_1837 = vector.extract_strided_slice %get3A_4 {offsets = [1, 6784], sizes = [1, 128], strides = [1, 1]} : vector<3x6912xf32> to vector<1x128xf32>
    %mul3A_1838 = vector.broadcast %slice3A_17 : vector<512x1xf32> to vector<512x128xf32>
    %mul3A_1839 = vector.broadcast %slice3A_1837 : vector<1x128xf32> to vector<512x128xf32>
    %mul3A_1840 = arith.mulf %mul3A_1838, %mul3A_1839 : vector<512x128xf32>
    %add3A_1841 = arith.addf %add3A_1836, %mul3A_1840 : vector<512x128xf32>
    %slice3A_1842 = vector.extract_strided_slice %get3A_4 {offsets = [2, 6784], sizes = [1, 128], strides = [1, 1]} : vector<3x6912xf32> to vector<1x128xf32>
    %mul3A_1843 = vector.broadcast %slice3A_18 : vector<512x1xf32> to vector<512x128xf32>
    %mul3A_1844 = vector.broadcast %slice3A_1842 : vector<1x128xf32> to vector<512x128xf32>
    %mul3A_1845 = arith.mulf %mul3A_1843, %mul3A_1844 : vector<512x128xf32>
    %add3A_1846 = arith.addf %add3A_1841, %mul3A_1845 : vector<512x128xf32>
    %bitcast_convert_type3A_1847 = tpu.bitcast %add3A_1846 : vector<512x128xf32> -> vector<512x128xi32>
    %and3A_1848 = arith.constant 2147483584 : i32
    %and3A_1849 = vector.broadcast %and3A_1848 : i32 to vector<512x128xi32>
    %and3A_1850 = arith.andi %bitcast_convert_type3A_1847, %and3A_1849 : vector<512x128xi32>
    %or3A_1851 = arith.constant 53 : i32
    %or3A_1852 = vector.broadcast %or3A_1851 : i32 to vector<512x128xi32>
    %or3A_1853 = arith.ori %and3A_1850, %or3A_1852 : vector<512x128xi32>
    %bitcast_convert_type3A_1854 = tpu.bitcast %or3A_1853 : vector<512x128xi32> -> vector<512x128xf32>
    %min3A_1855 = arith.minimumf %min3A_1821, %bitcast_convert_type3A_1854 : vector<512x128xf32>
    %max3A_1856 = arith.maximumf %min3A_1821, %bitcast_convert_type3A_1854 : vector<512x128xf32>
    %min3A_1857 = arith.minimumf %min3A_1823, %max3A_1856 : vector<512x128xf32>
    %max3A_1858 = arith.maximumf %min3A_1823, %max3A_1856 : vector<512x128xf32>
    %min3A_1859 = arith.minimumf %min3A_1825, %max3A_1858 : vector<512x128xf32>
    %max3A_1860 = arith.maximumf %min3A_1825, %max3A_1858 : vector<512x128xf32>
    %min3A_1861 = arith.minimumf %min3A_1827, %max3A_1860 : vector<512x128xf32>
    %concatenate3A = tpu.concatenate %min3A_1855, %min3A_1857, %min3A_1859, %min3A_1861 in 1 : vector<512x128xf32>, vector<512x128xf32>, vector<512x128xf32>, vector<512x128xf32> -> vector<512x512xf32>
    %iota3A = tpu.iota {dimensions = array<i32: 1>} : vector<512x512xi32>
    %and3A_1862 = arith.constant 127 : i32
    %and3A_1863 = vector.broadcast %and3A_1862 : i32 to vector<512x512xi32>
    %and3A_1864 = arith.andi %iota3A, %and3A_1863 : vector<512x512xi32>
    %bitcast_convert_type3A_1865 = tpu.bitcast %concatenate3A : vector<512x512xf32> -> vector<512x512xi32>
    %and3A_1866 = arith.constant 63 : i32
    %and3A_1867 = vector.broadcast %and3A_1866 : i32 to vector<512x512xi32>
    %and3A_1868 = arith.andi %bitcast_convert_type3A_1865, %and3A_1867 : vector<512x512xi32>
    %mul3A_1869 = arith.constant 128 : i32
    %mul3A_1870 = vector.broadcast %mul3A_1869 : i32 to vector<512x512xi32>
    %mul3A_1871 = arith.muli %and3A_1868, %mul3A_1870 : vector<512x512xi32>
    %add3A_1872 = arith.addi %mul3A_1871, %and3A_1864 : vector<512x512xi32>
    %reduce_min3A = arith.constant dense<0x7F800000> : vector<512xf32>
    %reduce_min3A_1873 = vector.multi_reduction <minimumf>, %concatenate3A, %reduce_min3A [1] : vector<512x512xf32> to vector<512xf32>
    %broadcast_in_dim3A_1874 = vector.shape_cast %reduce_min3A_1873 : vector<512xf32> to vector<512x1xf32>
    %eq3A = vector.broadcast %broadcast_in_dim3A_1874 : vector<512x1xf32> to vector<512x512xf32>
    %eq3A_1875 = arith.cmpf oeq, %concatenate3A, %eq3A : vector<512x512xf32>
    %jit3A = arith.constant 6912 : i32
    %broadcast_in_dim3A_1876 = vector.broadcast %jit3A : i32 to vector<512x512xi32>
    %select_n3A = arith.select %eq3A_1875, %add3A_1872, %broadcast_in_dim3A_1876 : vector<512x512xi1>, vector<512x512xi32>
    %reduce_min3A_1877 = arith.constant dense<2147483647> : vector<512xi32>
    %reduce_min3A_1878 = vector.multi_reduction <minsi>, %select_n3A, %reduce_min3A_1877 [1] : vector<512x512xi32> to vector<512xi32>
    %broadcast_in_dim3A_1879 = vector.shape_cast %reduce_min3A_1878 : vector<512xi32> to vector<512x1xi32>
    %eq3A_1880 = vector.broadcast %broadcast_in_dim3A_1879 : vector<512x1xi32> to vector<512x512xi32>
    %eq3A_1881 = arith.cmpi eq, %add3A_1872, %eq3A_1880 : vector<512x512xi32>
    %and3A_1882 = arith.andi %eq3A_1875, %eq3A_1881 : vector<512x512xi1>
    %jit3A_1883 = arith.constant 3.000000e+38 : f32
    %broadcast_in_dim3A_1884 = vector.broadcast %jit3A_1883 : f32 to vector<512x512xf32>
    %select_n3A_1885 = arith.select %and3A_1882, %broadcast_in_dim3A_1884, %concatenate3A : vector<512x512xi1>, vector<512x512xf32>
    %reduce_min3A_1886 = arith.constant dense<0x7F800000> : vector<512xf32>
    %reduce_min3A_1887 = vector.multi_reduction <minimumf>, %select_n3A_1885, %reduce_min3A_1886 [1] : vector<512x512xf32> to vector<512xf32>
    %broadcast_in_dim3A_1888 = vector.shape_cast %reduce_min3A_1887 : vector<512xf32> to vector<512x1xf32>
    %eq3A_1889 = vector.broadcast %broadcast_in_dim3A_1888 : vector<512x1xf32> to vector<512x512xf32>
    %eq3A_1890 = arith.cmpf oeq, %select_n3A_1885, %eq3A_1889 : vector<512x512xf32>
    %jit3A_1891 = arith.constant 6912 : i32
    %broadcast_in_dim3A_1892 = vector.broadcast %jit3A_1891 : i32 to vector<512x512xi32>
    %select_n3A_1893 = arith.select %eq3A_1890, %add3A_1872, %broadcast_in_dim3A_1892 : vector<512x512xi1>, vector<512x512xi32>
    %reduce_min3A_1894 = arith.constant dense<2147483647> : vector<512xi32>
    %reduce_min3A_1895 = vector.multi_reduction <minsi>, %select_n3A_1893, %reduce_min3A_1894 [1] : vector<512x512xi32> to vector<512xi32>
    %broadcast_in_dim3A_1896 = vector.shape_cast %reduce_min3A_1895 : vector<512xi32> to vector<512x1xi32>
    %eq3A_1897 = vector.broadcast %broadcast_in_dim3A_1896 : vector<512x1xi32> to vector<512x512xi32>
    %eq3A_1898 = arith.cmpi eq, %add3A_1872, %eq3A_1897 : vector<512x512xi32>
    %and3A_1899 = arith.andi %eq3A_1890, %eq3A_1898 : vector<512x512xi1>
    %jit3A_1900 = arith.constant 3.000000e+38 : f32
    %broadcast_in_dim3A_1901 = vector.broadcast %jit3A_1900 : f32 to vector<512x512xf32>
    %select_n3A_1902 = arith.select %and3A_1899, %broadcast_in_dim3A_1901, %select_n3A_1885 : vector<512x512xi1>, vector<512x512xf32>
    %reduce_min3A_1903 = arith.constant dense<0x7F800000> : vector<512xf32>
    %reduce_min3A_1904 = vector.multi_reduction <minimumf>, %select_n3A_1902, %reduce_min3A_1903 [1] : vector<512x512xf32> to vector<512xf32>
    %broadcast_in_dim3A_1905 = vector.shape_cast %reduce_min3A_1904 : vector<512xf32> to vector<512x1xf32>
    %eq3A_1906 = vector.broadcast %broadcast_in_dim3A_1905 : vector<512x1xf32> to vector<512x512xf32>
    %eq3A_1907 = arith.cmpf oeq, %select_n3A_1902, %eq3A_1906 : vector<512x512xf32>
    %jit3A_1908 = arith.constant 6912 : i32
    %broadcast_in_dim3A_1909 = vector.broadcast %jit3A_1908 : i32 to vector<512x512xi32>
    %select_n3A_1910 = arith.select %eq3A_1907, %add3A_1872, %broadcast_in_dim3A_1909 : vector<512x512xi1>, vector<512x512xi32>
    %reduce_min3A_1911 = arith.constant dense<2147483647> : vector<512xi32>
    %reduce_min3A_1912 = vector.multi_reduction <minsi>, %select_n3A_1910, %reduce_min3A_1911 [1] : vector<512x512xi32> to vector<512xi32>
    %broadcast_in_dim3A_1913 = vector.shape_cast %reduce_min3A_1912 : vector<512xi32> to vector<512x1xi32>
    %eq3A_1914 = vector.broadcast %broadcast_in_dim3A_1913 : vector<512x1xi32> to vector<512x512xi32>
    %eq3A_1915 = arith.cmpi eq, %add3A_1872, %eq3A_1914 : vector<512x512xi32>
    %and3A_1916 = arith.andi %eq3A_1907, %eq3A_1915 : vector<512x512xi1>
    %jit3A_1917 = arith.constant 3.000000e+38 : f32
    %broadcast_in_dim3A_1918 = vector.broadcast %jit3A_1917 : f32 to vector<512x512xf32>
    %select_n3A_1919 = arith.select %and3A_1916, %broadcast_in_dim3A_1918, %select_n3A_1902 : vector<512x512xi1>, vector<512x512xf32>
    %reduce_min3A_1920 = arith.constant dense<0x7F800000> : vector<512xf32>
    %reduce_min3A_1921 = vector.multi_reduction <minimumf>, %select_n3A_1919, %reduce_min3A_1920 [1] : vector<512x512xf32> to vector<512xf32>
    %broadcast_in_dim3A_1922 = vector.shape_cast %reduce_min3A_1921 : vector<512xf32> to vector<512x1xf32>
    %eq3A_1923 = vector.broadcast %broadcast_in_dim3A_1922 : vector<512x1xf32> to vector<512x512xf32>
    %eq3A_1924 = arith.cmpf oeq, %select_n3A_1919, %eq3A_1923 : vector<512x512xf32>
    %jit3A_1925 = arith.constant 6912 : i32
    %broadcast_in_dim3A_1926 = vector.broadcast %jit3A_1925 : i32 to vector<512x512xi32>
    %select_n3A_1927 = arith.select %eq3A_1924, %add3A_1872, %broadcast_in_dim3A_1926 : vector<512x512xi1>, vector<512x512xi32>
    %reduce_min3A_1928 = arith.constant dense<2147483647> : vector<512xi32>
    %reduce_min3A_1929 = vector.multi_reduction <minsi>, %select_n3A_1927, %reduce_min3A_1928 [1] : vector<512x512xi32> to vector<512xi32>
    %broadcast_in_dim3A_1930 = vector.shape_cast %reduce_min3A_1929 : vector<512xi32> to vector<512x1xi32>
    %reshape3A = vector.shape_cast %broadcast_in_dim3A_1879 : vector<512x1xi32> to vector<1x512xi32>
    %reshape3A_1931 = vector.shape_cast %broadcast_in_dim3A_1896 : vector<512x1xi32> to vector<1x512xi32>
    %reshape3A_1932 = vector.shape_cast %broadcast_in_dim3A_1913 : vector<512x1xi32> to vector<1x512xi32>
    %reshape3A_1933 = vector.shape_cast %broadcast_in_dim3A_1930 : vector<512x1xi32> to vector<1x512xi32>
    %concatenate3A_1934 = tpu.concatenate %reshape3A, %reshape3A_1931, %reshape3A_1932, %reshape3A_1933 in 0 : vector<1x512xi32>, vector<1x512xi32>, vector<1x512xi32>, vector<1x512xi32> -> vector<4x512xi32>
    %swap3A = arith.constant 0 : index
    %swap3A_1935 = arith.constant 0 : index
    %swap3A_1936 = vector.load %arg3[%swap3A, %swap3A_1935] : memref<4x512xi32, #tpu.memory_space<vmem>>, vector<4x512xi32>
    tpu.vector_store %arg3[%swap3A, %swap3A_1935], %concatenate3A_1934 {strides = array<i32>} : memref<4x512xi32, #tpu.memory_space<vmem>>, vector<4x512xi32>,
    return
  }
  func.func @transform_0(%arg0: i32) -> (i32, i32) {
    %c0_i32 = arith.constant 0 : i32
    %c0_i32_0 = arith.constant 0 : i32
    return %arg0, %c0_i32 : i32, i32
  }
  func.func @transform_1(%arg0: i32) -> (i32, i32) {
    %c0_i32 = arith.constant 0 : i32
    %c0_i32_0 = arith.constant 0 : i32
    %c0_i32_1 = arith.constant 0 : i32
    return %c0_i32, %c0_i32_0 : i32, i32
  }
  func.func @transform_2(%arg0: i32) -> (i32, i32) {
    %c0_i32 = arith.constant 0 : i32
    %c0_i32_0 = arith.constant 0 : i32
    return %c0_i32, %arg0 : i32, i32
  }
}

module attributes {stable_mosaic.version = 14 : i64} {
  func.func @_mlp_body(%arg0: i32, %arg1: memref<512x3xf32, #tpu.memory_space<vmem>>, %arg2: memref<512x128xf32, #tpu.memory_space<vmem>>, %arg3: memref<512x128xf32, #tpu.memory_space<vmem>>, %arg4: memref<512x128xf32, #tpu.memory_space<vmem>>, %arg5: memref<512x128xf32, #tpu.memory_space<vmem>>, %arg6: memref<64x128xf32, #tpu.memory_space<vmem>>, %arg7: memref<3x128xf32, #tpu.memory_space<vmem>>, %arg8: memref<1x128xf32, #tpu.memory_space<vmem>>, %arg9: memref<128x128xf32, #tpu.memory_space<vmem>>, %arg10: memref<1x128xf32, #tpu.memory_space<vmem>>, %arg11: memref<128x128xf32, #tpu.memory_space<vmem>>, %arg12: memref<1x128xf32, #tpu.memory_space<vmem>>, %arg13: memref<128x64xf32, #tpu.memory_space<vmem>>, %arg14: memref<1x64xf32, #tpu.memory_space<vmem>>, %arg15: memref<512x64xf32, #tpu.memory_space<vmem>>) attributes {dimension_semantics = [#tpu.dimension_semantics<arbitrary>], iteration_bounds = array<i64: 16>, scalar_prefetch = 0 : i64, scratch_operands = 0 : i64, tpu.core_type = #tpu.core_type<tc>, window_params = [{transform_indices = @transform_0, window_bounds = array<i64: 512, 3>}, {transform_indices = @transform_1, window_bounds = array<i64: 512, 128>}, {transform_indices = @transform_2, window_bounds = array<i64: 512, 128>}, {transform_indices = @transform_3, window_bounds = array<i64: 512, 128>}, {transform_indices = @transform_4, window_bounds = array<i64: 512, 128>}, {pipeline_mode = #tpu.pipeline_mode<synchronous>, transform_indices = @transform_5, window_bounds = array<i64: 64, 128>}, {pipeline_mode = #tpu.pipeline_mode<synchronous>, transform_indices = @transform_6, window_bounds = array<i64: 3, 128>}, {pipeline_mode = #tpu.pipeline_mode<synchronous>, transform_indices = @transform_7, window_bounds = array<i64: 1, 128>}, {pipeline_mode = #tpu.pipeline_mode<synchronous>, transform_indices = @transform_8, window_bounds = array<i64: 128, 128>}, {pipeline_mode = #tpu.pipeline_mode<synchronous>, transform_indices = @transform_9, window_bounds = array<i64: 1, 128>}, {pipeline_mode = #tpu.pipeline_mode<synchronous>, transform_indices = @transform_10, window_bounds = array<i64: 128, 128>}, {pipeline_mode = #tpu.pipeline_mode<synchronous>, transform_indices = @transform_11, window_bounds = array<i64: 1, 128>}, {pipeline_mode = #tpu.pipeline_mode<synchronous>, transform_indices = @transform_12, window_bounds = array<i64: 128, 64>}, {pipeline_mode = #tpu.pipeline_mode<synchronous>, transform_indices = @transform_13, window_bounds = array<i64: 1, 64>}, {transform_indices = @transform_14, window_bounds = array<i64: 512, 64>}]} {
    %get3A = arith.constant 0 : index
    %get3A_0 = arith.constant 0 : index
    %get3A_1 = vector.load %arg1[%get3A, %get3A_0] : memref<512x3xf32, #tpu.memory_space<vmem>>, vector<512x3xf32>
    %broadcast_in_dim3A = arith.constant 0.000000e+00 : f32
    %broadcast_in_dim3A_2 = vector.broadcast %broadcast_in_dim3A : f32 to vector<512x64xf32>
    %broadcast_in_dim3A_3 = arith.constant 0.000000e+00 : f32
    %broadcast_in_dim3A_4 = vector.broadcast %broadcast_in_dim3A_3 : f32 to vector<512x1xf32>
    %get3A_5 = arith.constant 0 : index
    %get3A_6 = arith.constant 0 : index
    %get3A_7 = vector.load %arg2[%get3A_5, %get3A_6] : memref<512x128xf32, #tpu.memory_space<vmem>>, vector<512x128xf32>
    %slice3A = vector.extract_strided_slice %get3A_7 {offsets = [0, 0], sizes = [512, 64], strides = [1, 1]} : vector<512x128xf32> to vector<512x64xf32>
    %slice3A_8 = vector.extract_strided_slice %get3A_7 {offsets = [0, 64], sizes = [512, 3], strides = [1, 1]} : vector<512x128xf32> to vector<512x3xf32>
    %sub3A = arith.subf %get3A_1, %slice3A_8 : vector<512x3xf32>
    %slice3A_9 = vector.extract_strided_slice %sub3A {offsets = [0, 0], sizes = [512, 1], strides = [1, 1]} : vector<512x3xf32> to vector<512x1xf32>
    %slice3A_10 = vector.extract_strided_slice %sub3A {offsets = [0, 0], sizes = [512, 1], strides = [1, 1]} : vector<512x3xf32> to vector<512x1xf32>
    %mul3A = arith.mulf %slice3A_9, %slice3A_10 : vector<512x1xf32>
    %slice3A_11 = vector.extract_strided_slice %sub3A {offsets = [0, 1], sizes = [512, 1], strides = [1, 1]} : vector<512x3xf32> to vector<512x1xf32>
    %slice3A_12 = vector.extract_strided_slice %sub3A {offsets = [0, 1], sizes = [512, 1], strides = [1, 1]} : vector<512x3xf32> to vector<512x1xf32>
    %mul3A_13 = arith.mulf %slice3A_11, %slice3A_12 : vector<512x1xf32>
    %add3A = arith.addf %mul3A, %mul3A_13 : vector<512x1xf32>
    %slice3A_14 = vector.extract_strided_slice %sub3A {offsets = [0, 2], sizes = [512, 1], strides = [1, 1]} : vector<512x3xf32> to vector<512x1xf32>
    %slice3A_15 = vector.extract_strided_slice %sub3A {offsets = [0, 2], sizes = [512, 1], strides = [1, 1]} : vector<512x3xf32> to vector<512x1xf32>
    %mul3A_16 = arith.mulf %slice3A_14, %slice3A_15 : vector<512x1xf32>
    %add3A_17 = arith.addf %add3A, %mul3A_16 : vector<512x1xf32>
    %max3A = arith.constant 9.99999996E-13 : f32
    %max3A_18 = vector.broadcast %max3A : f32 to vector<512x1xf32>
    %max3A_19 = arith.maximumf %add3A_17, %max3A_18 : vector<512x1xf32>
    %sqrt3A = math.sqrt %max3A_19 : vector<512x1xf32>
    %add3A_20 = arith.constant 9.99999971E-10 : f32
    %add3A_21 = vector.broadcast %add3A_20 : f32 to vector<512x1xf32>
    %add3A_22 = arith.addf %sqrt3A, %add3A_21 : vector<512x1xf32>
    %div3A = arith.constant 1.000000e+00 : f32
    %div3A_23 = vector.broadcast %div3A : f32 to vector<512x1xf32>
    %div3A_24 = arith.divf %div3A_23, %add3A_22 : vector<512x1xf32>
    %get3A_25 = arith.constant 0 : index
    %get3A_26 = arith.constant 0 : index
    %get3A_27 = vector.load %arg6[%get3A_25, %get3A_26] : memref<64x128xf32, #tpu.memory_space<vmem>>, vector<64x128xf32>
    %dot_general3A = arith.constant dense<0.000000e+00> : vector<512x128xf32>
    %dot_general3A_28 = tpu.matmul %slice3A, %get3A_27, %dot_general3A {dimension_numbers = #tpu.dot_dimension_numbers<[1], [0], [0], [1], [0, 0, 1, 1], [], []>, transpose_lhs_hint = false} : vector<512x64xf32>, vector<64x128xf32>, vector<512x128xf32> -> vector<512x128xf32>
    %slice3A_29 = vector.extract_strided_slice %sub3A {offsets = [0, 0], sizes = [512, 1], strides = [1, 1]} : vector<512x3xf32> to vector<512x1xf32>
    %get3A_30 = arith.constant 0 : index
    %get3A_31 = arith.constant 0 : index
    %get3A_32 = vector.load %arg7[%get3A_30, %get3A_31] : memref<3x128xf32, #tpu.memory_space<vmem>>, vector<1x128xf32>
    %mul3A_33 = vector.broadcast %slice3A_29 : vector<512x1xf32> to vector<512x128xf32>
    %mul3A_34 = vector.broadcast %get3A_32 : vector<1x128xf32> to vector<512x128xf32>
    %mul3A_35 = arith.mulf %mul3A_33, %mul3A_34 : vector<512x128xf32>
    %add3A_36 = arith.addf %dot_general3A_28, %mul3A_35 : vector<512x128xf32>
    %slice3A_37 = vector.extract_strided_slice %sub3A {offsets = [0, 1], sizes = [512, 1], strides = [1, 1]} : vector<512x3xf32> to vector<512x1xf32>
    %get3A_38 = arith.constant 1 : index
    %get3A_39 = arith.constant 0 : index
    %get3A_40 = vector.load %arg7[%get3A_38, %get3A_39] : memref<3x128xf32, #tpu.memory_space<vmem>>, vector<1x128xf32>
    %mul3A_41 = vector.broadcast %slice3A_37 : vector<512x1xf32> to vector<512x128xf32>
    %mul3A_42 = vector.broadcast %get3A_40 : vector<1x128xf32> to vector<512x128xf32>
    %mul3A_43 = arith.mulf %mul3A_41, %mul3A_42 : vector<512x128xf32>
    %add3A_44 = arith.addf %add3A_36, %mul3A_43 : vector<512x128xf32>
    %slice3A_45 = vector.extract_strided_slice %sub3A {offsets = [0, 2], sizes = [512, 1], strides = [1, 1]} : vector<512x3xf32> to vector<512x1xf32>
    %get3A_46 = arith.constant 2 : index
    %get3A_47 = arith.constant 0 : index
    %get3A_48 = vector.load %arg7[%get3A_46, %get3A_47] : memref<3x128xf32, #tpu.memory_space<vmem>>, vector<1x128xf32>
    %mul3A_49 = vector.broadcast %slice3A_45 : vector<512x1xf32> to vector<512x128xf32>
    %mul3A_50 = vector.broadcast %get3A_48 : vector<1x128xf32> to vector<512x128xf32>
    %mul3A_51 = arith.mulf %mul3A_49, %mul3A_50 : vector<512x128xf32>
    %add3A_52 = arith.addf %add3A_44, %mul3A_51 : vector<512x128xf32>
    %get3A_53 = arith.constant 0 : index
    %get3A_54 = arith.constant 0 : index
    %get3A_55 = vector.load %arg8[%get3A_53, %get3A_54] : memref<1x128xf32, #tpu.memory_space<vmem>>, vector<1x128xf32>
    %add3A_56 = vector.broadcast %get3A_55 : vector<1x128xf32> to vector<512x128xf32>
    %add3A_57 = arith.addf %add3A_52, %add3A_56 : vector<512x128xf32>
    %max3A_58 = arith.constant 0.000000e+00 : f32
    %max3A_59 = vector.broadcast %max3A_58 : f32 to vector<512x128xf32>
    %max3A_60 = arith.maximumf %add3A_57, %max3A_59 : vector<512x128xf32>
    %get3A_61 = arith.constant 0 : index
    %get3A_62 = arith.constant 0 : index
    %get3A_63 = vector.load %arg9[%get3A_61, %get3A_62] : memref<128x128xf32, #tpu.memory_space<vmem>>, vector<128x128xf32>
    %dot_general3A_64 = arith.constant dense<0.000000e+00> : vector<512x128xf32>
    %dot_general3A_65 = tpu.matmul %max3A_60, %get3A_63, %dot_general3A_64 {dimension_numbers = #tpu.dot_dimension_numbers<[1], [0], [0], [1], [0, 0, 1, 1], [], []>, transpose_lhs_hint = false} : vector<512x128xf32>, vector<128x128xf32>, vector<512x128xf32> -> vector<512x128xf32>
    %get3A_66 = arith.constant 0 : index
    %get3A_67 = arith.constant 0 : index
    %get3A_68 = vector.load %arg10[%get3A_66, %get3A_67] : memref<1x128xf32, #tpu.memory_space<vmem>>, vector<1x128xf32>
    %add3A_69 = vector.broadcast %get3A_68 : vector<1x128xf32> to vector<512x128xf32>
    %add3A_70 = arith.addf %dot_general3A_65, %add3A_69 : vector<512x128xf32>
    %max3A_71 = arith.constant 0.000000e+00 : f32
    %max3A_72 = vector.broadcast %max3A_71 : f32 to vector<512x128xf32>
    %max3A_73 = arith.maximumf %add3A_70, %max3A_72 : vector<512x128xf32>
    %get3A_74 = arith.constant 0 : index
    %get3A_75 = arith.constant 0 : index
    %get3A_76 = vector.load %arg11[%get3A_74, %get3A_75] : memref<128x128xf32, #tpu.memory_space<vmem>>, vector<128x128xf32>
    %dot_general3A_77 = arith.constant dense<0.000000e+00> : vector<512x128xf32>
    %dot_general3A_78 = tpu.matmul %max3A_73, %get3A_76, %dot_general3A_77 {dimension_numbers = #tpu.dot_dimension_numbers<[1], [0], [0], [1], [0, 0, 1, 1], [], []>, transpose_lhs_hint = false} : vector<512x128xf32>, vector<128x128xf32>, vector<512x128xf32> -> vector<512x128xf32>
    %get3A_79 = arith.constant 0 : index
    %get3A_80 = arith.constant 0 : index
    %get3A_81 = vector.load %arg12[%get3A_79, %get3A_80] : memref<1x128xf32, #tpu.memory_space<vmem>>, vector<1x128xf32>
    %add3A_82 = vector.broadcast %get3A_81 : vector<1x128xf32> to vector<512x128xf32>
    %add3A_83 = arith.addf %dot_general3A_78, %add3A_82 : vector<512x128xf32>
    %max3A_84 = arith.constant 0.000000e+00 : f32
    %max3A_85 = vector.broadcast %max3A_84 : f32 to vector<512x128xf32>
    %max3A_86 = arith.maximumf %add3A_83, %max3A_85 : vector<512x128xf32>
    %get3A_87 = arith.constant 0 : index
    %get3A_88 = arith.constant 0 : index
    %get3A_89 = vector.load %arg13[%get3A_87, %get3A_88] : memref<128x64xf32, #tpu.memory_space<vmem>>, vector<128x64xf32>
    %dot_general3A_90 = arith.constant dense<0.000000e+00> : vector<512x64xf32>
    %dot_general3A_91 = tpu.matmul %max3A_86, %get3A_89, %dot_general3A_90 {dimension_numbers = #tpu.dot_dimension_numbers<[1], [0], [0], [1], [0, 0, 1, 1], [], []>, transpose_lhs_hint = false} : vector<512x128xf32>, vector<128x64xf32>, vector<512x64xf32> -> vector<512x64xf32>
    %get3A_92 = arith.constant 0 : index
    %get3A_93 = arith.constant 0 : index
    %get3A_94 = vector.load %arg14[%get3A_92, %get3A_93] : memref<1x64xf32, #tpu.memory_space<vmem>>, vector<1x64xf32>
    %add3A_95 = vector.broadcast %get3A_94 : vector<1x64xf32> to vector<512x64xf32>
    %add3A_96 = arith.addf %dot_general3A_91, %add3A_95 : vector<512x64xf32>
    %add3A_97 = arith.addf %broadcast_in_dim3A_4, %div3A_24 : vector<512x1xf32>
    %mul3A_98 = vector.broadcast %div3A_24 : vector<512x1xf32> to vector<512x64xf32>
    %mul3A_99 = arith.mulf %mul3A_98, %add3A_96 : vector<512x64xf32>
    %add3A_100 = arith.addf %broadcast_in_dim3A_2, %mul3A_99 : vector<512x64xf32>
    %get3A_101 = arith.constant 0 : index
    %get3A_102 = arith.constant 0 : index
    %get3A_103 = vector.load %arg3[%get3A_101, %get3A_102] : memref<512x128xf32, #tpu.memory_space<vmem>>, vector<512x128xf32>
    %slice3A_104 = vector.extract_strided_slice %get3A_103 {offsets = [0, 0], sizes = [512, 64], strides = [1, 1]} : vector<512x128xf32> to vector<512x64xf32>
    %slice3A_105 = vector.extract_strided_slice %get3A_103 {offsets = [0, 64], sizes = [512, 3], strides = [1, 1]} : vector<512x128xf32> to vector<512x3xf32>
    %sub3A_106 = arith.subf %get3A_1, %slice3A_105 : vector<512x3xf32>
    %slice3A_107 = vector.extract_strided_slice %sub3A_106 {offsets = [0, 0], sizes = [512, 1], strides = [1, 1]} : vector<512x3xf32> to vector<512x1xf32>
    %slice3A_108 = vector.extract_strided_slice %sub3A_106 {offsets = [0, 0], sizes = [512, 1], strides = [1, 1]} : vector<512x3xf32> to vector<512x1xf32>
    %mul3A_109 = arith.mulf %slice3A_107, %slice3A_108 : vector<512x1xf32>
    %slice3A_110 = vector.extract_strided_slice %sub3A_106 {offsets = [0, 1], sizes = [512, 1], strides = [1, 1]} : vector<512x3xf32> to vector<512x1xf32>
    %slice3A_111 = vector.extract_strided_slice %sub3A_106 {offsets = [0, 1], sizes = [512, 1], strides = [1, 1]} : vector<512x3xf32> to vector<512x1xf32>
    %mul3A_112 = arith.mulf %slice3A_110, %slice3A_111 : vector<512x1xf32>
    %add3A_113 = arith.addf %mul3A_109, %mul3A_112 : vector<512x1xf32>
    %slice3A_114 = vector.extract_strided_slice %sub3A_106 {offsets = [0, 2], sizes = [512, 1], strides = [1, 1]} : vector<512x3xf32> to vector<512x1xf32>
    %slice3A_115 = vector.extract_strided_slice %sub3A_106 {offsets = [0, 2], sizes = [512, 1], strides = [1, 1]} : vector<512x3xf32> to vector<512x1xf32>
    %mul3A_116 = arith.mulf %slice3A_114, %slice3A_115 : vector<512x1xf32>
    %add3A_117 = arith.addf %add3A_113, %mul3A_116 : vector<512x1xf32>
    %max3A_118 = arith.constant 9.99999996E-13 : f32
    %max3A_119 = vector.broadcast %max3A_118 : f32 to vector<512x1xf32>
    %max3A_120 = arith.maximumf %add3A_117, %max3A_119 : vector<512x1xf32>
    %sqrt3A_121 = math.sqrt %max3A_120 : vector<512x1xf32>
    %add3A_122 = arith.constant 9.99999971E-10 : f32
    %add3A_123 = vector.broadcast %add3A_122 : f32 to vector<512x1xf32>
    %add3A_124 = arith.addf %sqrt3A_121, %add3A_123 : vector<512x1xf32>
    %div3A_125 = arith.constant 1.000000e+00 : f32
    %div3A_126 = vector.broadcast %div3A_125 : f32 to vector<512x1xf32>
    %div3A_127 = arith.divf %div3A_126, %add3A_124 : vector<512x1xf32>
    %get3A_128 = arith.constant 0 : index
    %get3A_129 = arith.constant 0 : index
    %get3A_130 = vector.load %arg6[%get3A_128, %get3A_129] : memref<64x128xf32, #tpu.memory_space<vmem>>, vector<64x128xf32>
    %dot_general3A_131 = arith.constant dense<0.000000e+00> : vector<512x128xf32>
    %dot_general3A_132 = tpu.matmul %slice3A_104, %get3A_130, %dot_general3A_131 {dimension_numbers = #tpu.dot_dimension_numbers<[1], [0], [0], [1], [0, 0, 1, 1], [], []>, transpose_lhs_hint = false} : vector<512x64xf32>, vector<64x128xf32>, vector<512x128xf32> -> vector<512x128xf32>
    %slice3A_133 = vector.extract_strided_slice %sub3A_106 {offsets = [0, 0], sizes = [512, 1], strides = [1, 1]} : vector<512x3xf32> to vector<512x1xf32>
    %get3A_134 = arith.constant 0 : index
    %get3A_135 = arith.constant 0 : index
    %get3A_136 = vector.load %arg7[%get3A_134, %get3A_135] : memref<3x128xf32, #tpu.memory_space<vmem>>, vector<1x128xf32>
    %mul3A_137 = vector.broadcast %slice3A_133 : vector<512x1xf32> to vector<512x128xf32>
    %mul3A_138 = vector.broadcast %get3A_136 : vector<1x128xf32> to vector<512x128xf32>
    %mul3A_139 = arith.mulf %mul3A_137, %mul3A_138 : vector<512x128xf32>
    %add3A_140 = arith.addf %dot_general3A_132, %mul3A_139 : vector<512x128xf32>
    %slice3A_141 = vector.extract_strided_slice %sub3A_106 {offsets = [0, 1], sizes = [512, 1], strides = [1, 1]} : vector<512x3xf32> to vector<512x1xf32>
    %get3A_142 = arith.constant 1 : index
    %get3A_143 = arith.constant 0 : index
    %get3A_144 = vector.load %arg7[%get3A_142, %get3A_143] : memref<3x128xf32, #tpu.memory_space<vmem>>, vector<1x128xf32>
    %mul3A_145 = vector.broadcast %slice3A_141 : vector<512x1xf32> to vector<512x128xf32>
    %mul3A_146 = vector.broadcast %get3A_144 : vector<1x128xf32> to vector<512x128xf32>
    %mul3A_147 = arith.mulf %mul3A_145, %mul3A_146 : vector<512x128xf32>
    %add3A_148 = arith.addf %add3A_140, %mul3A_147 : vector<512x128xf32>
    %slice3A_149 = vector.extract_strided_slice %sub3A_106 {offsets = [0, 2], sizes = [512, 1], strides = [1, 1]} : vector<512x3xf32> to vector<512x1xf32>
    %get3A_150 = arith.constant 2 : index
    %get3A_151 = arith.constant 0 : index
    %get3A_152 = vector.load %arg7[%get3A_150, %get3A_151] : memref<3x128xf32, #tpu.memory_space<vmem>>, vector<1x128xf32>
    %mul3A_153 = vector.broadcast %slice3A_149 : vector<512x1xf32> to vector<512x128xf32>
    %mul3A_154 = vector.broadcast %get3A_152 : vector<1x128xf32> to vector<512x128xf32>
    %mul3A_155 = arith.mulf %mul3A_153, %mul3A_154 : vector<512x128xf32>
    %add3A_156 = arith.addf %add3A_148, %mul3A_155 : vector<512x128xf32>
    %get3A_157 = arith.constant 0 : index
    %get3A_158 = arith.constant 0 : index
    %get3A_159 = vector.load %arg8[%get3A_157, %get3A_158] : memref<1x128xf32, #tpu.memory_space<vmem>>, vector<1x128xf32>
    %add3A_160 = vector.broadcast %get3A_159 : vector<1x128xf32> to vector<512x128xf32>
    %add3A_161 = arith.addf %add3A_156, %add3A_160 : vector<512x128xf32>
    %max3A_162 = arith.constant 0.000000e+00 : f32
    %max3A_163 = vector.broadcast %max3A_162 : f32 to vector<512x128xf32>
    %max3A_164 = arith.maximumf %add3A_161, %max3A_163 : vector<512x128xf32>
    %get3A_165 = arith.constant 0 : index
    %get3A_166 = arith.constant 0 : index
    %get3A_167 = vector.load %arg9[%get3A_165, %get3A_166] : memref<128x128xf32, #tpu.memory_space<vmem>>, vector<128x128xf32>
    %dot_general3A_168 = arith.constant dense<0.000000e+00> : vector<512x128xf32>
    %dot_general3A_169 = tpu.matmul %max3A_164, %get3A_167, %dot_general3A_168 {dimension_numbers = #tpu.dot_dimension_numbers<[1], [0], [0], [1], [0, 0, 1, 1], [], []>, transpose_lhs_hint = false} : vector<512x128xf32>, vector<128x128xf32>, vector<512x128xf32> -> vector<512x128xf32>
    %get3A_170 = arith.constant 0 : index
    %get3A_171 = arith.constant 0 : index
    %get3A_172 = vector.load %arg10[%get3A_170, %get3A_171] : memref<1x128xf32, #tpu.memory_space<vmem>>, vector<1x128xf32>
    %add3A_173 = vector.broadcast %get3A_172 : vector<1x128xf32> to vector<512x128xf32>
    %add3A_174 = arith.addf %dot_general3A_169, %add3A_173 : vector<512x128xf32>
    %max3A_175 = arith.constant 0.000000e+00 : f32
    %max3A_176 = vector.broadcast %max3A_175 : f32 to vector<512x128xf32>
    %max3A_177 = arith.maximumf %add3A_174, %max3A_176 : vector<512x128xf32>
    %get3A_178 = arith.constant 0 : index
    %get3A_179 = arith.constant 0 : index
    %get3A_180 = vector.load %arg11[%get3A_178, %get3A_179] : memref<128x128xf32, #tpu.memory_space<vmem>>, vector<128x128xf32>
    %dot_general3A_181 = arith.constant dense<0.000000e+00> : vector<512x128xf32>
    %dot_general3A_182 = tpu.matmul %max3A_177, %get3A_180, %dot_general3A_181 {dimension_numbers = #tpu.dot_dimension_numbers<[1], [0], [0], [1], [0, 0, 1, 1], [], []>, transpose_lhs_hint = false} : vector<512x128xf32>, vector<128x128xf32>, vector<512x128xf32> -> vector<512x128xf32>
    %get3A_183 = arith.constant 0 : index
    %get3A_184 = arith.constant 0 : index
    %get3A_185 = vector.load %arg12[%get3A_183, %get3A_184] : memref<1x128xf32, #tpu.memory_space<vmem>>, vector<1x128xf32>
    %add3A_186 = vector.broadcast %get3A_185 : vector<1x128xf32> to vector<512x128xf32>
    %add3A_187 = arith.addf %dot_general3A_182, %add3A_186 : vector<512x128xf32>
    %max3A_188 = arith.constant 0.000000e+00 : f32
    %max3A_189 = vector.broadcast %max3A_188 : f32 to vector<512x128xf32>
    %max3A_190 = arith.maximumf %add3A_187, %max3A_189 : vector<512x128xf32>
    %get3A_191 = arith.constant 0 : index
    %get3A_192 = arith.constant 0 : index
    %get3A_193 = vector.load %arg13[%get3A_191, %get3A_192] : memref<128x64xf32, #tpu.memory_space<vmem>>, vector<128x64xf32>
    %dot_general3A_194 = arith.constant dense<0.000000e+00> : vector<512x64xf32>
    %dot_general3A_195 = tpu.matmul %max3A_190, %get3A_193, %dot_general3A_194 {dimension_numbers = #tpu.dot_dimension_numbers<[1], [0], [0], [1], [0, 0, 1, 1], [], []>, transpose_lhs_hint = false} : vector<512x128xf32>, vector<128x64xf32>, vector<512x64xf32> -> vector<512x64xf32>
    %get3A_196 = arith.constant 0 : index
    %get3A_197 = arith.constant 0 : index
    %get3A_198 = vector.load %arg14[%get3A_196, %get3A_197] : memref<1x64xf32, #tpu.memory_space<vmem>>, vector<1x64xf32>
    %add3A_199 = vector.broadcast %get3A_198 : vector<1x64xf32> to vector<512x64xf32>
    %add3A_200 = arith.addf %dot_general3A_195, %add3A_199 : vector<512x64xf32>
    %add3A_201 = arith.addf %add3A_97, %div3A_127 : vector<512x1xf32>
    %mul3A_202 = vector.broadcast %div3A_127 : vector<512x1xf32> to vector<512x64xf32>
    %mul3A_203 = arith.mulf %mul3A_202, %add3A_200 : vector<512x64xf32>
    %add3A_204 = arith.addf %add3A_100, %mul3A_203 : vector<512x64xf32>
    %get3A_205 = arith.constant 0 : index
    %get3A_206 = arith.constant 0 : index
    %get3A_207 = vector.load %arg4[%get3A_205, %get3A_206] : memref<512x128xf32, #tpu.memory_space<vmem>>, vector<512x128xf32>
    %slice3A_208 = vector.extract_strided_slice %get3A_207 {offsets = [0, 0], sizes = [512, 64], strides = [1, 1]} : vector<512x128xf32> to vector<512x64xf32>
    %slice3A_209 = vector.extract_strided_slice %get3A_207 {offsets = [0, 64], sizes = [512, 3], strides = [1, 1]} : vector<512x128xf32> to vector<512x3xf32>
    %sub3A_210 = arith.subf %get3A_1, %slice3A_209 : vector<512x3xf32>
    %slice3A_211 = vector.extract_strided_slice %sub3A_210 {offsets = [0, 0], sizes = [512, 1], strides = [1, 1]} : vector<512x3xf32> to vector<512x1xf32>
    %slice3A_212 = vector.extract_strided_slice %sub3A_210 {offsets = [0, 0], sizes = [512, 1], strides = [1, 1]} : vector<512x3xf32> to vector<512x1xf32>
    %mul3A_213 = arith.mulf %slice3A_211, %slice3A_212 : vector<512x1xf32>
    %slice3A_214 = vector.extract_strided_slice %sub3A_210 {offsets = [0, 1], sizes = [512, 1], strides = [1, 1]} : vector<512x3xf32> to vector<512x1xf32>
    %slice3A_215 = vector.extract_strided_slice %sub3A_210 {offsets = [0, 1], sizes = [512, 1], strides = [1, 1]} : vector<512x3xf32> to vector<512x1xf32>
    %mul3A_216 = arith.mulf %slice3A_214, %slice3A_215 : vector<512x1xf32>
    %add3A_217 = arith.addf %mul3A_213, %mul3A_216 : vector<512x1xf32>
    %slice3A_218 = vector.extract_strided_slice %sub3A_210 {offsets = [0, 2], sizes = [512, 1], strides = [1, 1]} : vector<512x3xf32> to vector<512x1xf32>
    %slice3A_219 = vector.extract_strided_slice %sub3A_210 {offsets = [0, 2], sizes = [512, 1], strides = [1, 1]} : vector<512x3xf32> to vector<512x1xf32>
    %mul3A_220 = arith.mulf %slice3A_218, %slice3A_219 : vector<512x1xf32>
    %add3A_221 = arith.addf %add3A_217, %mul3A_220 : vector<512x1xf32>
    %max3A_222 = arith.constant 9.99999996E-13 : f32
    %max3A_223 = vector.broadcast %max3A_222 : f32 to vector<512x1xf32>
    %max3A_224 = arith.maximumf %add3A_221, %max3A_223 : vector<512x1xf32>
    %sqrt3A_225 = math.sqrt %max3A_224 : vector<512x1xf32>
    %add3A_226 = arith.constant 9.99999971E-10 : f32
    %add3A_227 = vector.broadcast %add3A_226 : f32 to vector<512x1xf32>
    %add3A_228 = arith.addf %sqrt3A_225, %add3A_227 : vector<512x1xf32>
    %div3A_229 = arith.constant 1.000000e+00 : f32
    %div3A_230 = vector.broadcast %div3A_229 : f32 to vector<512x1xf32>
    %div3A_231 = arith.divf %div3A_230, %add3A_228 : vector<512x1xf32>
    %get3A_232 = arith.constant 0 : index
    %get3A_233 = arith.constant 0 : index
    %get3A_234 = vector.load %arg6[%get3A_232, %get3A_233] : memref<64x128xf32, #tpu.memory_space<vmem>>, vector<64x128xf32>
    %dot_general3A_235 = arith.constant dense<0.000000e+00> : vector<512x128xf32>
    %dot_general3A_236 = tpu.matmul %slice3A_208, %get3A_234, %dot_general3A_235 {dimension_numbers = #tpu.dot_dimension_numbers<[1], [0], [0], [1], [0, 0, 1, 1], [], []>, transpose_lhs_hint = false} : vector<512x64xf32>, vector<64x128xf32>, vector<512x128xf32> -> vector<512x128xf32>
    %slice3A_237 = vector.extract_strided_slice %sub3A_210 {offsets = [0, 0], sizes = [512, 1], strides = [1, 1]} : vector<512x3xf32> to vector<512x1xf32>
    %get3A_238 = arith.constant 0 : index
    %get3A_239 = arith.constant 0 : index
    %get3A_240 = vector.load %arg7[%get3A_238, %get3A_239] : memref<3x128xf32, #tpu.memory_space<vmem>>, vector<1x128xf32>
    %mul3A_241 = vector.broadcast %slice3A_237 : vector<512x1xf32> to vector<512x128xf32>
    %mul3A_242 = vector.broadcast %get3A_240 : vector<1x128xf32> to vector<512x128xf32>
    %mul3A_243 = arith.mulf %mul3A_241, %mul3A_242 : vector<512x128xf32>
    %add3A_244 = arith.addf %dot_general3A_236, %mul3A_243 : vector<512x128xf32>
    %slice3A_245 = vector.extract_strided_slice %sub3A_210 {offsets = [0, 1], sizes = [512, 1], strides = [1, 1]} : vector<512x3xf32> to vector<512x1xf32>
    %get3A_246 = arith.constant 1 : index
    %get3A_247 = arith.constant 0 : index
    %get3A_248 = vector.load %arg7[%get3A_246, %get3A_247] : memref<3x128xf32, #tpu.memory_space<vmem>>, vector<1x128xf32>
    %mul3A_249 = vector.broadcast %slice3A_245 : vector<512x1xf32> to vector<512x128xf32>
    %mul3A_250 = vector.broadcast %get3A_248 : vector<1x128xf32> to vector<512x128xf32>
    %mul3A_251 = arith.mulf %mul3A_249, %mul3A_250 : vector<512x128xf32>
    %add3A_252 = arith.addf %add3A_244, %mul3A_251 : vector<512x128xf32>
    %slice3A_253 = vector.extract_strided_slice %sub3A_210 {offsets = [0, 2], sizes = [512, 1], strides = [1, 1]} : vector<512x3xf32> to vector<512x1xf32>
    %get3A_254 = arith.constant 2 : index
    %get3A_255 = arith.constant 0 : index
    %get3A_256 = vector.load %arg7[%get3A_254, %get3A_255] : memref<3x128xf32, #tpu.memory_space<vmem>>, vector<1x128xf32>
    %mul3A_257 = vector.broadcast %slice3A_253 : vector<512x1xf32> to vector<512x128xf32>
    %mul3A_258 = vector.broadcast %get3A_256 : vector<1x128xf32> to vector<512x128xf32>
    %mul3A_259 = arith.mulf %mul3A_257, %mul3A_258 : vector<512x128xf32>
    %add3A_260 = arith.addf %add3A_252, %mul3A_259 : vector<512x128xf32>
    %get3A_261 = arith.constant 0 : index
    %get3A_262 = arith.constant 0 : index
    %get3A_263 = vector.load %arg8[%get3A_261, %get3A_262] : memref<1x128xf32, #tpu.memory_space<vmem>>, vector<1x128xf32>
    %add3A_264 = vector.broadcast %get3A_263 : vector<1x128xf32> to vector<512x128xf32>
    %add3A_265 = arith.addf %add3A_260, %add3A_264 : vector<512x128xf32>
    %max3A_266 = arith.constant 0.000000e+00 : f32
    %max3A_267 = vector.broadcast %max3A_266 : f32 to vector<512x128xf32>
    %max3A_268 = arith.maximumf %add3A_265, %max3A_267 : vector<512x128xf32>
    %get3A_269 = arith.constant 0 : index
    %get3A_270 = arith.constant 0 : index
    %get3A_271 = vector.load %arg9[%get3A_269, %get3A_270] : memref<128x128xf32, #tpu.memory_space<vmem>>, vector<128x128xf32>
    %dot_general3A_272 = arith.constant dense<0.000000e+00> : vector<512x128xf32>
    %dot_general3A_273 = tpu.matmul %max3A_268, %get3A_271, %dot_general3A_272 {dimension_numbers = #tpu.dot_dimension_numbers<[1], [0], [0], [1], [0, 0, 1, 1], [], []>, transpose_lhs_hint = false} : vector<512x128xf32>, vector<128x128xf32>, vector<512x128xf32> -> vector<512x128xf32>
    %get3A_274 = arith.constant 0 : index
    %get3A_275 = arith.constant 0 : index
    %get3A_276 = vector.load %arg10[%get3A_274, %get3A_275] : memref<1x128xf32, #tpu.memory_space<vmem>>, vector<1x128xf32>
    %add3A_277 = vector.broadcast %get3A_276 : vector<1x128xf32> to vector<512x128xf32>
    %add3A_278 = arith.addf %dot_general3A_273, %add3A_277 : vector<512x128xf32>
    %max3A_279 = arith.constant 0.000000e+00 : f32
    %max3A_280 = vector.broadcast %max3A_279 : f32 to vector<512x128xf32>
    %max3A_281 = arith.maximumf %add3A_278, %max3A_280 : vector<512x128xf32>
    %get3A_282 = arith.constant 0 : index
    %get3A_283 = arith.constant 0 : index
    %get3A_284 = vector.load %arg11[%get3A_282, %get3A_283] : memref<128x128xf32, #tpu.memory_space<vmem>>, vector<128x128xf32>
    %dot_general3A_285 = arith.constant dense<0.000000e+00> : vector<512x128xf32>
    %dot_general3A_286 = tpu.matmul %max3A_281, %get3A_284, %dot_general3A_285 {dimension_numbers = #tpu.dot_dimension_numbers<[1], [0], [0], [1], [0, 0, 1, 1], [], []>, transpose_lhs_hint = false} : vector<512x128xf32>, vector<128x128xf32>, vector<512x128xf32> -> vector<512x128xf32>
    %get3A_287 = arith.constant 0 : index
    %get3A_288 = arith.constant 0 : index
    %get3A_289 = vector.load %arg12[%get3A_287, %get3A_288] : memref<1x128xf32, #tpu.memory_space<vmem>>, vector<1x128xf32>
    %add3A_290 = vector.broadcast %get3A_289 : vector<1x128xf32> to vector<512x128xf32>
    %add3A_291 = arith.addf %dot_general3A_286, %add3A_290 : vector<512x128xf32>
    %max3A_292 = arith.constant 0.000000e+00 : f32
    %max3A_293 = vector.broadcast %max3A_292 : f32 to vector<512x128xf32>
    %max3A_294 = arith.maximumf %add3A_291, %max3A_293 : vector<512x128xf32>
    %get3A_295 = arith.constant 0 : index
    %get3A_296 = arith.constant 0 : index
    %get3A_297 = vector.load %arg13[%get3A_295, %get3A_296] : memref<128x64xf32, #tpu.memory_space<vmem>>, vector<128x64xf32>
    %dot_general3A_298 = arith.constant dense<0.000000e+00> : vector<512x64xf32>
    %dot_general3A_299 = tpu.matmul %max3A_294, %get3A_297, %dot_general3A_298 {dimension_numbers = #tpu.dot_dimension_numbers<[1], [0], [0], [1], [0, 0, 1, 1], [], []>, transpose_lhs_hint = false} : vector<512x128xf32>, vector<128x64xf32>, vector<512x64xf32> -> vector<512x64xf32>
    %get3A_300 = arith.constant 0 : index
    %get3A_301 = arith.constant 0 : index
    %get3A_302 = vector.load %arg14[%get3A_300, %get3A_301] : memref<1x64xf32, #tpu.memory_space<vmem>>, vector<1x64xf32>
    %add3A_303 = vector.broadcast %get3A_302 : vector<1x64xf32> to vector<512x64xf32>
    %add3A_304 = arith.addf %dot_general3A_299, %add3A_303 : vector<512x64xf32>
    %add3A_305 = arith.addf %add3A_201, %div3A_231 : vector<512x1xf32>
    %mul3A_306 = vector.broadcast %div3A_231 : vector<512x1xf32> to vector<512x64xf32>
    %mul3A_307 = arith.mulf %mul3A_306, %add3A_304 : vector<512x64xf32>
    %add3A_308 = arith.addf %add3A_204, %mul3A_307 : vector<512x64xf32>
    %get3A_309 = arith.constant 0 : index
    %get3A_310 = arith.constant 0 : index
    %get3A_311 = vector.load %arg5[%get3A_309, %get3A_310] : memref<512x128xf32, #tpu.memory_space<vmem>>, vector<512x128xf32>
    %slice3A_312 = vector.extract_strided_slice %get3A_311 {offsets = [0, 0], sizes = [512, 64], strides = [1, 1]} : vector<512x128xf32> to vector<512x64xf32>
    %slice3A_313 = vector.extract_strided_slice %get3A_311 {offsets = [0, 64], sizes = [512, 3], strides = [1, 1]} : vector<512x128xf32> to vector<512x3xf32>
    %sub3A_314 = arith.subf %get3A_1, %slice3A_313 : vector<512x3xf32>
    %slice3A_315 = vector.extract_strided_slice %sub3A_314 {offsets = [0, 0], sizes = [512, 1], strides = [1, 1]} : vector<512x3xf32> to vector<512x1xf32>
    %slice3A_316 = vector.extract_strided_slice %sub3A_314 {offsets = [0, 0], sizes = [512, 1], strides = [1, 1]} : vector<512x3xf32> to vector<512x1xf32>
    %mul3A_317 = arith.mulf %slice3A_315, %slice3A_316 : vector<512x1xf32>
    %slice3A_318 = vector.extract_strided_slice %sub3A_314 {offsets = [0, 1], sizes = [512, 1], strides = [1, 1]} : vector<512x3xf32> to vector<512x1xf32>
    %slice3A_319 = vector.extract_strided_slice %sub3A_314 {offsets = [0, 1], sizes = [512, 1], strides = [1, 1]} : vector<512x3xf32> to vector<512x1xf32>
    %mul3A_320 = arith.mulf %slice3A_318, %slice3A_319 : vector<512x1xf32>
    %add3A_321 = arith.addf %mul3A_317, %mul3A_320 : vector<512x1xf32>
    %slice3A_322 = vector.extract_strided_slice %sub3A_314 {offsets = [0, 2], sizes = [512, 1], strides = [1, 1]} : vector<512x3xf32> to vector<512x1xf32>
    %slice3A_323 = vector.extract_strided_slice %sub3A_314 {offsets = [0, 2], sizes = [512, 1], strides = [1, 1]} : vector<512x3xf32> to vector<512x1xf32>
    %mul3A_324 = arith.mulf %slice3A_322, %slice3A_323 : vector<512x1xf32>
    %add3A_325 = arith.addf %add3A_321, %mul3A_324 : vector<512x1xf32>
    %max3A_326 = arith.constant 9.99999996E-13 : f32
    %max3A_327 = vector.broadcast %max3A_326 : f32 to vector<512x1xf32>
    %max3A_328 = arith.maximumf %add3A_325, %max3A_327 : vector<512x1xf32>
    %sqrt3A_329 = math.sqrt %max3A_328 : vector<512x1xf32>
    %add3A_330 = arith.constant 9.99999971E-10 : f32
    %add3A_331 = vector.broadcast %add3A_330 : f32 to vector<512x1xf32>
    %add3A_332 = arith.addf %sqrt3A_329, %add3A_331 : vector<512x1xf32>
    %div3A_333 = arith.constant 1.000000e+00 : f32
    %div3A_334 = vector.broadcast %div3A_333 : f32 to vector<512x1xf32>
    %div3A_335 = arith.divf %div3A_334, %add3A_332 : vector<512x1xf32>
    %get3A_336 = arith.constant 0 : index
    %get3A_337 = arith.constant 0 : index
    %get3A_338 = vector.load %arg6[%get3A_336, %get3A_337] : memref<64x128xf32, #tpu.memory_space<vmem>>, vector<64x128xf32>
    %dot_general3A_339 = arith.constant dense<0.000000e+00> : vector<512x128xf32>
    %dot_general3A_340 = tpu.matmul %slice3A_312, %get3A_338, %dot_general3A_339 {dimension_numbers = #tpu.dot_dimension_numbers<[1], [0], [0], [1], [0, 0, 1, 1], [], []>, transpose_lhs_hint = false} : vector<512x64xf32>, vector<64x128xf32>, vector<512x128xf32> -> vector<512x128xf32>
    %slice3A_341 = vector.extract_strided_slice %sub3A_314 {offsets = [0, 0], sizes = [512, 1], strides = [1, 1]} : vector<512x3xf32> to vector<512x1xf32>
    %get3A_342 = arith.constant 0 : index
    %get3A_343 = arith.constant 0 : index
    %get3A_344 = vector.load %arg7[%get3A_342, %get3A_343] : memref<3x128xf32, #tpu.memory_space<vmem>>, vector<1x128xf32>
    %mul3A_345 = vector.broadcast %slice3A_341 : vector<512x1xf32> to vector<512x128xf32>
    %mul3A_346 = vector.broadcast %get3A_344 : vector<1x128xf32> to vector<512x128xf32>
    %mul3A_347 = arith.mulf %mul3A_345, %mul3A_346 : vector<512x128xf32>
    %add3A_348 = arith.addf %dot_general3A_340, %mul3A_347 : vector<512x128xf32>
    %slice3A_349 = vector.extract_strided_slice %sub3A_314 {offsets = [0, 1], sizes = [512, 1], strides = [1, 1]} : vector<512x3xf32> to vector<512x1xf32>
    %get3A_350 = arith.constant 1 : index
    %get3A_351 = arith.constant 0 : index
    %get3A_352 = vector.load %arg7[%get3A_350, %get3A_351] : memref<3x128xf32, #tpu.memory_space<vmem>>, vector<1x128xf32>
    %mul3A_353 = vector.broadcast %slice3A_349 : vector<512x1xf32> to vector<512x128xf32>
    %mul3A_354 = vector.broadcast %get3A_352 : vector<1x128xf32> to vector<512x128xf32>
    %mul3A_355 = arith.mulf %mul3A_353, %mul3A_354 : vector<512x128xf32>
    %add3A_356 = arith.addf %add3A_348, %mul3A_355 : vector<512x128xf32>
    %slice3A_357 = vector.extract_strided_slice %sub3A_314 {offsets = [0, 2], sizes = [512, 1], strides = [1, 1]} : vector<512x3xf32> to vector<512x1xf32>
    %get3A_358 = arith.constant 2 : index
    %get3A_359 = arith.constant 0 : index
    %get3A_360 = vector.load %arg7[%get3A_358, %get3A_359] : memref<3x128xf32, #tpu.memory_space<vmem>>, vector<1x128xf32>
    %mul3A_361 = vector.broadcast %slice3A_357 : vector<512x1xf32> to vector<512x128xf32>
    %mul3A_362 = vector.broadcast %get3A_360 : vector<1x128xf32> to vector<512x128xf32>
    %mul3A_363 = arith.mulf %mul3A_361, %mul3A_362 : vector<512x128xf32>
    %add3A_364 = arith.addf %add3A_356, %mul3A_363 : vector<512x128xf32>
    %get3A_365 = arith.constant 0 : index
    %get3A_366 = arith.constant 0 : index
    %get3A_367 = vector.load %arg8[%get3A_365, %get3A_366] : memref<1x128xf32, #tpu.memory_space<vmem>>, vector<1x128xf32>
    %add3A_368 = vector.broadcast %get3A_367 : vector<1x128xf32> to vector<512x128xf32>
    %add3A_369 = arith.addf %add3A_364, %add3A_368 : vector<512x128xf32>
    %max3A_370 = arith.constant 0.000000e+00 : f32
    %max3A_371 = vector.broadcast %max3A_370 : f32 to vector<512x128xf32>
    %max3A_372 = arith.maximumf %add3A_369, %max3A_371 : vector<512x128xf32>
    %get3A_373 = arith.constant 0 : index
    %get3A_374 = arith.constant 0 : index
    %get3A_375 = vector.load %arg9[%get3A_373, %get3A_374] : memref<128x128xf32, #tpu.memory_space<vmem>>, vector<128x128xf32>
    %dot_general3A_376 = arith.constant dense<0.000000e+00> : vector<512x128xf32>
    %dot_general3A_377 = tpu.matmul %max3A_372, %get3A_375, %dot_general3A_376 {dimension_numbers = #tpu.dot_dimension_numbers<[1], [0], [0], [1], [0, 0, 1, 1], [], []>, transpose_lhs_hint = false} : vector<512x128xf32>, vector<128x128xf32>, vector<512x128xf32> -> vector<512x128xf32>
    %get3A_378 = arith.constant 0 : index
    %get3A_379 = arith.constant 0 : index
    %get3A_380 = vector.load %arg10[%get3A_378, %get3A_379] : memref<1x128xf32, #tpu.memory_space<vmem>>, vector<1x128xf32>
    %add3A_381 = vector.broadcast %get3A_380 : vector<1x128xf32> to vector<512x128xf32>
    %add3A_382 = arith.addf %dot_general3A_377, %add3A_381 : vector<512x128xf32>
    %max3A_383 = arith.constant 0.000000e+00 : f32
    %max3A_384 = vector.broadcast %max3A_383 : f32 to vector<512x128xf32>
    %max3A_385 = arith.maximumf %add3A_382, %max3A_384 : vector<512x128xf32>
    %get3A_386 = arith.constant 0 : index
    %get3A_387 = arith.constant 0 : index
    %get3A_388 = vector.load %arg11[%get3A_386, %get3A_387] : memref<128x128xf32, #tpu.memory_space<vmem>>, vector<128x128xf32>
    %dot_general3A_389 = arith.constant dense<0.000000e+00> : vector<512x128xf32>
    %dot_general3A_390 = tpu.matmul %max3A_385, %get3A_388, %dot_general3A_389 {dimension_numbers = #tpu.dot_dimension_numbers<[1], [0], [0], [1], [0, 0, 1, 1], [], []>, transpose_lhs_hint = false} : vector<512x128xf32>, vector<128x128xf32>, vector<512x128xf32> -> vector<512x128xf32>
    %get3A_391 = arith.constant 0 : index
    %get3A_392 = arith.constant 0 : index
    %get3A_393 = vector.load %arg12[%get3A_391, %get3A_392] : memref<1x128xf32, #tpu.memory_space<vmem>>, vector<1x128xf32>
    %add3A_394 = vector.broadcast %get3A_393 : vector<1x128xf32> to vector<512x128xf32>
    %add3A_395 = arith.addf %dot_general3A_390, %add3A_394 : vector<512x128xf32>
    %max3A_396 = arith.constant 0.000000e+00 : f32
    %max3A_397 = vector.broadcast %max3A_396 : f32 to vector<512x128xf32>
    %max3A_398 = arith.maximumf %add3A_395, %max3A_397 : vector<512x128xf32>
    %get3A_399 = arith.constant 0 : index
    %get3A_400 = arith.constant 0 : index
    %get3A_401 = vector.load %arg13[%get3A_399, %get3A_400] : memref<128x64xf32, #tpu.memory_space<vmem>>, vector<128x64xf32>
    %dot_general3A_402 = arith.constant dense<0.000000e+00> : vector<512x64xf32>
    %dot_general3A_403 = tpu.matmul %max3A_398, %get3A_401, %dot_general3A_402 {dimension_numbers = #tpu.dot_dimension_numbers<[1], [0], [0], [1], [0, 0, 1, 1], [], []>, transpose_lhs_hint = false} : vector<512x128xf32>, vector<128x64xf32>, vector<512x64xf32> -> vector<512x64xf32>
    %get3A_404 = arith.constant 0 : index
    %get3A_405 = arith.constant 0 : index
    %get3A_406 = vector.load %arg14[%get3A_404, %get3A_405] : memref<1x64xf32, #tpu.memory_space<vmem>>, vector<1x64xf32>
    %add3A_407 = vector.broadcast %get3A_406 : vector<1x64xf32> to vector<512x64xf32>
    %add3A_408 = arith.addf %dot_general3A_403, %add3A_407 : vector<512x64xf32>
    %add3A_409 = arith.addf %add3A_305, %div3A_335 : vector<512x1xf32>
    %mul3A_410 = vector.broadcast %div3A_335 : vector<512x1xf32> to vector<512x64xf32>
    %mul3A_411 = arith.mulf %mul3A_410, %add3A_408 : vector<512x64xf32>
    %add3A_412 = arith.addf %add3A_308, %mul3A_411 : vector<512x64xf32>
    %div3A_413 = vector.broadcast %add3A_409 : vector<512x1xf32> to vector<512x64xf32>
    %div3A_414 = arith.divf %add3A_412, %div3A_413 : vector<512x64xf32>
    %swap3A = arith.constant 0 : index
    %swap3A_415 = arith.constant 0 : index
    %swap3A_416 = vector.load %arg15[%swap3A, %swap3A_415] : memref<512x64xf32, #tpu.memory_space<vmem>>, vector<512x64xf32>
    tpu.vector_store %arg15[%swap3A, %swap3A_415], %div3A_414 {strides = array<i32>} : memref<512x64xf32, #tpu.memory_space<vmem>>, vector<512x64xf32>,
    return
  }
  func.func @transform_0(%arg0: i32) -> (i32, i32) {
    %c0_i32 = arith.constant 0 : i32
    %c0_i32_0 = arith.constant 0 : i32
    return %arg0, %c0_i32 : i32, i32
  }
  func.func @transform_1(%arg0: i32) -> (i32, i32) {
    %add3A = arith.constant 0 : i32
    %add3A_0 = arith.addi %add3A, %arg0 : i32
    %c0_i32 = arith.constant 0 : i32
    %c0_i32_1 = arith.constant 0 : i32
    return %add3A_0, %c0_i32 : i32, i32
  }
  func.func @transform_2(%arg0: i32) -> (i32, i32) {
    %add3A = arith.constant 16 : i32
    %add3A_0 = arith.addi %add3A, %arg0 : i32
    %c0_i32 = arith.constant 0 : i32
    %c0_i32_1 = arith.constant 0 : i32
    return %add3A_0, %c0_i32 : i32, i32
  }
  func.func @transform_3(%arg0: i32) -> (i32, i32) {
    %add3A = arith.constant 32 : i32
    %add3A_0 = arith.addi %add3A, %arg0 : i32
    %c0_i32 = arith.constant 0 : i32
    %c0_i32_1 = arith.constant 0 : i32
    return %add3A_0, %c0_i32 : i32, i32
  }
  func.func @transform_4(%arg0: i32) -> (i32, i32) {
    %add3A = arith.constant 48 : i32
    %add3A_0 = arith.addi %add3A, %arg0 : i32
    %c0_i32 = arith.constant 0 : i32
    %c0_i32_1 = arith.constant 0 : i32
    return %add3A_0, %c0_i32 : i32, i32
  }
  func.func @transform_5(%arg0: i32) -> (i32, i32) {
    %c0_i32 = arith.constant 0 : i32
    %c0_i32_0 = arith.constant 0 : i32
    %c0_i32_1 = arith.constant 0 : i32
    return %c0_i32, %c0_i32_0 : i32, i32
  }
  func.func @transform_6(%arg0: i32) -> (i32, i32) {
    %c0_i32 = arith.constant 0 : i32
    %c0_i32_0 = arith.constant 0 : i32
    %c0_i32_1 = arith.constant 0 : i32
    return %c0_i32, %c0_i32_0 : i32, i32
  }
  func.func @transform_7(%arg0: i32) -> (i32, i32) {
    %c0_i32 = arith.constant 0 : i32
    %c0_i32_0 = arith.constant 0 : i32
    %c0_i32_1 = arith.constant 0 : i32
    return %c0_i32, %c0_i32_0 : i32, i32
  }
  func.func @transform_8(%arg0: i32) -> (i32, i32) {
    %c0_i32 = arith.constant 0 : i32
    %c0_i32_0 = arith.constant 0 : i32
    %c0_i32_1 = arith.constant 0 : i32
    return %c0_i32, %c0_i32_0 : i32, i32
  }
  func.func @transform_9(%arg0: i32) -> (i32, i32) {
    %c0_i32 = arith.constant 0 : i32
    %c0_i32_0 = arith.constant 0 : i32
    %c0_i32_1 = arith.constant 0 : i32
    return %c0_i32, %c0_i32_0 : i32, i32
  }
  func.func @transform_10(%arg0: i32) -> (i32, i32) {
    %c0_i32 = arith.constant 0 : i32
    %c0_i32_0 = arith.constant 0 : i32
    %c0_i32_1 = arith.constant 0 : i32
    return %c0_i32, %c0_i32_0 : i32, i32
  }
  func.func @transform_11(%arg0: i32) -> (i32, i32) {
    %c0_i32 = arith.constant 0 : i32
    %c0_i32_0 = arith.constant 0 : i32
    %c0_i32_1 = arith.constant 0 : i32
    return %c0_i32, %c0_i32_0 : i32, i32
  }
  func.func @transform_12(%arg0: i32) -> (i32, i32) {
    %c0_i32 = arith.constant 0 : i32
    %c0_i32_0 = arith.constant 0 : i32
    %c0_i32_1 = arith.constant 0 : i32
    return %c0_i32, %c0_i32_0 : i32, i32
  }
  func.func @transform_13(%arg0: i32) -> (i32, i32) {
    %c0_i32 = arith.constant 0 : i32
    %c0_i32_0 = arith.constant 0 : i32
    %c0_i32_1 = arith.constant 0 : i32
    return %c0_i32, %c0_i32_0 : i32, i32
  }
  func.func @transform_14(%arg0: i32) -> (i32, i32) {
    %c0_i32 = arith.constant 0 : i32
    %c0_i32_0 = arith.constant 0 : i32
    return %arg0, %c0_i32 : i32, i32
  }
}

</mosaic_0001>

<sc_bundles>
// kernel: kernel.11.cloned.1.call-start
scs
__scs_entry_jumppad:
0x0: {  	(pc) =	sbr.rel $0x88, $3  }
0x1: {  	(tag) =	ssettag $0x0;
	lr =	simm.s32 $0x1  }
0x2: {  	[smem:$0x3F96] =	sst lr;
	_ =	strace $0xD0000000  }
0x3: {  	_ = 	snop  }
0x4: {  	_ = 	snop  }
0x5: {  	_ = 	snop  }
0x6: {  	_ = 	snop  }
0x7: {  	_ = 	snop  }
__scs_overlays_trampoline_lowered:
0x8: {  	[smem:$0x3FA5] =	sst s0  }
0x9: {  	[smem:$0x3FA6] =	sst s1  }
0xa: {  	[smem:$0x3FA7] =	sst s2  }
0xb: {  	[smem:$0x3FA8] =	sst s3  }
0xc: {  	[smem:$0x3FA9] =	sst s4  }
0xd: {  	[smem:$0x3FAA] =	sst s5  }
0xe: {  	[smem:$0x3FAB] =	sst s6  }
0xf: {  	[smem:$0x3FAC] =	sst s7  }
0x10: {  	[smem:$0x3FAD] =	sst s8  }
0x11: {  	[smem:$0x3FAE] =	sst s9;
	s0 =	simm.s32 @!p0 $0x0  }
0x12: {  	s1 =	sld [smem:$0x3F94];
	s0 =	simm.s32 @p0 $0x1  }
0x13: {  	[smem:$0x3FAF] =	sst s0;
	s0 =	simm.s32 @!p1 $0x0  }
0x14: {  	s2 =	sld [smem:$0x3F93];
	s0 =	simm.s32 @p1 $0x1  }
0x15: {  	[smem:$0x3FB0] =	sst s0;
	s0 =	simm.s32 @!p2 $0x0  }
0x16: {  	s3 =	sld [smem:$0x3FDB];
	s0 =	simm.s32 @p2 $0x1  }
0x17: {  	s4 =	simm.s32 $0x1BF5;
	[smem:$0x3FB2] =	sst s0  }
0x18: {  	s0 =	sld [smem:$0x3F95];
	_ =	swait.ge [sflag:s4], $0x0  }
0x19: {  	s7 =	sld [smem:$0x3F96]  }
0x1a: {  	s8 =	sadd.s32 $0xFFFFE003, lr  }
0x1b: {  	s9 =	sadd.s32 $0xFFFFFEF7, lr;
	s5 =	simm.s32 $0xFFFFFFFF;
	p2 =	slt.u32 s8, $0xFFFFF086  }
0x1c: {  	p1 =	slt.u32 s9, $0xF7A;
	s5 =	simm.s32 @!p2 $0x0  }
0x1d: {  	s5 =	simm.s32 @p1 $0x1;
	p0 =	seq.s32 s7, s2  }
0x1e: {  	s7 =	smul.u32 @!p0 $0xF7A, s2;
	p2 =	seq.s32 @!p0 s5, $0x0  }
0x1f: {  	s9 =	smul.u32 $0xF7A, s1;
	s8 =	simm.s32 @!p0 $0x1BF5;
	p2 =	por !p2, p0  }
0x20: {  	[sflag:s8] =	ssyncset.s32 @!p0 $0xFFFFF086;
	s6 =	sadd.s32 @!p0 s3, s7;
	s7 =	simm.s32 @!p0 $0x108  }
0x21: {  	s3 =	sadd.s32 s3, s9;
	s6 =	sadd.s32 @!p0 $0x88, s6;
	s7 =	simm.s32 @p2 $0x1082  }
0x22: {  	[simem:s7], [sflag:s8] =	dma.local @!p0 [hbm:s6], $0xF7A  }
0x23: {  	s9 =	sor.u32 $0xD0000000, s2;
	s6 =	simm.s32 $0x108;
	_ =	swait.ge @!p0 [sflag:s8], $0x0  }
0x24: {  	s3 =	sadd.s32 $0x88, s3;
	s6 =	simm.s32 @!p1 $0x1082;
	[sflag:s4] =	ssyncset.s32 $0xFFFFF086  }
0x25: {  	[simem:s6], [sflag:s4] =	dma.local [hbm:s3], $0xF7A  }
0x26: {  	[smem:$0x3F96] =	sst s1;
	(tag) =	ssettag s2;
	_ =	strace s9  }
0x27: {  	s1 =	sld [smem:$0x3FA6]  }
0x28: {  	s2 =	sld [smem:$0x3FA7]  }
0x29: {  	s4 =	sld [smem:$0x3FA9]  }
0x2a: {  	p0 =	seq.s32 s5, $0x0;
	s5 =	sld [smem:$0x3FAA]  }
0x2b: {  	s6 =	sld [smem:$0x3FAB]  }
0x2c: {  	s7 =	sld [smem:$0x3FAC]  }
0x2d: {  	s3 =	simm.s32 $0x108;
	s8 =	sld [smem:$0x3FAD]  }
0x2e: {  	s3 =	simm.s32 @!p0 $0x1082;
	s9 =	sld [smem:$0x3FAE]  }
0x2f: {  	lr =	sadd.s32 s0, s3;
	s0 =	sld [smem:$0x3FA5]  }
0x30: {  	s3 =	sld [smem:$0x3FA8]  }
0x31: {  	[smem:$0x3FB1] =	sst s10  }
0x32: {  	s10 =	sld [smem:$0x3FAF];
	_ =	sdelay $0x3  }
0x33: {  	p0 =	seq.s32 s10, $0x1;
	s10 =	sld [smem:$0x3FB1];
	_ =	sdelay $0x3  }
0x34: {  	[smem:$0x3FB1] =	sst s10  }
0x35: {  	s10 =	sld [smem:$0x3FB0];
	_ =	sdelay $0x3  }
0x36: {  	p1 =	seq.s32 s10, $0x1;
	s10 =	sld [smem:$0x3FB1];
	_ =	sdelay $0x3  }
0x37: {  	[smem:$0x3FB1] =	sst s10  }
0x38: {  	s10 =	sld [smem:$0x3FB2]  }
0x39: {  	_ = 	snop;
	(pc) =	sbr.ind lr, $3  }
0x3a: {  	_ = 	snop  }
0x3b: {  	_ = 	snop  }
0x3c: {  	p2 =	seq.s32 s10, $0x1;
	s10 =	sld [smem:$0x3FB1]  }
0x3d: {  	_ =	shalt  }
0x3e: {  	_ =	shalt  }
0x3f: {  	_ =	shalt  }
0x40: {  	_ =	shalt  }
0x41: {  	_ =	shalt  }
0x42: {  	_ =	shalt  }
0x43: {  	_ =	shalt  }
0x44: {  	_ =	shalt  }
0x45: {  	_ =	shalt  }
0x46: {  	_ =	shalt  }
0x47: {  	_ =	shalt  }
0x48: {  	_ =	shalt  }
0x49: {  	_ =	shalt  }
0x4a: {  	_ =	shalt  }
0x4b: {  	_ =	shalt  }
0x4c: {  	_ =	shalt  }
0x4d: {  	_ =	shalt  }
0x4e: {  	_ =	shalt  }
0x4f: {  	_ =	shalt  }
0x50: {  	_ =	shalt  }
0x51: {  	_ =	shalt  }
0x52: {  	_ =	shalt  }
0x53: {  	_ =	shalt  }
0x54: {  	_ =	shalt  }
0x55: {  	_ =	shalt  }
0x56: {  	_ =	shalt  }
0x57: {  	_ =	shalt  }
0x58: {  	_ =	shalt  }
0x59: {  	_ =	shalt  }
0x5a: {  	_ =	shalt  }
0x5b: {  	_ =	shalt  }
0x5c: {  	_ =	shalt  }
0x5d: {  	_ =	shalt  }
0x5e: {  	_ =	shalt  }
0x5f: {  	_ =	shalt  }
0x60: {  	_ =	shalt  }
0x61: {  	_ =	shalt  }
0x62: {  	_ =	shalt  }
0x63: {  	_ =	shalt  }
0x64: {  	_ =	shalt  }
0x65: {  	_ =	shalt  }
0x66: {  	_ =	shalt  }
0x67: {  	_ =	shalt  }
0x68: {  	_ =	shalt  }
0x69: {  	_ =	shalt  }
0x6a: {  	_ =	shalt  }
0x6b: {  	_ =	shalt  }
0x6c: {  	_ =	shalt  }
0x6d: {  	_ =	shalt  }
0x6e: {  	_ =	shalt  }
0x6f: {  	_ =	shalt  }
0x70: {  	_ =	shalt  }
0x71: {  	_ =	shalt  }
0x72: {  	_ =	shalt  }
0x73: {  	_ =	shalt  }
0x74: {  	_ =	shalt  }
0x75: {  	_ =	shalt  }
0x76: {  	_ =	shalt  }
0x77: {  	_ =	shalt  }
0x78: {  	_ =	shalt  }
0x79: {  	_ =	shalt  }
0x7a: {  	_ =	shalt  }
0x7b: {  	_ =	shalt  }
0x7c: {  	_ =	shalt  }
0x7d: {  	_ =	shalt  }
0x7e: {  	_ =	shalt  }
0x7f: {  	_ =	shalt  }
0x80: {  	_ =	shalt  }
0x81: {  	_ =	shalt  }
0x82: {  	_ =	shalt  }
0x83: {  	_ =	shalt  }
0x84: {  	_ =	shalt  }
0x85: {  	_ =	shalt  }
0x86: {  	_ =	shalt  }
0x87: {  	_ =	shalt  }
.Lfunc_end0:
.L_simem_size_0:
called_computation.1_lowered:
.L_overlay_start_0:
0x88: {  	s2 =	sld [smem:$0x3FD9]  }
0x89: {  	s3 =	sld [smem:$0x3FFE];
	_ =	sdelay $0x1  }
0x8a: {  	s1 =	srdreg.scid  }
0x8b: {  	s0 =	sand.u32 $0x1, s1  }
0x8c: {  	s17 =	sshll.u32 s0, $0xA;
	s2 =	sadd.s32 s3, s2  }
0x8d: {  	s2 =	sadd.s32 s2, s17  }
0x8e: {  	[smem:$0x3FBD] =	sst s2  }
0x8f: {  	_ = 	snop  }
0x90: {  	s18 =	sld [smem:$0x3FD0];
	(tm) =	ssettm $0x1  }
0x91: {  	s19 =	sld [smem:$0x3FFB];
	_ =	sdelay $0x3  }
0x92: {  	_ =	strace s19  }
0x93: {  	s2 =	sld [smem:$0x3FFC];
	_ =	sdelay $0x3  }
0x94: {  	_ =	strace s2  }
0x95: {  	s2 =	sld [smem:$0x3FFD];
	_ =	sdelay $0x3  }
0x96: {  	_ =	strace s2  }
0x97: {  	_ =	strace $0x8FFFFFFF  }
0x98: {  	s20 =	sld [smem:$0x3FDB];
	_ =	sdelay $0x1  }
0x99: {  	s4 =	simm.s32 $_scs_section_size  }
0x9a: {  	s5 =	simm.s32 $_size__tile_overlayer_lowered;
	s6 =	simm.s32 $_tile_overlayer_lowered  }
0x9b: {  	s7 =	simm.s32 $0x1BFF;
	s21 =	sshll.u32 s6, $0x1;
	s4 =	sadd.s32 s4, s20  }
0x9c: {  	s22 =	simm.s32 $0x0;
	s5 =	sshll.u32 s5, $0x1;
	s6 =	sadd.s32 s21, s4  }
0x9d: {  	[timem:s22], [sflag:s7] =	dma.local [hbm:s6], s5  }
0x9e: {  	_ =	swait.ge [sflag:s7], s5  }
0x9f: {  	s5 =	ssub.s32 $0x0, s5;
	[sflag:s7] =	ssyncset.done $0x0  }
0xa0: {  	[sflag:s7] =	ssyncadd.s32 s5;
	_ =	sdelay $0x1  }
0xa1: {  	s23 =	simm.s32 $0x1B8B  }
0xa2: {  	_ =	swait.ge [sflag:s23], $0x1  }
0xa3: {  	[sflag:s23] =	ssyncset.done $0x0  }
0xa4: {  	[sflag:s23] =	ssyncadd.s32 $0xFFFFFFFF  }
0xa5: {  	s5 =	sld [smem:$0x0]  }
0xa6: {  	s6 =	sand.u32 $0xFFFFFFFE, s1  }
0xa7: {  	p0 =	sne.s32 s1, s6  }
0xa8: {  	s6 =	sshll.u32 @p0 s6, $0xE  }
0xa9: {  	s6 =	sadd.s32 @p0 $0x11B8D, s6;
	s7 =	sshll.u32 @p0 s5, $0x11  }
0xaa: {  	s6 =	sor.u32 @p0 s7, s6  }
0xab: {  	[sflag:s6] =	ssyncadd.remote.s32 @p0 $0x1;
	_ =	sdelay $0x1  }
0xac: {  	s6 =	simm.s32 @p0 $0x1B8D  }
0xad: {  	_ =	swait.eq @p0 [sflag:s6], $0x1  }
0xae: {  	[sflag:s6] =	ssyncadd.s32 @p0 $0xFFFFFFFF  }
0xaf: {  	s7 =	sshll.u32 @!p0 s1, $0xE  }
0xb0: {  	s7 =	sor.u32 @!p0 $0x4000, s7;
	s6 =	simm.s32 @!p0 $0x1B8D  }
0xb1: {  	s5 =	sshll.u32 @!p0 s5, $0x11;
	s7 =	sadd.s32 @!p0 $0x11B8D, s7;
	_ =	swait.eq @!p0 [sflag:s6], $0x1  }
0xb2: {  	s5 =	sor.u32 @!p0 s5, s7;
	[sflag:s6] =	ssyncadd.s32 @!p0 $0xFFFFFFFF  }
0xb3: {  	s25 =	simm.s32 $0x1B8E;
	s24 =	sld [smem:$0x3FFE];
	[sflag:s5] =	ssyncadd.remote.s32 @!p0 $0x1  }
0xb4: {  	s26 =	simm.s32 $execute0_lowered;
	[smem:$0x3FD2] =	sst s25  }
0xb5: {  	s6 =	sshll.u32 s26, $0x1;
	_ =	strace $0x80000049;
	[dreg:$0x1] =	wrdreg $0xFFFFFFFF  }
0xb6: {  	s28 =	simm.s32 $_size_execute0_lowered;
	s4 =	sadd.s32 s4, s6;
	[dreg:$0x0] =	wrdreg $0x0  }
0xb7: {  	s6 =	sshll.u32 s28, $0x1;
	[dreg:$0x2] =	wrdreg s4  }
0xb8: {  	[dreg:$0x3] =	wrdreg s6  }
0xb9: {  	[dreg:$0x4] =	wrdreg $0xC0  }
0xba: {  	_ =	task [dreg:s22], $0x5FFFF  }
0xbb: {  	[dreg:$0x1] =	wrdreg $0xFFFFFFFF  }
0xbc: {  	[dreg:$0x0] =	wrdreg $0x60  }
0xbd: {  	[dreg:$0x2] =	wrdreg s24  }
0xbe: {  	[dreg:$0x3] =	wrdreg s18  }
0xbf: {  	[dreg:$0x4] =	wrdreg $0xA  }
0xc0: {  	_ =	task.clear_ibuf [dreg:s22], $0x5FFFF;
	_ =	strace $0x90000049  }
0xc1: {  	s29 =	simm.s32 $0xA;
	_ =	strace $0x8000004B  }
0xc2: {  	_ =	swait.ge [sflag:s29], $0x1  }
0xc3: {  	[sflag:s29] =	ssyncadd.s32 $0xFFFFFFFF  }
0xc4: {  	_ =	strace $0x9000004B  }
0xc5: {  	_ =	sfence  }
0xc6: {  	s30 =	sld [smem:$0x0];
	_ =	sdelay $0x2  }
0xc7: {  	s31 =	sshll.u32 s1, $0xD;
	s1 =	sshrl.u32 s1, $0x2  }
0xc8: {  	s4 =	sand.u32 $0x4000, s31;
	s1 =	sadd.s32 s1, s30  }
0xc9: {  	s0 =	sor.u32 s4, s0;
	s1 =	sshll.u32 s1, $0x11  }
0xca: {  	s0 =	sor.u32 s1, s0  }
0xcb: {  	s0 =	sadd.s32 $0x8F2B, s0  }
0xcc: {  	[sflag:s0] =	ssyncadd.remote.s32 $0x1  }
0xcd: {  	_ =	sfence.sel $0xFFFF  }
0xce: {  	[dreg:$0x0] =	wrdreg $0xFFFFFFFF;
	(pc) =	sbr.abs _section_cstart, $3  }
0xcf: {  	[dreg:$0x1] =	wrdreg $0xFFFFFFFF  }
0xd0: {  	_ =	task.clear_ibuf [dreg:s22], $0x2FFFF;
	_ =	strace $0x9FFFFFFF  }
0xd1: {  	(tm) =	ssettm $0x7FFFFFFF  }
tec
execute0_lowered:
.L_overlay_start_1:
0x0: {  	(tag) =	ssettag $0x1  }
0x1: {  	s1 =	srdreg.scid  }
0x2: {  	s8 =	rddreg [dreg:$0x0];
	s0 =	stileid.u32;
	s10 =	sand.u32 $0x1, s1  }
0x3: {  	s2 =	rddreg [dreg:$0x1];
	s4 =	sshll.u32 s0, $0xB;
	s5 =	sshll.u32 s10, $0xA  }
0x4: {  	s3 =	simm.s32 $0x0;
	s1 =	rddreg [dreg:$0x2];
	s9 =	sor.u32 s5, s4  }
0x5: {  	[smem:$0x7FF] =	sst s3;
	s11 =	sadd.s32 $0x82E00, s8;
	s4 =	sshrl.u32 s9, $0x3  }
0x6: {  	_ =	strace $0x8000004A;
	s5 =	sadd.s32 s11, s4;
	s4 =	simm.s32 $0x2  }
0x7: {  	[tilespmem:s3], [sflag:$0x2] =	stream.linear.gather [hbm4b:s5+s3], $0x200, $0x38;
	[tilespmem:$0x10200] =	vst v63  }
0x8: {  	_ =	swait.ge [sflag:s4], $0x200  }
0x9: {  	[sflag:s4] =	ssyncset.done $0x0  }
0xa: {  	s6 =	simm.s32 $0x200;
	s7 =	simm.s32 $0x1;
	[sflag:s4] =	ssyncadd.s32 $0xFFFFFE00  }
0xb: {  	[tilespmem:s6], [sflag:$0x1] =	stream.indirect.gather [hbm4b:s2+s6], $0x80, s3, s6, $0xb8;
	[tilespmem:$0x10200] =	vst v63  }
0xc: {  	_ =	swait.ge [sflag:s7], $0x10000  }
0xd: {  	s12 =	sadd.s32 $0x83E00, s8;
	s29 =	sshll.u32 s9, $0x4;
	[sflag:s7] =	ssyncset.done $0x0  }
0xe: {  	s8 =	sadd.s32 s12, s29;
	[sflag:s7] =	ssyncadd.s32 $0xFFFF0000  }
0xf: {  	[hbm4b:s8+s3] =	stream.linear.scatter [tilespmem:s6], [sflag:$0x2], $0x10000, $0x38;
	[tilespmem:$0x10200] =	vst v63  }
0x10: {  	s13 =	sor.u32 $0x200, s9;
	_ =	swait.ge [sflag:s4], $0x10000  }
0x11: {  	s9 =	sshrl.u32 s13, $0x3;
	[sflag:s4] =	ssyncset.done $0x0  }
0x12: {  	s10 =	ssub.s32 $0x2, s10;
	s9 =	sadd.s32 s11, s9;
	[sflag:s4] =	ssyncadd.s32 $0xFFFF0000  }
0x13: {  	[tilespmem:s3], [sflag:$0x2] =	stream.linear.gather [hbm4b:s9+s3], $0x200, $0x38;
	[tilespmem:$0x10200] =	vst v63  }
0x14: {  	s30 =	sshrl.u32 s10, $0x1;
	_ =	swait.ge [sflag:s4], $0x200  }
0x15: {  	s11 =	ssub.s32 s10, s30;
	[sflag:s4] =	ssyncset.done $0x0  }
0x16: {  	s11 =	smax.u32 s11, $0x1;
	[sflag:s4] =	ssyncadd.s32 $0xFFFFFE00  }
0x17: {  	[tilespmem:s6], [sflag:$0x1] =	stream.indirect.gather [hbm4b:s2+s6], $0x80, s3, s6, $0xb8;
	[tilespmem:$0x10200] =	vst v63  }
0x18: {  	p0 =	sne.s32 s11, $0x1;
	_ =	swait.ge [sflag:s7], $0x10000  }
.Ltmp0:
0x19: {  	s31 =	sshll.u32 s13, $0x4;
	[sflag:s7] =	ssyncset.done $0x0;
	(pc) =	sbr.rel @!p0 .LBB2_2-.Ltmp0, $4  }
0x1a: {  	s10 =	sadd.s32 s12, s31;
	[sflag:s7] =	ssyncadd.s32 $0xFFFF0000  }
0x1b: {  	[hbm4b:s10+s3] =	stream.linear.scatter [tilespmem:s6], [sflag:$0x2], $0x10000, $0x38;
	[tilespmem:$0x10200] =	vst v63  }
0x1c: {  	_ =	swait.ge [sflag:s4], $0x10000  }
0x1d: {  	s11 =	sadd.s32 $0xFFFFFFFF, s11;
	[sflag:s4] =	ssyncset.done $0x0  }
.LBB2_1:
0x1e: {  	p0 =	sne.s32 s11, $0x1;
	s11 =	sadd.s32 $0xFFFFFFFF, s11;
	[sflag:s4] =	ssyncadd.s32 $0xFFFF0000  }
0x1f: {  	[tilespmem:s3], [sflag:$0x2] =	stream.linear.gather [hbm4b:s5+s3], $0x200, $0x38;
	[tilespmem:$0x10200] =	vst v63  }
0x20: {  	_ =	swait.ge [sflag:s4], $0x200  }
0x21: {  	[sflag:s4] =	ssyncset.done $0x0  }
0x22: {  	[sflag:s4] =	ssyncadd.s32 $0xFFFFFE00  }
0x23: {  	[tilespmem:s6], [sflag:$0x1] =	stream.indirect.gather [hbm4b:s2+s6], $0x80, s3, s6, $0xb8;
	[tilespmem:$0x10200] =	vst v63  }
0x24: {  	_ =	swait.ge [sflag:s7], $0x10000  }
0x25: {  	[sflag:s7] =	ssyncset.done $0x0  }
0x26: {  	[sflag:s7] =	ssyncadd.s32 $0xFFFF0000  }
0x27: {  	[hbm4b:s8+s3] =	stream.linear.scatter [tilespmem:s6], [sflag:$0x2], $0x10000, $0x38;
	[tilespmem:$0x10200] =	vst v63  }
0x28: {  	_ =	swait.ge [sflag:s4], $0x10000  }
0x29: {  	[sflag:s4] =	ssyncset.done $0x0  }
0x2a: {  	[sflag:s4] =	ssyncadd.s32 $0xFFFF0000  }
0x2b: {  	[tilespmem:s3], [sflag:$0x2] =	stream.linear.gather [hbm4b:s9+s3], $0x200, $0x38;
	[tilespmem:$0x10200] =	vst v63  }
0x2c: {  	_ =	swait.ge [sflag:s4], $0x200  }
0x2d: {  	[sflag:s4] =	ssyncset.done $0x0  }
0x2e: {  	[sflag:s4] =	ssyncadd.s32 $0xFFFFFE00  }
0x2f: {  	[tilespmem:s6], [sflag:$0x1] =	stream.indirect.gather [hbm4b:s2+s6], $0x80, s3, s6, $0xb8;
	[tilespmem:$0x10200] =	vst v63  }
0x30: {  	_ =	swait.ge [sflag:s7], $0x10000  }
.Ltmp1:
0x31: {  	[sflag:s7] =	ssyncset.done $0x0;
	(pc) =	sbr.rel @p0 .LBB2_1-.Ltmp1, $4  }
0x32: {  	[sflag:s7] =	ssyncadd.s32 $0xFFFF0000  }
0x33: {  	[hbm4b:s10+s3] =	stream.linear.scatter [tilespmem:s6], [sflag:$0x2], $0x10000, $0x38;
	[tilespmem:$0x10200] =	vst v63  }
0x34: {  	_ =	swait.ge [sflag:s4], $0x10000  }
0x35: {  	[sflag:s4] =	ssyncset.done $0x0  }
.LBB2_2:
0x36: {  	[sflag:s4] =	ssyncadd.s32 $0xFFFF0000  }
0x37: {  	_ =	sfence.sel $0x180000  }
0x38: {  	[bflag:$0x0] =	sbarrier.arrive $0xFFFF  }
0x39: {  	p0 =	sne.s32 s0, $0x0;
	_ =	strace $0x9000004A  }
0x3a: {  	s0 =	sadd.s32 @!p0 $0x100000, s1;
	[bflag:$0x2] =	sbarrier.arrive $0xFFFF  }
0x3b: {  	[sflag:s0] =	ssyncadd.tile.s32 @!p0 $0x1;
	_ =	shalt  }
.Lfunc_end2:
_tile_overlayer_lowered:
.L_overlay_start_2:
0x3c: {  	(tag) =	ssettag $0x2  }
0x3d: {  	s0 =	rddreg [dreg:$0x0];
	s2 =	stileid.u32  }
0x3e: {  	s1 =	rddreg [dreg:$0x1];
	p0 =	sne.s32 s2, $0x0  }
0x3f: {  	s3 =	rddreg [dreg:$0x2];
	[bflag:$0x3] =	sbarrier.arrive $0xFFFF;
	s2 =	simm.s32 @!p0 $0x1C02  }
0x40: {  	[timem:s3], [sflag:s2] =	dma.local @!p0 [hbm:s0], s1  }
0x41: {  	s0 =	simm.s32 @!p0 $0x2  }
0x42: {  	_ =	swait.ge @!p0 [sflag:s0], s1  }
0x43: {  	s1 =	ssub.s32 @!p0 $0x0, s1;
	[sflag:s0] =	ssyncset.done @!p0 $0x0  }
0x44: {  	[sflag:s0] =	ssyncadd.s32 @!p0 s1  }
0x45: {  	[bflag:$0x3] =	sbarrier.arrive $0xFFFF  }
0x46: {  	_ =	shalt  }

// kernel: kernel.8.cloned.1.call-start
scs
__scs_entry_jumppad:
0x0: {  	(pc) =	sbr.rel $0x88, $3  }
0x1: {  	(tag) =	ssettag $0x0;
	lr =	simm.s32 $0x1  }
0x2: {  	[smem:$0x3F96] =	sst lr;
	_ =	strace $0xD0000000  }
0x3: {  	_ = 	snop  }
0x4: {  	_ = 	snop  }
0x5: {  	_ = 	snop  }
0x6: {  	_ = 	snop  }
0x7: {  	_ = 	snop  }
__scs_overlays_trampoline_lowered:
0x8: {  	[smem:$0x3FA5] =	sst s0  }
0x9: {  	[smem:$0x3FA6] =	sst s1  }
0xa: {  	[smem:$0x3FA7] =	sst s2  }
0xb: {  	[smem:$0x3FA8] =	sst s3  }
0xc: {  	[smem:$0x3FA9] =	sst s4  }
0xd: {  	[smem:$0x3FAA] =	sst s5  }
0xe: {  	[smem:$0x3FAB] =	sst s6  }
0xf: {  	[smem:$0x3FAC] =	sst s7  }
0x10: {  	[smem:$0x3FAD] =	sst s8  }
0x11: {  	[smem:$0x3FAE] =	sst s9;
	s0 =	simm.s32 @!p0 $0x0  }
0x12: {  	s1 =	sld [smem:$0x3F94];
	s0 =	simm.s32 @p0 $0x1  }
0x13: {  	[smem:$0x3FAF] =	sst s0;
	s0 =	simm.s32 @!p1 $0x0  }
0x14: {  	s2 =	sld [smem:$0x3F93];
	s0 =	simm.s32 @p1 $0x1  }
0x15: {  	[smem:$0x3FB0] =	sst s0;
	s0 =	simm.s32 @!p2 $0x0  }
0x16: {  	s3 =	sld [smem:$0x3FDB];
	s0 =	simm.s32 @p2 $0x1  }
0x17: {  	s4 =	simm.s32 $0x1BF5;
	[smem:$0x3FB2] =	sst s0  }
0x18: {  	s0 =	sld [smem:$0x3F95];
	_ =	swait.ge [sflag:s4], $0x0  }
0x19: {  	s7 =	sld [smem:$0x3F96]  }
0x1a: {  	s8 =	sadd.s32 $0xFFFFE003, lr  }
0x1b: {  	s9 =	sadd.s32 $0xFFFFFEF7, lr;
	s5 =	simm.s32 $0xFFFFFFFF;
	p2 =	slt.u32 s8, $0xFFFFF086  }
0x1c: {  	p1 =	slt.u32 s9, $0xF7A;
	s5 =	simm.s32 @!p2 $0x0  }
0x1d: {  	s5 =	simm.s32 @p1 $0x1;
	p0 =	seq.s32 s7, s2  }
0x1e: {  	s7 =	smul.u32 @!p0 $0xF7A, s2;
	p2 =	seq.s32 @!p0 s5, $0x0  }
0x1f: {  	s9 =	smul.u32 $0xF7A, s1;
	s8 =	simm.s32 @!p0 $0x1BF5;
	p2 =	por !p2, p0  }
0x20: {  	[sflag:s8] =	ssyncset.s32 @!p0 $0xFFFFF086;
	s6 =	sadd.s32 @!p0 s3, s7;
	s7 =	simm.s32 @!p0 $0x108  }
0x21: {  	s3 =	sadd.s32 s3, s9;
	s6 =	sadd.s32 @!p0 $0x88, s6;
	s7 =	simm.s32 @p2 $0x1082  }
0x22: {  	[simem:s7], [sflag:s8] =	dma.local @!p0 [hbm:s6], $0xF7A  }
0x23: {  	s9 =	sor.u32 $0xD0000000, s2;
	s6 =	simm.s32 $0x108;
	_ =	swait.ge @!p0 [sflag:s8], $0x0  }
0x24: {  	s3 =	sadd.s32 $0x88, s3;
	s6 =	simm.s32 @!p1 $0x1082;
	[sflag:s4] =	ssyncset.s32 $0xFFFFF086  }
0x25: {  	[simem:s6], [sflag:s4] =	dma.local [hbm:s3], $0xF7A  }
0x26: {  	[smem:$0x3F96] =	sst s1;
	(tag) =	ssettag s2;
	_ =	strace s9  }
0x27: {  	s1 =	sld [smem:$0x3FA6]  }
0x28: {  	s2 =	sld [smem:$0x3FA7]  }
0x29: {  	s4 =	sld [smem:$0x3FA9]  }
0x2a: {  	p0 =	seq.s32 s5, $0x0;
	s5 =	sld [smem:$0x3FAA]  }
0x2b: {  	s6 =	sld [smem:$0x3FAB]  }
0x2c: {  	s7 =	sld [smem:$0x3FAC]  }
0x2d: {  	s3 =	simm.s32 $0x108;
	s8 =	sld [smem:$0x3FAD]  }
0x2e: {  	s3 =	simm.s32 @!p0 $0x1082;
	s9 =	sld [smem:$0x3FAE]  }
0x2f: {  	lr =	sadd.s32 s0, s3;
	s0 =	sld [smem:$0x3FA5]  }
0x30: {  	s3 =	sld [smem:$0x3FA8]  }
0x31: {  	[smem:$0x3FB1] =	sst s10  }
0x32: {  	s10 =	sld [smem:$0x3FAF];
	_ =	sdelay $0x3  }
0x33: {  	p0 =	seq.s32 s10, $0x1;
	s10 =	sld [smem:$0x3FB1];
	_ =	sdelay $0x3  }
0x34: {  	[smem:$0x3FB1] =	sst s10  }
0x35: {  	s10 =	sld [smem:$0x3FB0];
	_ =	sdelay $0x3  }
0x36: {  	p1 =	seq.s32 s10, $0x1;
	s10 =	sld [smem:$0x3FB1];
	_ =	sdelay $0x3  }
0x37: {  	[smem:$0x3FB1] =	sst s10  }
0x38: {  	s10 =	sld [smem:$0x3FB2]  }
0x39: {  	_ = 	snop;
	(pc) =	sbr.ind lr, $3  }
0x3a: {  	_ = 	snop  }
0x3b: {  	_ = 	snop  }
0x3c: {  	p2 =	seq.s32 s10, $0x1;
	s10 =	sld [smem:$0x3FB1]  }
0x3d: {  	_ =	shalt  }
0x3e: {  	_ =	shalt  }
0x3f: {  	_ =	shalt  }
0x40: {  	_ =	shalt  }
0x41: {  	_ =	shalt  }
0x42: {  	_ =	shalt  }
0x43: {  	_ =	shalt  }
0x44: {  	_ =	shalt  }
0x45: {  	_ =	shalt  }
0x46: {  	_ =	shalt  }
0x47: {  	_ =	shalt  }
0x48: {  	_ =	shalt  }
0x49: {  	_ =	shalt  }
0x4a: {  	_ =	shalt  }
0x4b: {  	_ =	shalt  }
0x4c: {  	_ =	shalt  }
0x4d: {  	_ =	shalt  }
0x4e: {  	_ =	shalt  }
0x4f: {  	_ =	shalt  }
0x50: {  	_ =	shalt  }
0x51: {  	_ =	shalt  }
0x52: {  	_ =	shalt  }
0x53: {  	_ =	shalt  }
0x54: {  	_ =	shalt  }
0x55: {  	_ =	shalt  }
0x56: {  	_ =	shalt  }
0x57: {  	_ =	shalt  }
0x58: {  	_ =	shalt  }
0x59: {  	_ =	shalt  }
0x5a: {  	_ =	shalt  }
0x5b: {  	_ =	shalt  }
0x5c: {  	_ =	shalt  }
0x5d: {  	_ =	shalt  }
0x5e: {  	_ =	shalt  }
0x5f: {  	_ =	shalt  }
0x60: {  	_ =	shalt  }
0x61: {  	_ =	shalt  }
0x62: {  	_ =	shalt  }
0x63: {  	_ =	shalt  }
0x64: {  	_ =	shalt  }
0x65: {  	_ =	shalt  }
0x66: {  	_ =	shalt  }
0x67: {  	_ =	shalt  }
0x68: {  	_ =	shalt  }
0x69: {  	_ =	shalt  }
0x6a: {  	_ =	shalt  }
0x6b: {  	_ =	shalt  }
0x6c: {  	_ =	shalt  }
0x6d: {  	_ =	shalt  }
0x6e: {  	_ =	shalt  }
0x6f: {  	_ =	shalt  }
0x70: {  	_ =	shalt  }
0x71: {  	_ =	shalt  }
0x72: {  	_ =	shalt  }
0x73: {  	_ =	shalt  }
0x74: {  	_ =	shalt  }
0x75: {  	_ =	shalt  }
0x76: {  	_ =	shalt  }
0x77: {  	_ =	shalt  }
0x78: {  	_ =	shalt  }
0x79: {  	_ =	shalt  }
0x7a: {  	_ =	shalt  }
0x7b: {  	_ =	shalt  }
0x7c: {  	_ =	shalt  }
0x7d: {  	_ =	shalt  }
0x7e: {  	_ =	shalt  }
0x7f: {  	_ =	shalt  }
0x80: {  	_ =	shalt  }
0x81: {  	_ =	shalt  }
0x82: {  	_ =	shalt  }
0x83: {  	_ =	shalt  }
0x84: {  	_ =	shalt  }
0x85: {  	_ =	shalt  }
0x86: {  	_ =	shalt  }
0x87: {  	_ =	shalt  }
.Lfunc_end0:
.L_simem_size_0:
called_computation_lowered:
.L_overlay_start_0:
0x88: {  	s2 =	sld [smem:$0x3FD9]  }
0x89: {  	s3 =	sld [smem:$0x3FFE];
	_ =	sdelay $0x1  }
0x8a: {  	s1 =	srdreg.scid  }
0x8b: {  	s0 =	sand.u32 $0x1, s1  }
0x8c: {  	s17 =	sshll.u32 s0, $0xA;
	s2 =	sadd.s32 s3, s2  }
0x8d: {  	s2 =	sadd.s32 s2, s17  }
0x8e: {  	[smem:$0x3FBD] =	sst s2  }
0x8f: {  	_ = 	snop  }
0x90: {  	s2 =	sld [smem:$0x3FD0];
	(tm) =	ssettm $0x1  }
0x91: {  	s18 =	sld [smem:$0x3FFB];
	_ =	sdelay $0x3  }
0x92: {  	_ =	strace s18  }
0x93: {  	s3 =	sld [smem:$0x3FFC];
	_ =	sdelay $0x3  }
0x94: {  	_ =	strace s3  }
0x95: {  	s3 =	sld [smem:$0x3FFD];
	_ =	sdelay $0x3  }
0x96: {  	_ =	strace s3  }
0x97: {  	_ =	strace $0x8FFFFFFF  }
0x98: {  	s19 =	sld [smem:$0x3FDB];
	_ =	sdelay $0x1  }
0x99: {  	s4 =	simm.s32 $_scs_section_size  }
0x9a: {  	s5 =	simm.s32 $_size__tile_overlayer_lowered;
	s6 =	simm.s32 $_tile_overlayer_lowered  }
0x9b: {  	s22 =	simm.s32 $0x1BFF;
	s21 =	sshll.u32 s6, $0x1;
	s3 =	sadd.s32 s4, s19  }
0x9c: {  	s7 =	simm.s32 $0x0;
	s20 =	sshll.u32 s5, $0x1;
	s5 =	sadd.s32 s21, s3  }
0x9d: {  	[timem:s7], [sflag:s22] =	dma.local [hbm:s5], s20  }
0x9e: {  	_ =	swait.ge [sflag:s22], s20  }
0x9f: {  	s4 =	ssub.s32 $0x0, s20;
	[sflag:s22] =	ssyncset.done $0x0  }
0xa0: {  	[sflag:s22] =	ssyncadd.s32 s4;
	_ =	sdelay $0x1  }
0xa1: {  	s23 =	simm.s32 $0x1B8B  }
0xa2: {  	_ =	swait.ge [sflag:s23], $0x1  }
0xa3: {  	[sflag:s23] =	ssyncset.done $0x0  }
0xa4: {  	s25 =	simm.s32 $0x1B8E;
	s24 =	sld [smem:$0x3FFE];
	[sflag:s23] =	ssyncadd.s32 $0xFFFFFFFF  }
0xa5: {  	s26 =	simm.s32 $execute0_lowered;
	[smem:$0x3FD2] =	sst s25  }
0xa6: {  	s5 =	sshll.u32 s26, $0x1;
	_ =	strace $0x80000046;
	[dreg:$0x1] =	wrdreg $0xFFFFFFFF  }
0xa7: {  	s28 =	simm.s32 $_size_execute0_lowered;
	s3 =	sadd.s32 s3, s5;
	[dreg:$0x0] =	wrdreg $0x0  }
0xa8: {  	s5 =	sshll.u32 s28, $0x1;
	[dreg:$0x2] =	wrdreg s3  }
0xa9: {  	[dreg:$0x3] =	wrdreg s5  }
0xaa: {  	[dreg:$0x4] =	wrdreg $0xC0  }
0xab: {  	_ =	task [dreg:s7], $0x5FFFF  }
0xac: {  	[dreg:$0x1] =	wrdreg $0xFFFFFFFF  }
0xad: {  	[dreg:$0x0] =	wrdreg $0x60  }
0xae: {  	[dreg:$0x2] =	wrdreg s24  }
0xaf: {  	[dreg:$0x3] =	wrdreg s2  }
0xb0: {  	[dreg:$0x4] =	wrdreg $0x9  }
0xb1: {  	_ =	task.clear_ibuf [dreg:s7], $0x5FFFF;
	_ =	strace $0x90000046  }
0xb2: {  	s29 =	simm.s32 $0x9;
	_ =	strace $0x80000048  }
0xb3: {  	_ =	swait.ge [sflag:s29], $0x1  }
0xb4: {  	[sflag:s29] =	ssyncadd.s32 $0xFFFFFFFF  }
0xb5: {  	_ =	strace $0x90000048  }
0xb6: {  	_ =	sfence  }
0xb7: {  	s30 =	sld [smem:$0x0];
	_ =	sdelay $0x2  }
0xb8: {  	s31 =	sshll.u32 s1, $0xD;
	s1 =	sshrl.u32 s1, $0x2  }
0xb9: {  	s3 =	sand.u32 $0x4000, s31;
	s1 =	sadd.s32 s1, s30  }
0xba: {  	s0 =	sor.u32 s3, s0;
	s1 =	sshll.u32 s1, $0x11  }
0xbb: {  	s0 =	sor.u32 s1, s0  }
0xbc: {  	s0 =	sadd.s32 $0x8F2B, s0  }
0xbd: {  	[sflag:s0] =	ssyncadd.remote.s32 $0x1  }
0xbe: {  	_ =	sfence.sel $0xFFFF  }
0xbf: {  	[dreg:$0x0] =	wrdreg $0xFFFFFFFF;
	(pc) =	sbr.abs _section_cstart, $3  }
0xc0: {  	[dreg:$0x1] =	wrdreg $0xFFFFFFFF  }
0xc1: {  	_ =	task.clear_ibuf [dreg:s7], $0x2FFFF;
	_ =	strace $0x9FFFFFFF  }
0xc2: {  	(tm) =	ssettm $0x7FFFFFFF  }
0xc3: {  	_ =	shalt  }
tec
execute0_lowered:
.L_overlay_start_1:
0x0: {  	(tag) =	ssettag $0x1  }
0x1: {  	s1 =	srdreg.scid  }
0x2: {  	s8 =	rddreg [dreg:$0x0];
	s0 =	stileid.u32;
	s10 =	sand.u32 $0x1, s1  }
0x3: {  	s2 =	rddreg [dreg:$0x1];
	s4 =	sshll.u32 s0, $0xB;
	s5 =	sshll.u32 s10, $0xA  }
0x4: {  	s3 =	simm.s32 $0x0;
	s1 =	rddreg [dreg:$0x2];
	s9 =	sor.u32 s5, s4  }
0x5: {  	[smem:$0x7FF] =	sst s3;
	s11 =	sadd.s32 $0x1E00, s8;
	s4 =	sshrl.u32 s9, $0x3  }
0x6: {  	_ =	strace $0x80000047;
	s5 =	sadd.s32 s11, s4;
	s4 =	simm.s32 $0x2  }
0x7: {  	[tilespmem:s3], [sflag:$0x2] =	stream.linear.gather [hbm4b:s5+s3], $0x200, $0x38;
	[tilespmem:$0x10200] =	vst v63  }
0x8: {  	_ =	swait.ge [sflag:s4], $0x200  }
0x9: {  	[sflag:s4] =	ssyncset.done $0x0  }
0xa: {  	s6 =	simm.s32 $0x200;
	s7 =	simm.s32 $0x1;
	[sflag:s4] =	ssyncadd.s32 $0xFFFFFE00  }
0xb: {  	[tilespmem:s6], [sflag:$0x1] =	stream.indirect.gather [hbm4b:s2+s6], $0x80, s3, s6, $0xb8;
	[tilespmem:$0x10200] =	vst v63  }
0xc: {  	_ =	swait.ge [sflag:s7], $0x10000  }
0xd: {  	s12 =	sadd.s32 $0x2E00, s8;
	s29 =	sshll.u32 s9, $0x4;
	[sflag:s7] =	ssyncset.done $0x0  }
0xe: {  	s8 =	sadd.s32 s12, s29;
	[sflag:s7] =	ssyncadd.s32 $0xFFFF0000  }
0xf: {  	[hbm4b:s8+s3] =	stream.linear.scatter [tilespmem:s6], [sflag:$0x2], $0x10000, $0x38;
	[tilespmem:$0x10200] =	vst v63  }
0x10: {  	s13 =	sor.u32 $0x200, s9;
	_ =	swait.ge [sflag:s4], $0x10000  }
0x11: {  	s9 =	sshrl.u32 s13, $0x3;
	[sflag:s4] =	ssyncset.done $0x0  }
0x12: {  	s10 =	ssub.s32 $0x2, s10;
	s9 =	sadd.s32 s11, s9;
	[sflag:s4] =	ssyncadd.s32 $0xFFFF0000  }
0x13: {  	[tilespmem:s3], [sflag:$0x2] =	stream.linear.gather [hbm4b:s9+s3], $0x200, $0x38;
	[tilespmem:$0x10200] =	vst v63  }
0x14: {  	s30 =	sshrl.u32 s10, $0x1;
	_ =	swait.ge [sflag:s4], $0x200  }
0x15: {  	s11 =	ssub.s32 s10, s30;
	[sflag:s4] =	ssyncset.done $0x0  }
0x16: {  	s11 =	smax.u32 s11, $0x1;
	[sflag:s4] =	ssyncadd.s32 $0xFFFFFE00  }
0x17: {  	[tilespmem:s6], [sflag:$0x1] =	stream.indirect.gather [hbm4b:s2+s6], $0x80, s3, s6, $0xb8;
	[tilespmem:$0x10200] =	vst v63  }
0x18: {  	p0 =	sne.s32 s11, $0x1;
	_ =	swait.ge [sflag:s7], $0x10000  }
.Ltmp0:
0x19: {  	s31 =	sshll.u32 s13, $0x4;
	[sflag:s7] =	ssyncset.done $0x0;
	(pc) =	sbr.rel @!p0 .LBB2_2-.Ltmp0, $4  }
0x1a: {  	s10 =	sadd.s32 s12, s31;
	[sflag:s7] =	ssyncadd.s32 $0xFFFF0000  }
0x1b: {  	[hbm4b:s10+s3] =	stream.linear.scatter [tilespmem:s6], [sflag:$0x2], $0x10000, $0x38;
	[tilespmem:$0x10200] =	vst v63  }
0x1c: {  	_ =	swait.ge [sflag:s4], $0x10000  }
0x1d: {  	s11 =	sadd.s32 $0xFFFFFFFF, s11;
	[sflag:s4] =	ssyncset.done $0x0  }
.LBB2_1:
0x1e: {  	p0 =	sne.s32 s11, $0x1;
	s11 =	sadd.s32 $0xFFFFFFFF, s11;
	[sflag:s4] =	ssyncadd.s32 $0xFFFF0000  }
0x1f: {  	[tilespmem:s3], [sflag:$0x2] =	stream.linear.gather [hbm4b:s5+s3], $0x200, $0x38;
	[tilespmem:$0x10200] =	vst v63  }
0x20: {  	_ =	swait.ge [sflag:s4], $0x200  }
0x21: {  	[sflag:s4] =	ssyncset.done $0x0  }
0x22: {  	[sflag:s4] =	ssyncadd.s32 $0xFFFFFE00  }
0x23: {  	[tilespmem:s6], [sflag:$0x1] =	stream.indirect.gather [hbm4b:s2+s6], $0x80, s3, s6, $0xb8;
	[tilespmem:$0x10200] =	vst v63  }
0x24: {  	_ =	swait.ge [sflag:s7], $0x10000  }
0x25: {  	[sflag:s7] =	ssyncset.done $0x0  }
0x26: {  	[sflag:s7] =	ssyncadd.s32 $0xFFFF0000  }
0x27: {  	[hbm4b:s8+s3] =	stream.linear.scatter [tilespmem:s6], [sflag:$0x2], $0x10000, $0x38;
	[tilespmem:$0x10200] =	vst v63  }
0x28: {  	_ =	swait.ge [sflag:s4], $0x10000  }
0x29: {  	[sflag:s4] =	ssyncset.done $0x0  }
0x2a: {  	[sflag:s4] =	ssyncadd.s32 $0xFFFF0000  }
0x2b: {  	[tilespmem:s3], [sflag:$0x2] =	stream.linear.gather [hbm4b:s9+s3], $0x200, $0x38;
	[tilespmem:$0x10200] =	vst v63  }
0x2c: {  	_ =	swait.ge [sflag:s4], $0x200  }
0x2d: {  	[sflag:s4] =	ssyncset.done $0x0  }
0x2e: {  	[sflag:s4] =	ssyncadd.s32 $0xFFFFFE00  }
0x2f: {  	[tilespmem:s6], [sflag:$0x1] =	stream.indirect.gather [hbm4b:s2+s6], $0x80, s3, s6, $0xb8;
	[tilespmem:$0x10200] =	vst v63  }
0x30: {  	_ =	swait.ge [sflag:s7], $0x10000  }
.Ltmp1:
0x31: {  	[sflag:s7] =	ssyncset.done $0x0;
	(pc) =	sbr.rel @p0 .LBB2_1-.Ltmp1, $4  }
0x32: {  	[sflag:s7] =	ssyncadd.s32 $0xFFFF0000  }
0x33: {  	[hbm4b:s10+s3] =	stream.linear.scatter [tilespmem:s6], [sflag:$0x2], $0x10000, $0x38;
	[tilespmem:$0x10200] =	vst v63  }
0x34: {  	_ =	swait.ge [sflag:s4], $0x10000  }
0x35: {  	[sflag:s4] =	ssyncset.done $0x0  }
.LBB2_2:
0x36: {  	[sflag:s4] =	ssyncadd.s32 $0xFFFF0000  }
0x37: {  	_ =	sfence.sel $0x180000  }
0x38: {  	[bflag:$0x0] =	sbarrier.arrive $0xFFFF  }
0x39: {  	p0 =	sne.s32 s0, $0x0;
	_ =	strace $0x90000047  }
0x3a: {  	s0 =	sadd.s32 @!p0 $0x100000, s1;
	[bflag:$0x2] =	sbarrier.arrive $0xFFFF  }
0x3b: {  	[sflag:s0] =	ssyncadd.tile.s32 @!p0 $0x1;
	_ =	shalt  }
.Lfunc_end2:
_tile_overlayer_lowered:
.L_overlay_start_2:
0x3c: {  	(tag) =	ssettag $0x2  }
0x3d: {  	s0 =	rddreg [dreg:$0x0];
	s2 =	stileid.u32  }
0x3e: {  	s1 =	rddreg [dreg:$0x1];
	p0 =	sne.s32 s2, $0x0  }
0x3f: {  	s3 =	rddreg [dreg:$0x2];
	[bflag:$0x3] =	sbarrier.arrive $0xFFFF;
	s2 =	simm.s32 @!p0 $0x1C02  }
0x40: {  	[timem:s3], [sflag:s2] =	dma.local @!p0 [hbm:s0], s1  }
0x41: {  	s0 =	simm.s32 @!p0 $0x2  }
0x42: {  	_ =	swait.ge @!p0 [sflag:s0], s1  }
0x43: {  	s1 =	ssub.s32 @!p0 $0x0, s1;
	[sflag:s0] =	ssyncset.done @!p0 $0x0  }
0x44: {  	[sflag:s0] =	ssyncadd.s32 @!p0 s1  }
0x45: {  	[bflag:$0x3] =	sbarrier.arrive $0xFFFF  }
0x46: {  	_ =	shalt  }

</sc_bundles>
